<compile_context>
chip_gen: v7x
topology: tpu7x:2x2x1
jax: 0.10.2.dev20260603
libtpu: 0.0.44.dev20260713+nightly
codegen_flags: <defaults>
</compile_context>

<pallas_src>
import jax
import jax.numpy as jnp
from jax import lax
from jax.experimental import pallas as pl
from jax.experimental.pallas import tpu as pltpu
from jax.experimental.pallas import tpu_sc as plsc

B = 16384
D = 128
K = D // 2

_NC = 2
_NS = 16
_NW = _NC * _NS
_ROWS_PER_W = B // _NW
_C = 128
_NCHUNK = _ROWS_PER_W // _C
_G = _C // 16
_NBUF = 2
_PITCH = 17


def _body(h_hbm, r_id_hbm, t_hbm, rel_hbm, out_hbm,
          idx_all, out_all, tsc_v,
          h_v0, t_v0, rows_v0, h_v1, t_v1, rows_v1,
          sem_h0, sem_t0, sem_r0, sem_h1, sem_t1, sem_r1):
    wid = lax.axis_index("s") * _NC + lax.axis_index("c")
    lanes = lax.iota(jnp.int32, 16)
    base = wid * _ROWS_PER_W

    bufs = ((h_v0, t_v0, rows_v0, sem_h0, sem_t0, sem_r0),
            (h_v1, t_v1, rows_v1, sem_h1, sem_t1, sem_r1))

    def issue_ht(c):
        h_v, t_v, _, sem_h, sem_t, _ = bufs[c % _NBUF]
        cbase = base + c * _C
        hh = pltpu.async_copy(h_hbm.at[pl.ds(cbase * D, _C * D)], h_v, sem_h)
        ht = pltpu.async_copy(t_hbm.at[pl.ds(cbase * D, _C * D)], t_v, sem_t)
        return hh, ht

    def issue_rel(c):
        _, _, rows_v, _, _, sem_r = bufs[c % _NBUF]
        return pltpu.async_copy(
            rel_hbm.at[idx_all.at[pl.ds(c * _C, _C)]], rows_v, sem_r)

    ht0 = issue_ht(0)
    pltpu.sync_copy(r_id_hbm.at[pl.ds(base, _ROWS_PER_W)], idx_all)
    handles = [ht0 + (issue_rel(0),)]

    for c in range(_NCHUNK):
        h_v, t_v, rows_v = bufs[c % _NBUF][:3]
        if c + 1 < _NCHUNK:
            handles.append(issue_ht(c + 1) + (issue_rel(c + 1),))
        for hd in handles.pop(0):
            hd.wait()

        @plsc.parallel_loop(0, _C, unroll=4)
        def row_body(r):
            row = r * D
            acc1 = None
            acc2 = None
            for j in range(4):
                lo = row + 16 * j
                hi = lo + K
                hr = h_v[pl.ds(lo, 16)]
                him = h_v[pl.ds(hi, 16)]
                tr = t_v[pl.ds(lo, 16)]
                ti = t_v[pl.ds(hi, 16)]
                rr = rows_v[r, pl.ds(16 * j, 16)]
                ri = rows_v[r, pl.ds(K + 16 * j, 16)]
                t1 = rr * (hr * tr + him * ti)
                t2 = ri * (hr * ti - him * tr)
                acc1 = t1 if acc1 is None else acc1 + t1
                acc2 = t2 if acc2 is None else acc2 + t2
            tsc_v[pl.ds(r * _PITCH, 16)] = acc1 + acc2

        @plsc.parallel_loop(0, _G, unroll=2)
        def red_body(g):
            col_base = (g * 16 + lanes) * _PITCH
            parts = [plsc.load_gather(tsc_v, [col_base + j]) for j in range(16)]
            while len(parts) > 1:
                parts = [a + b for a, b in zip(parts[::2], parts[1::2])]
            out_all[pl.ds(c * _C + g * 16, 16)] = parts[0]

    pltpu.sync_copy(out_all, out_hbm.at[pl.ds(base, _ROWS_PER_W)])


@jax.jit
def _complex_score(h, r_id, t, rel_weight):
    mesh = plsc.VectorSubcoreMesh(core_axis_name="c", subcore_axis_name="s")
    return pl.kernel(
        _body,
        mesh=mesh,
        compiler_params=pltpu.CompilerParams(needs_layout_passes=False),
        out_type=jax.ShapeDtypeStruct((B,), jnp.float32),
        scratch_types=[
            pltpu.VMEM((_ROWS_PER_W,), jnp.int32),
            pltpu.VMEM((_ROWS_PER_W,), jnp.float32),
            pltpu.VMEM((_C * _PITCH,), jnp.float32),
            pltpu.VMEM((_C * D,), jnp.float32),
            pltpu.VMEM((_C * D,), jnp.float32),
            pltpu.VMEM((_C, D), jnp.float32),
            pltpu.VMEM((_C * D,), jnp.float32),
            pltpu.VMEM((_C * D,), jnp.float32),
            pltpu.VMEM((_C, D), jnp.float32),
            pltpu.SemaphoreType.DMA,
            pltpu.SemaphoreType.DMA,
            pltpu.SemaphoreType.DMA,
            pltpu.SemaphoreType.DMA,
            pltpu.SemaphoreType.DMA,
            pltpu.SemaphoreType.DMA,
        ],
    )(h.reshape(B * D), r_id, t.reshape(B * D), rel_weight)


def kernel(h, r_id, t, rel_weight):
    return _complex_score(h, r_id, t, rel_weight)

# --- scband reference (transcript-rebuilt; emitter-appended) ---
"""Pipeline reference for scband-compl-ex-84731114816226 (READ-ONLY COPY).

The authoritative reference and input builder live on the scoring server;
editing this copy changes nothing except your own understanding.
"""

import jax, jax.numpy as jnp
import numpy as np

B = 16384
D = 128
R = 100000


def setup_inputs(seed: int = 0) -> dict:
    key = jax.random.key(seed)
    k1, k2, k3, k4 = jax.random.split(key, 4)
    h = jax.random.normal(k1, (B, D), dtype=jnp.float32)
    t = jax.random.normal(k2, (B, D), dtype=jnp.float32)
    r_id = jax.random.randint(k3, (B,), 0, R, dtype=jnp.int32)
    # xavier_uniform init for rel embedding table [R, D]
    limit = float(np.sqrt(6.0 / (R + D)))
    rel_weight = jax.random.uniform(k4, (R, D), dtype=jnp.float32, minval=-limit, maxval=limit)
    return {"h": h, "r_id": r_id, "t": t, "rel_weight": rel_weight}


def reference(h, r_id, t, rel_weight):
    # ComplEx score: Re(<h, r, conj(t)>)
    k = D // 2
    r = jnp.take(rel_weight, r_id, axis=0)  # embedding lookup [B, D]
    hr, hi = h[:, :k], h[:, k:]
    rr, ri = r[:, :k], r[:, k:]
    tr, ti = t[:, :k], t[:, k:]
    re1 = hr * rr - hi * ri
    re2 = hr * ri + hi * rr
    score = (re1 * tr + re2 * ti).sum(axis=-1)
    return score

if __name__ == "__main__":
    import jax
    _d = setup_inputs()
    print(jax.jit(kernel)(*tuple(_d.values())))

</pallas_src>

<mosaic_0001>
#map = affine_map<(d0, d1) -> (0)>
#map1 = affine_map<(d0, d1) -> (0, 0)>
module attributes {stable_mosaic.version = 14 : i64} {
  func.func @_body(%arg0: i32, %arg1: i32, %arg2: memref<2097152xf32, #tpu.memory_space<hbm>>, %arg3: memref<16384xi32, #tpu.memory_space<hbm>>, %arg4: memref<2097152xf32, #tpu.memory_space<hbm>>, %arg5: memref<100000x128xf32, #tpu.memory_space<hbm>>, %arg6: memref<16384xf32, #tpu.memory_space<hbm>>, %arg7: memref<512xi32, #tpu.memory_space<vmem>>, %arg8: memref<512xf32, #tpu.memory_space<vmem>>, %arg9: memref<2176xf32, #tpu.memory_space<vmem>>, %arg10: memref<16384xf32, #tpu.memory_space<vmem>>, %arg11: memref<16384xf32, #tpu.memory_space<vmem>>, %arg12: memref<128x128xf32, #tpu.memory_space<vmem>>, %arg13: memref<16384xf32, #tpu.memory_space<vmem>>, %arg14: memref<16384xf32, #tpu.memory_space<vmem>>, %arg15: memref<128x128xf32, #tpu.memory_space<vmem>>, %arg16: memref<!tpu.dma_semaphore, #tpu.memory_space<semaphore_mem>>, %arg17: memref<!tpu.dma_semaphore, #tpu.memory_space<semaphore_mem>>, %arg18: memref<!tpu.dma_semaphore, #tpu.memory_space<semaphore_mem>>, %arg19: memref<!tpu.dma_semaphore, #tpu.memory_space<semaphore_mem>>, %arg20: memref<!tpu.dma_semaphore, #tpu.memory_space<semaphore_mem>>, %arg21: memref<!tpu.dma_semaphore, #tpu.memory_space<semaphore_mem>>) attributes {dimension_semantics = [#tpu.dimension_semantics<core_parallel>, #tpu.dimension_semantics<subcore_parallel>], iteration_bounds = array<i64: 2, 16>, scalar_prefetch = 0 : i64, scratch_operands = 15 : i64, tpu.core_type = #tpu.core_type<sc_vector_subcore>, window_params = [{transform_indices = #map}, {transform_indices = #map}, {transform_indices = #map}, {transform_indices = #map1}, {transform_indices = #map}]} {
    %mul3A = arith.constant 2 : i32
    %mul3A_0 = arith.muli %arg1, %mul3A : i32
    %add3A = arith.addi %mul3A_0, %arg0 : i32
    %iota3A = tpu.iota {dimensions = array<i32: 0>} : vector<16xi32>
    %mul3A_1 = arith.constant 512 : i32
    %mul3A_2 = arith.muli %add3A, %mul3A_1 : i32
    %add3A_3 = arith.constant 0 : i32
    %add3A_4 = arith.addi %mul3A_2, %add3A_3 : i32
    %mul3A_5 = arith.constant 128 : i32
    %mul3A_6 = arith.muli %add3A_4, %mul3A_5 : i32
    %dma_start3A = tpu.memref_slice %arg2[%mul3A_6] : memref<2097152xf32, #tpu.memory_space<hbm>> -> memref<16384xf32, #tpu.memory_space<hbm>>
    %dma_start3A_7 = tpu.memref_slice %arg2[%mul3A_6] : memref<2097152xf32, #tpu.memory_space<hbm>> -> memref<16384xf32, #tpu.memory_space<hbm>>
    tpu.enqueue_dma source(%dma_start3A_7 : memref<16384xf32, #tpu.memory_space<hbm>>) target(%arg10 : memref<16384xf32, #tpu.memory_space<vmem>>) target_semaphore(%arg16 : memref<!tpu.dma_semaphore, #tpu.memory_space<semaphore_mem>>)
    %mul3A_8 = arith.constant 128 : i32
    %mul3A_9 = arith.muli %add3A_4, %mul3A_8 : i32
    %dma_start3A_10 = tpu.memref_slice %arg4[%mul3A_9] : memref<2097152xf32, #tpu.memory_space<hbm>> -> memref<16384xf32, #tpu.memory_space<hbm>>
    %dma_start3A_11 = tpu.memref_slice %arg4[%mul3A_9] : memref<2097152xf32, #tpu.memory_space<hbm>> -> memref<16384xf32, #tpu.memory_space<hbm>>
    tpu.enqueue_dma source(%dma_start3A_11 : memref<16384xf32, #tpu.memory_space<hbm>>) target(%arg11 : memref<16384xf32, #tpu.memory_space<vmem>>) target_semaphore(%arg17 : memref<!tpu.dma_semaphore, #tpu.memory_space<semaphore_mem>>)
    "tpu.region"() ({
      %run_scoped3A = tpu.sem_alloc : memref<!tpu.dma_semaphore, #tpu.memory_space<semaphore_mem>>
      %dma_start3A_120 = tpu.memref_slice %arg3[%mul3A_2] : memref<16384xi32, #tpu.memory_space<hbm>> -> memref<512xi32, #tpu.memory_space<hbm>>
      %dma_start3A_121 = tpu.memref_slice %arg3[%mul3A_2] : memref<16384xi32, #tpu.memory_space<hbm>> -> memref<512xi32, #tpu.memory_space<hbm>>
      tpu.enqueue_dma source(%dma_start3A_121 : memref<512xi32, #tpu.memory_space<hbm>>) target(%arg7 : memref<512xi32, #tpu.memory_space<vmem>>) target_semaphore(%run_scoped3A : memref<!tpu.dma_semaphore, #tpu.memory_space<semaphore_mem>>)
      %dma_wait3A_122 = tpu.memref_slice %arg3[%mul3A_2] : memref<16384xi32, #tpu.memory_space<hbm>> -> memref<512xi32, #tpu.memory_space<hbm>>
      %dma_wait3A_123 = tpu.memref_slice %arg3[%mul3A_2] : memref<16384xi32, #tpu.memory_space<hbm>> -> memref<512xi32, #tpu.memory_space<hbm>>
      tpu.wait_dma2 semaphore(%run_scoped3A : memref<!tpu.dma_semaphore, #tpu.memory_space<semaphore_mem>>) src(%dma_wait3A_123 : memref<512xi32, #tpu.memory_space<hbm>>) dst(%arg7 : memref<512xi32, #tpu.memory_space<vmem>>)
      tpu.yield
    }) : () -> ()
    %dma_start3A_12 = arith.constant 0 : i32
    %dma_start3A_13 = tpu.memref_slice %arg7[%dma_start3A_12] : memref<512xi32, #tpu.memory_space<vmem>> -> memref<128xi32, #tpu.memory_space<vmem>>
    %dma_start3A_14 = arith.constant 0 : i32
    %dma_start3A_15 = arith.constant 0 : i32
    %dma_start3A_16 = tpu.memref_slice %arg5[%dma_start3A_14, %dma_start3A_15] : memref<100000x128xf32, #tpu.memory_space<hbm>> -> memref<100000x128xf32, #tpu.memory_space<hbm>>
    tpu.enqueue_indirect_dma source(%dma_start3A_16 : memref<100000x128xf32, #tpu.memory_space<hbm>>) target(%arg12 : memref<128x128xf32, #tpu.memory_space<vmem>>) offsets(%dma_start3A_13 : memref<128xi32, #tpu.memory_space<vmem>>) semaphore(%arg18 : memref<!tpu.dma_semaphore, #tpu.memory_space<semaphore_mem>>)
    %add3A_17 = arith.constant 128 : i32
    %add3A_18 = arith.addi %mul3A_2, %add3A_17 : i32
    %mul3A_19 = arith.constant 128 : i32
    %mul3A_20 = arith.muli %add3A_18, %mul3A_19 : i32
    %dma_start3A_21 = tpu.memref_slice %arg2[%mul3A_20] : memref<2097152xf32, #tpu.memory_space<hbm>> -> memref<16384xf32, #tpu.memory_space<hbm>>
    %dma_start3A_22 = tpu.memref_slice %arg2[%mul3A_20] : memref<2097152xf32, #tpu.memory_space<hbm>> -> memref<16384xf32, #tpu.memory_space<hbm>>
    tpu.enqueue_dma source(%dma_start3A_22 : memref<16384xf32, #tpu.memory_space<hbm>>) target(%arg13 : memref<16384xf32, #tpu.memory_space<vmem>>) target_semaphore(%arg19 : memref<!tpu.dma_semaphore, #tpu.memory_space<semaphore_mem>>)
    %mul3A_23 = arith.constant 128 : i32
    %mul3A_24 = arith.muli %add3A_18, %mul3A_23 : i32
    %dma_start3A_25 = tpu.memref_slice %arg4[%mul3A_24] : memref<2097152xf32, #tpu.memory_space<hbm>> -> memref<16384xf32, #tpu.memory_space<hbm>>
    %dma_start3A_26 = tpu.memref_slice %arg4[%mul3A_24] : memref<2097152xf32, #tpu.memory_space<hbm>> -> memref<16384xf32, #tpu.memory_space<hbm>>
    tpu.enqueue_dma source(%dma_start3A_26 : memref<16384xf32, #tpu.memory_space<hbm>>) target(%arg14 : memref<16384xf32, #tpu.memory_space<vmem>>) target_semaphore(%arg20 : memref<!tpu.dma_semaphore, #tpu.memory_space<semaphore_mem>>)
    %dma_start3A_27 = arith.constant 128 : i32
    %dma_start3A_28 = tpu.memref_slice %arg7[%dma_start3A_27] : memref<512xi32, #tpu.memory_space<vmem>> -> memref<128xi32, #tpu.memory_space<vmem>>
    %dma_start3A_29 = arith.constant 0 : i32
    %dma_start3A_30 = arith.constant 0 : i32
    %dma_start3A_31 = tpu.memref_slice %arg5[%dma_start3A_29, %dma_start3A_30] : memref<100000x128xf32, #tpu.memory_space<hbm>> -> memref<100000x128xf32, #tpu.memory_space<hbm>>
    tpu.enqueue_indirect_dma source(%dma_start3A_31 : memref<100000x128xf32, #tpu.memory_space<hbm>>) target(%arg15 : memref<128x128xf32, #tpu.memory_space<vmem>>) offsets(%dma_start3A_28 : memref<128xi32, #tpu.memory_space<vmem>>) semaphore(%arg21 : memref<!tpu.dma_semaphore, #tpu.memory_space<semaphore_mem>>)
    %dma_wait3A = tpu.memref_slice %arg2[%mul3A_6] : memref<2097152xf32, #tpu.memory_space<hbm>> -> memref<16384xf32, #tpu.memory_space<hbm>>
    %dma_wait3A_32 = tpu.memref_slice %arg2[%mul3A_6] : memref<2097152xf32, #tpu.memory_space<hbm>> -> memref<16384xf32, #tpu.memory_space<hbm>>
    tpu.wait_dma2 semaphore(%arg16 : memref<!tpu.dma_semaphore, #tpu.memory_space<semaphore_mem>>) src(%dma_wait3A_32 : memref<16384xf32, #tpu.memory_space<hbm>>) dst(%arg10 : memref<16384xf32, #tpu.memory_space<vmem>>)
    %dma_wait3A_33 = tpu.memref_slice %arg4[%mul3A_9] : memref<2097152xf32, #tpu.memory_space<hbm>> -> memref<16384xf32, #tpu.memory_space<hbm>>
    %dma_wait3A_34 = tpu.memref_slice %arg4[%mul3A_9] : memref<2097152xf32, #tpu.memory_space<hbm>> -> memref<16384xf32, #tpu.memory_space<hbm>>
    tpu.wait_dma2 semaphore(%arg17 : memref<!tpu.dma_semaphore, #tpu.memory_space<semaphore_mem>>) src(%dma_wait3A_34 : memref<16384xf32, #tpu.memory_space<hbm>>) dst(%arg11 : memref<16384xf32, #tpu.memory_space<vmem>>)
    %dma_wait3A_35 = arith.constant 0 : i32
    %dma_wait3A_36 = tpu.memref_slice %arg7[%dma_wait3A_35] : memref<512xi32, #tpu.memory_space<vmem>> -> memref<128xi32, #tpu.memory_space<vmem>>
    %dma_wait3A_37 = arith.constant 0 : i32
    %dma_wait3A_38 = arith.constant 0 : i32
    %dma_wait3A_39 = tpu.memref_slice %arg5[%dma_wait3A_37, %dma_wait3A_38] : memref<100000x128xf32, #tpu.memory_space<hbm>> -> memref<100000x128xf32, #tpu.memory_space<hbm>>
    tpu.wait_indirect_dma semaphore(%arg18 : memref<!tpu.dma_semaphore, #tpu.memory_space<semaphore_mem>>) src(%dma_wait3A_39 : memref<100000x128xf32, #tpu.memory_space<hbm>>) dst(%arg12 : memref<128x128xf32, #tpu.memory_space<vmem>>)
    %parallel_loop3A = arith.constant 0 : i32
    %parallel_loop3A_40 = arith.constant 128 : i32
    %parallel_loop3A_41 = arith.constant 1 : i32
    scf.for %parallel_loop3A_120 = %parallel_loop3A to %parallel_loop3A_40 step %parallel_loop3A_41  : i32 {
      %parallel_loop3A_121 = arith.constant 128 : i32
      %parallel_loop3A_122 = arith.muli %parallel_loop3A_120, %parallel_loop3A_121 : i32
      %parallel_loop3A_123 = arith.constant 0 : i32
      %parallel_loop3A_124 = arith.addi %parallel_loop3A_122, %parallel_loop3A_123 : i32
      %parallel_loop3A_125 = arith.constant 64 : i32
      %parallel_loop3A_126 = arith.addi %parallel_loop3A_124, %parallel_loop3A_125 : i32
      %parallel_loop3A_127 = arith.index_cast %parallel_loop3A_124 : i32 to index
      %parallel_loop3A_128 = tpu.vector_load %arg10[%parallel_loop3A_127] {strides = array<i32>} : memref<16384xf32, #tpu.memory_space<vmem>>, vector<16xf32>,
      %parallel_loop3A_129 = arith.index_cast %parallel_loop3A_126 : i32 to index
      %parallel_loop3A_130 = tpu.vector_load %arg10[%parallel_loop3A_129] {strides = array<i32>} : memref<16384xf32, #tpu.memory_space<vmem>>, vector<16xf32>,
      %parallel_loop3A_131 = arith.index_cast %parallel_loop3A_124 : i32 to index
      %parallel_loop3A_132 = tpu.vector_load %arg11[%parallel_loop3A_131] {strides = array<i32>} : memref<16384xf32, #tpu.memory_space<vmem>>, vector<16xf32>,
      %parallel_loop3A_133 = arith.index_cast %parallel_loop3A_126 : i32 to index
      %parallel_loop3A_134 = tpu.vector_load %arg11[%parallel_loop3A_133] {strides = array<i32>} : memref<16384xf32, #tpu.memory_space<vmem>>, vector<16xf32>,
      %parallel_loop3A_135 = arith.index_cast %parallel_loop3A_120 : i32 to index
      %parallel_loop3A_136 = arith.constant 0 : index
      %parallel_loop3A_137 = tpu.vector_load %arg12[%parallel_loop3A_135, %parallel_loop3A_136] {strides = array<i32>} : memref<128x128xf32, #tpu.memory_space<vmem>>, vector<16xf32>,
      %parallel_loop3A_138 = arith.index_cast %parallel_loop3A_120 : i32 to index
      %parallel_loop3A_139 = arith.constant 64 : index
      %parallel_loop3A_140 = tpu.vector_load %arg12[%parallel_loop3A_138, %parallel_loop3A_139] {strides = array<i32>} : memref<128x128xf32, #tpu.memory_space<vmem>>, vector<16xf32>,
      %parallel_loop3A_141 = arith.mulf %parallel_loop3A_128, %parallel_loop3A_132 : vector<16xf32>
      %parallel_loop3A_142 = arith.mulf %parallel_loop3A_130, %parallel_loop3A_134 : vector<16xf32>
      %parallel_loop3A_143 = arith.addf %parallel_loop3A_141, %parallel_loop3A_142 : vector<16xf32>
      %parallel_loop3A_144 = arith.mulf %parallel_loop3A_137, %parallel_loop3A_143 : vector<16xf32>
      %parallel_loop3A_145 = arith.mulf %parallel_loop3A_128, %parallel_loop3A_134 : vector<16xf32>
      %parallel_loop3A_146 = arith.mulf %parallel_loop3A_130, %parallel_loop3A_132 : vector<16xf32>
      %parallel_loop3A_147 = arith.subf %parallel_loop3A_145, %parallel_loop3A_146 : vector<16xf32>
      %parallel_loop3A_148 = arith.mulf %parallel_loop3A_140, %parallel_loop3A_147 : vector<16xf32>
      %parallel_loop3A_149 = arith.constant 16 : i32
      %parallel_loop3A_150 = arith.addi %parallel_loop3A_122, %parallel_loop3A_149 : i32
      %parallel_loop3A_151 = arith.constant 64 : i32
      %parallel_loop3A_152 = arith.addi %parallel_loop3A_150, %parallel_loop3A_151 : i32
      %parallel_loop3A_153 = arith.index_cast %parallel_loop3A_150 : i32 to index
      %parallel_loop3A_154 = tpu.vector_load %arg10[%parallel_loop3A_153] {strides = array<i32>} : memref<16384xf32, #tpu.memory_space<vmem>>, vector<16xf32>,
      %parallel_loop3A_155 = arith.index_cast %parallel_loop3A_152 : i32 to index
      %parallel_loop3A_156 = tpu.vector_load %arg10[%parallel_loop3A_155] {strides = array<i32>} : memref<16384xf32, #tpu.memory_space<vmem>>, vector<16xf32>,
      %parallel_loop3A_157 = arith.index_cast %parallel_loop3A_150 : i32 to index
      %parallel_loop3A_158 = tpu.vector_load %arg11[%parallel_loop3A_157] {strides = array<i32>} : memref<16384xf32, #tpu.memory_space<vmem>>, vector<16xf32>,
      %parallel_loop3A_159 = arith.index_cast %parallel_loop3A_152 : i32 to index
      %parallel_loop3A_160 = tpu.vector_load %arg11[%parallel_loop3A_159] {strides = array<i32>} : memref<16384xf32, #tpu.memory_space<vmem>>, vector<16xf32>,
      %parallel_loop3A_161 = arith.index_cast %parallel_loop3A_120 : i32 to index
      %parallel_loop3A_162 = arith.constant 16 : index
      %parallel_loop3A_163 = tpu.vector_load %arg12[%parallel_loop3A_161, %parallel_loop3A_162] {strides = array<i32>} : memref<128x128xf32, #tpu.memory_space<vmem>>, vector<16xf32>,
      %parallel_loop3A_164 = arith.index_cast %parallel_loop3A_120 : i32 to index
      %parallel_loop3A_165 = arith.constant 80 : index
      %parallel_loop3A_166 = tpu.vector_load %arg12[%parallel_loop3A_164, %parallel_loop3A_165] {strides = array<i32>} : memref<128x128xf32, #tpu.memory_space<vmem>>, vector<16xf32>,
      %parallel_loop3A_167 = arith.mulf %parallel_loop3A_154, %parallel_loop3A_158 : vector<16xf32>
      %parallel_loop3A_168 = arith.mulf %parallel_loop3A_156, %parallel_loop3A_160 : vector<16xf32>
      %parallel_loop3A_169 = arith.addf %parallel_loop3A_167, %parallel_loop3A_168 : vector<16xf32>
      %parallel_loop3A_170 = arith.mulf %parallel_loop3A_163, %parallel_loop3A_169 : vector<16xf32>
      %parallel_loop3A_171 = arith.mulf %parallel_loop3A_154, %parallel_loop3A_160 : vector<16xf32>
      %parallel_loop3A_172 = arith.mulf %parallel_loop3A_156, %parallel_loop3A_158 : vector<16xf32>
      %parallel_loop3A_173 = arith.subf %parallel_loop3A_171, %parallel_loop3A_172 : vector<16xf32>
      %parallel_loop3A_174 = arith.mulf %parallel_loop3A_166, %parallel_loop3A_173 : vector<16xf32>
      %parallel_loop3A_175 = arith.addf %parallel_loop3A_144, %parallel_loop3A_170 : vector<16xf32>
      %parallel_loop3A_176 = arith.addf %parallel_loop3A_148, %parallel_loop3A_174 : vector<16xf32>
      %parallel_loop3A_177 = arith.constant 32 : i32
      %parallel_loop3A_178 = arith.addi %parallel_loop3A_122, %parallel_loop3A_177 : i32
      %parallel_loop3A_179 = arith.constant 64 : i32
      %parallel_loop3A_180 = arith.addi %parallel_loop3A_178, %parallel_loop3A_179 : i32
      %parallel_loop3A_181 = arith.index_cast %parallel_loop3A_178 : i32 to index
      %parallel_loop3A_182 = tpu.vector_load %arg10[%parallel_loop3A_181] {strides = array<i32>} : memref<16384xf32, #tpu.memory_space<vmem>>, vector<16xf32>,
      %parallel_loop3A_183 = arith.index_cast %parallel_loop3A_180 : i32 to index
      %parallel_loop3A_184 = tpu.vector_load %arg10[%parallel_loop3A_183] {strides = array<i32>} : memref<16384xf32, #tpu.memory_space<vmem>>, vector<16xf32>,
      %parallel_loop3A_185 = arith.index_cast %parallel_loop3A_178 : i32 to index
      %parallel_loop3A_186 = tpu.vector_load %arg11[%parallel_loop3A_185] {strides = array<i32>} : memref<16384xf32, #tpu.memory_space<vmem>>, vector<16xf32>,
      %parallel_loop3A_187 = arith.index_cast %parallel_loop3A_180 : i32 to index
      %parallel_loop3A_188 = tpu.vector_load %arg11[%parallel_loop3A_187] {strides = array<i32>} : memref<16384xf32, #tpu.memory_space<vmem>>, vector<16xf32>,
      %parallel_loop3A_189 = arith.index_cast %parallel_loop3A_120 : i32 to index
      %parallel_loop3A_190 = arith.constant 32 : index
      %parallel_loop3A_191 = tpu.vector_load %arg12[%parallel_loop3A_189, %parallel_loop3A_190] {strides = array<i32>} : memref<128x128xf32, #tpu.memory_space<vmem>>, vector<16xf32>,
      %parallel_loop3A_192 = arith.index_cast %parallel_loop3A_120 : i32 to index
      %parallel_loop3A_193 = arith.constant 96 : index
      %parallel_loop3A_194 = tpu.vector_load %arg12[%parallel_loop3A_192, %parallel_loop3A_193] {strides = array<i32>} : memref<128x128xf32, #tpu.memory_space<vmem>>, vector<16xf32>,
      %parallel_loop3A_195 = arith.mulf %parallel_loop3A_182, %parallel_loop3A_186 : vector<16xf32>
      %parallel_loop3A_196 = arith.mulf %parallel_loop3A_184, %parallel_loop3A_188 : vector<16xf32>
      %parallel_loop3A_197 = arith.addf %parallel_loop3A_195, %parallel_loop3A_196 : vector<16xf32>
      %parallel_loop3A_198 = arith.mulf %parallel_loop3A_191, %parallel_loop3A_197 : vector<16xf32>
      %parallel_loop3A_199 = arith.mulf %parallel_loop3A_182, %parallel_loop3A_188 : vector<16xf32>
      %parallel_loop3A_200 = arith.mulf %parallel_loop3A_184, %parallel_loop3A_186 : vector<16xf32>
      %parallel_loop3A_201 = arith.subf %parallel_loop3A_199, %parallel_loop3A_200 : vector<16xf32>
      %parallel_loop3A_202 = arith.mulf %parallel_loop3A_194, %parallel_loop3A_201 : vector<16xf32>
      %parallel_loop3A_203 = arith.addf %parallel_loop3A_175, %parallel_loop3A_198 : vector<16xf32>
      %parallel_loop3A_204 = arith.addf %parallel_loop3A_176, %parallel_loop3A_202 : vector<16xf32>
      %parallel_loop3A_205 = arith.constant 48 : i32
      %parallel_loop3A_206 = arith.addi %parallel_loop3A_122, %parallel_loop3A_205 : i32
      %parallel_loop3A_207 = arith.constant 64 : i32
      %parallel_loop3A_208 = arith.addi %parallel_loop3A_206, %parallel_loop3A_207 : i32
      %parallel_loop3A_209 = arith.index_cast %parallel_loop3A_206 : i32 to index
      %parallel_loop3A_210 = tpu.vector_load %arg10[%parallel_loop3A_209] {strides = array<i32>} : memref<16384xf32, #tpu.memory_space<vmem>>, vector<16xf32>,
      %parallel_loop3A_211 = arith.index_cast %parallel_loop3A_208 : i32 to index
      %parallel_loop3A_212 = tpu.vector_load %arg10[%parallel_loop3A_211] {strides = array<i32>} : memref<16384xf32, #tpu.memory_space<vmem>>, vector<16xf32>,
      %parallel_loop3A_213 = arith.index_cast %parallel_loop3A_206 : i32 to index
      %parallel_loop3A_214 = tpu.vector_load %arg11[%parallel_loop3A_213] {strides = array<i32>} : memref<16384xf32, #tpu.memory_space<vmem>>, vector<16xf32>,
      %parallel_loop3A_215 = arith.index_cast %parallel_loop3A_208 : i32 to index
      %parallel_loop3A_216 = tpu.vector_load %arg11[%parallel_loop3A_215] {strides = array<i32>} : memref<16384xf32, #tpu.memory_space<vmem>>, vector<16xf32>,
      %parallel_loop3A_217 = arith.index_cast %parallel_loop3A_120 : i32 to index
      %parallel_loop3A_218 = arith.constant 48 : index
      %parallel_loop3A_219 = tpu.vector_load %arg12[%parallel_loop3A_217, %parallel_loop3A_218] {strides = array<i32>} : memref<128x128xf32, #tpu.memory_space<vmem>>, vector<16xf32>,
      %parallel_loop3A_220 = arith.index_cast %parallel_loop3A_120 : i32 to index
      %parallel_loop3A_221 = arith.constant 112 : index
      %parallel_loop3A_222 = tpu.vector_load %arg12[%parallel_loop3A_220, %parallel_loop3A_221] {strides = array<i32>} : memref<128x128xf32, #tpu.memory_space<vmem>>, vector<16xf32>,
      %parallel_loop3A_223 = arith.mulf %parallel_loop3A_210, %parallel_loop3A_214 : vector<16xf32>
      %parallel_loop3A_224 = arith.mulf %parallel_loop3A_212, %parallel_loop3A_216 : vector<16xf32>
      %parallel_loop3A_225 = arith.addf %parallel_loop3A_223, %parallel_loop3A_224 : vector<16xf32>
      %parallel_loop3A_226 = arith.mulf %parallel_loop3A_219, %parallel_loop3A_225 : vector<16xf32>
      %parallel_loop3A_227 = arith.mulf %parallel_loop3A_210, %parallel_loop3A_216 : vector<16xf32>
      %parallel_loop3A_228 = arith.mulf %parallel_loop3A_212, %parallel_loop3A_214 : vector<16xf32>
      %parallel_loop3A_229 = arith.subf %parallel_loop3A_227, %parallel_loop3A_228 : vector<16xf32>
      %parallel_loop3A_230 = arith.mulf %parallel_loop3A_222, %parallel_loop3A_229 : vector<16xf32>
      %parallel_loop3A_231 = arith.addf %parallel_loop3A_203, %parallel_loop3A_226 : vector<16xf32>
      %parallel_loop3A_232 = arith.addf %parallel_loop3A_204, %parallel_loop3A_230 : vector<16xf32>
      %parallel_loop3A_233 = arith.addf %parallel_loop3A_231, %parallel_loop3A_232 : vector<16xf32>
      %parallel_loop3A_234 = arith.constant 17 : i32
      %parallel_loop3A_235 = arith.muli %parallel_loop3A_120, %parallel_loop3A_234 : i32
      %parallel_loop3A_236 = arith.index_cast %parallel_loop3A_235 : i32 to index
      %parallel_loop3A_237 = tpu.vector_load %arg9[%parallel_loop3A_236] {strides = array<i32>} : memref<2176xf32, #tpu.memory_space<vmem>>, vector<16xf32>,
      tpu.vector_store %arg9[%parallel_loop3A_236], %parallel_loop3A_233 {strides = array<i32>} : memref<2176xf32, #tpu.memory_space<vmem>>, vector<16xf32>,
    } {sc.loop_unroll_factor = 4 : i64, sc.parallel_access}
    %parallel_loop3A_42 = arith.constant 0 : i32
    %parallel_loop3A_43 = arith.constant 8 : i32
    %parallel_loop3A_44 = arith.constant 1 : i32
    scf.for %parallel_loop3A_120 = %parallel_loop3A_42 to %parallel_loop3A_43 step %parallel_loop3A_44  : i32 {
      %parallel_loop3A_121 = arith.constant 16 : i32
      %parallel_loop3A_122 = arith.muli %parallel_loop3A_120, %parallel_loop3A_121 : i32
      %parallel_loop3A_123 = vector.broadcast %parallel_loop3A_122 : i32 to vector<16xi32>
      %parallel_loop3A_124 = arith.addi %parallel_loop3A_123, %iota3A : vector<16xi32>
      %parallel_loop3A_125 = arith.constant 17 : i32
      %parallel_loop3A_126 = vector.broadcast %parallel_loop3A_125 : i32 to vector<16xi32>
      %parallel_loop3A_127 = arith.muli %parallel_loop3A_124, %parallel_loop3A_126 : vector<16xi32>
      %parallel_loop3A_128 = arith.constant 0 : i32
      %parallel_loop3A_129 = vector.broadcast %parallel_loop3A_128 : i32 to vector<16xi32>
      %parallel_loop3A_130 = arith.addi %parallel_loop3A_127, %parallel_loop3A_129 : vector<16xi32>
      %parallel_loop3A_131 = tpu.vector_load_idx %arg9[%parallel_loop3A_130] : memref<2176xf32, #tpu.memory_space<vmem>>[vector<16xi32>], vector<16xf32>,
      %parallel_loop3A_132 = arith.constant 1 : i32
      %parallel_loop3A_133 = vector.broadcast %parallel_loop3A_132 : i32 to vector<16xi32>
      %parallel_loop3A_134 = arith.addi %parallel_loop3A_127, %parallel_loop3A_133 : vector<16xi32>
      %parallel_loop3A_135 = tpu.vector_load_idx %arg9[%parallel_loop3A_134] : memref<2176xf32, #tpu.memory_space<vmem>>[vector<16xi32>], vector<16xf32>,
      %parallel_loop3A_136 = arith.constant 2 : i32
      %parallel_loop3A_137 = vector.broadcast %parallel_loop3A_136 : i32 to vector<16xi32>
      %parallel_loop3A_138 = arith.addi %parallel_loop3A_127, %parallel_loop3A_137 : vector<16xi32>
      %parallel_loop3A_139 = tpu.vector_load_idx %arg9[%parallel_loop3A_138] : memref<2176xf32, #tpu.memory_space<vmem>>[vector<16xi32>], vector<16xf32>,
      %parallel_loop3A_140 = arith.constant 3 : i32
      %parallel_loop3A_141 = vector.broadcast %parallel_loop3A_140 : i32 to vector<16xi32>
      %parallel_loop3A_142 = arith.addi %parallel_loop3A_127, %parallel_loop3A_141 : vector<16xi32>
      %parallel_loop3A_143 = tpu.vector_load_idx %arg9[%parallel_loop3A_142] : memref<2176xf32, #tpu.memory_space<vmem>>[vector<16xi32>], vector<16xf32>,
      %parallel_loop3A_144 = arith.constant 4 : i32
      %parallel_loop3A_145 = vector.broadcast %parallel_loop3A_144 : i32 to vector<16xi32>
      %parallel_loop3A_146 = arith.addi %parallel_loop3A_127, %parallel_loop3A_145 : vector<16xi32>
      %parallel_loop3A_147 = tpu.vector_load_idx %arg9[%parallel_loop3A_146] : memref<2176xf32, #tpu.memory_space<vmem>>[vector<16xi32>], vector<16xf32>,
      %parallel_loop3A_148 = arith.constant 5 : i32
      %parallel_loop3A_149 = vector.broadcast %parallel_loop3A_148 : i32 to vector<16xi32>
      %parallel_loop3A_150 = arith.addi %parallel_loop3A_127, %parallel_loop3A_149 : vector<16xi32>
      %parallel_loop3A_151 = tpu.vector_load_idx %arg9[%parallel_loop3A_150] : memref<2176xf32, #tpu.memory_space<vmem>>[vector<16xi32>], vector<16xf32>,
      %parallel_loop3A_152 = arith.constant 6 : i32
      %parallel_loop3A_153 = vector.broadcast %parallel_loop3A_152 : i32 to vector<16xi32>
      %parallel_loop3A_154 = arith.addi %parallel_loop3A_127, %parallel_loop3A_153 : vector<16xi32>
      %parallel_loop3A_155 = tpu.vector_load_idx %arg9[%parallel_loop3A_154] : memref<2176xf32, #tpu.memory_space<vmem>>[vector<16xi32>], vector<16xf32>,
      %parallel_loop3A_156 = arith.constant 7 : i32
      %parallel_loop3A_157 = vector.broadcast %parallel_loop3A_156 : i32 to vector<16xi32>
      %parallel_loop3A_158 = arith.addi %parallel_loop3A_127, %parallel_loop3A_157 : vector<16xi32>
      %parallel_loop3A_159 = tpu.vector_load_idx %arg9[%parallel_loop3A_158] : memref<2176xf32, #tpu.memory_space<vmem>>[vector<16xi32>], vector<16xf32>,
      %parallel_loop3A_160 = arith.constant 8 : i32
      %parallel_loop3A_161 = vector.broadcast %parallel_loop3A_160 : i32 to vector<16xi32>
      %parallel_loop3A_162 = arith.addi %parallel_loop3A_127, %parallel_loop3A_161 : vector<16xi32>
      %parallel_loop3A_163 = tpu.vector_load_idx %arg9[%parallel_loop3A_162] : memref<2176xf32, #tpu.memory_space<vmem>>[vector<16xi32>], vector<16xf32>,
      %parallel_loop3A_164 = arith.constant 9 : i32
      %parallel_loop3A_165 = vector.broadcast %parallel_loop3A_164 : i32 to vector<16xi32>
      %parallel_loop3A_166 = arith.addi %parallel_loop3A_127, %parallel_loop3A_165 : vector<16xi32>
      %parallel_loop3A_167 = tpu.vector_load_idx %arg9[%parallel_loop3A_166] : memref<2176xf32, #tpu.memory_space<vmem>>[vector<16xi32>], vector<16xf32>,
      %parallel_loop3A_168 = arith.constant 10 : i32
      %parallel_loop3A_169 = vector.broadcast %parallel_loop3A_168 : i32 to vector<16xi32>
      %parallel_loop3A_170 = arith.addi %parallel_loop3A_127, %parallel_loop3A_169 : vector<16xi32>
      %parallel_loop3A_171 = tpu.vector_load_idx %arg9[%parallel_loop3A_170] : memref<2176xf32, #tpu.memory_space<vmem>>[vector<16xi32>], vector<16xf32>,
      %parallel_loop3A_172 = arith.constant 11 : i32
      %parallel_loop3A_173 = vector.broadcast %parallel_loop3A_172 : i32 to vector<16xi32>
      %parallel_loop3A_174 = arith.addi %parallel_loop3A_127, %parallel_loop3A_173 : vector<16xi32>
      %parallel_loop3A_175 = tpu.vector_load_idx %arg9[%parallel_loop3A_174] : memref<2176xf32, #tpu.memory_space<vmem>>[vector<16xi32>], vector<16xf32>,
      %parallel_loop3A_176 = arith.constant 12 : i32
      %parallel_loop3A_177 = vector.broadcast %parallel_loop3A_176 : i32 to vector<16xi32>
      %parallel_loop3A_178 = arith.addi %parallel_loop3A_127, %parallel_loop3A_177 : vector<16xi32>
      %parallel_loop3A_179 = tpu.vector_load_idx %arg9[%parallel_loop3A_178] : memref<2176xf32, #tpu.memory_space<vmem>>[vector<16xi32>], vector<16xf32>,
      %parallel_loop3A_180 = arith.constant 13 : i32
      %parallel_loop3A_181 = vector.broadcast %parallel_loop3A_180 : i32 to vector<16xi32>
      %parallel_loop3A_182 = arith.addi %parallel_loop3A_127, %parallel_loop3A_181 : vector<16xi32>
      %parallel_loop3A_183 = tpu.vector_load_idx %arg9[%parallel_loop3A_182] : memref<2176xf32, #tpu.memory_space<vmem>>[vector<16xi32>], vector<16xf32>,
      %parallel_loop3A_184 = arith.constant 14 : i32
      %parallel_loop3A_185 = vector.broadcast %parallel_loop3A_184 : i32 to vector<16xi32>
      %parallel_loop3A_186 = arith.addi %parallel_loop3A_127, %parallel_loop3A_185 : vector<16xi32>
      %parallel_loop3A_187 = tpu.vector_load_idx %arg9[%parallel_loop3A_186] : memref<2176xf32, #tpu.memory_space<vmem>>[vector<16xi32>], vector<16xf32>,
      %parallel_loop3A_188 = arith.constant 15 : i32
      %parallel_loop3A_189 = vector.broadcast %parallel_loop3A_188 : i32 to vector<16xi32>
      %parallel_loop3A_190 = arith.addi %parallel_loop3A_127, %parallel_loop3A_189 : vector<16xi32>
      %parallel_loop3A_191 = tpu.vector_load_idx %arg9[%parallel_loop3A_190] : memref<2176xf32, #tpu.memory_space<vmem>>[vector<16xi32>], vector<16xf32>,
      %parallel_loop3A_192 = arith.addf %parallel_loop3A_131, %parallel_loop3A_135 : vector<16xf32>
      %parallel_loop3A_193 = arith.addf %parallel_loop3A_139, %parallel_loop3A_143 : vector<16xf32>
      %parallel_loop3A_194 = arith.addf %parallel_loop3A_147, %parallel_loop3A_151 : vector<16xf32>
      %parallel_loop3A_195 = arith.addf %parallel_loop3A_155, %parallel_loop3A_159 : vector<16xf32>
      %parallel_loop3A_196 = arith.addf %parallel_loop3A_163, %parallel_loop3A_167 : vector<16xf32>
      %parallel_loop3A_197 = arith.addf %parallel_loop3A_171, %parallel_loop3A_175 : vector<16xf32>
      %parallel_loop3A_198 = arith.addf %parallel_loop3A_179, %parallel_loop3A_183 : vector<16xf32>
      %parallel_loop3A_199 = arith.addf %parallel_loop3A_187, %parallel_loop3A_191 : vector<16xf32>
      %parallel_loop3A_200 = arith.addf %parallel_loop3A_192, %parallel_loop3A_193 : vector<16xf32>
      %parallel_loop3A_201 = arith.addf %parallel_loop3A_194, %parallel_loop3A_195 : vector<16xf32>
      %parallel_loop3A_202 = arith.addf %parallel_loop3A_196, %parallel_loop3A_197 : vector<16xf32>
      %parallel_loop3A_203 = arith.addf %parallel_loop3A_198, %parallel_loop3A_199 : vector<16xf32>
      %parallel_loop3A_204 = arith.addf %parallel_loop3A_200, %parallel_loop3A_201 : vector<16xf32>
      %parallel_loop3A_205 = arith.addf %parallel_loop3A_202, %parallel_loop3A_203 : vector<16xf32>
      %parallel_loop3A_206 = arith.addf %parallel_loop3A_204, %parallel_loop3A_205 : vector<16xf32>
      %parallel_loop3A_207 = arith.constant 16 : i32
      %parallel_loop3A_208 = arith.muli %parallel_loop3A_120, %parallel_loop3A_207 : i32
      %parallel_loop3A_209 = arith.constant 0 : i32
      %parallel_loop3A_210 = arith.addi %parallel_loop3A_209, %parallel_loop3A_208 : i32
      %parallel_loop3A_211 = arith.index_cast %parallel_loop3A_210 : i32 to index
      %parallel_loop3A_212 = tpu.vector_load %arg8[%parallel_loop3A_211] {strides = array<i32>} : memref<512xf32, #tpu.memory_space<vmem>>, vector<16xf32>,
      tpu.vector_store %arg8[%parallel_loop3A_211], %parallel_loop3A_206 {strides = array<i32>} : memref<512xf32, #tpu.memory_space<vmem>>, vector<16xf32>,
    } {sc.loop_unroll_factor = 2 : i64, sc.parallel_access}
    %add3A_45 = arith.constant 256 : i32
    %add3A_46 = arith.addi %mul3A_2, %add3A_45 : i32
    %mul3A_47 = arith.constant 128 : i32
    %mul3A_48 = arith.muli %add3A_46, %mul3A_47 : i32
    %dma_start3A_49 = tpu.memref_slice %arg2[%mul3A_48] : memref<2097152xf32, #tpu.memory_space<hbm>> -> memref<16384xf32, #tpu.memory_space<hbm>>
    %dma_start3A_50 = tpu.memref_slice %arg2[%mul3A_48] : memref<2097152xf32, #tpu.memory_space<hbm>> -> memref<16384xf32, #tpu.memory_space<hbm>>
    tpu.enqueue_dma source(%dma_start3A_50 : memref<16384xf32, #tpu.memory_space<hbm>>) target(%arg10 : memref<16384xf32, #tpu.memory_space<vmem>>) target_semaphore(%arg16 : memref<!tpu.dma_semaphore, #tpu.memory_space<semaphore_mem>>)
    %mul3A_51 = arith.constant 128 : i32
    %mul3A_52 = arith.muli %add3A_46, %mul3A_51 : i32
    %dma_start3A_53 = tpu.memref_slice %arg4[%mul3A_52] : memref<2097152xf32, #tpu.memory_space<hbm>> -> memref<16384xf32, #tpu.memory_space<hbm>>
    %dma_start3A_54 = tpu.memref_slice %arg4[%mul3A_52] : memref<2097152xf32, #tpu.memory_space<hbm>> -> memref<16384xf32, #tpu.memory_space<hbm>>
    tpu.enqueue_dma source(%dma_start3A_54 : memref<16384xf32, #tpu.memory_space<hbm>>) target(%arg11 : memref<16384xf32, #tpu.memory_space<vmem>>) target_semaphore(%arg17 : memref<!tpu.dma_semaphore, #tpu.memory_space<semaphore_mem>>)
    %dma_start3A_55 = arith.constant 256 : i32
    %dma_start3A_56 = tpu.memref_slice %arg7[%dma_start3A_55] : memref<512xi32, #tpu.memory_space<vmem>> -> memref<128xi32, #tpu.memory_space<vmem>>
    %dma_start3A_57 = arith.constant 0 : i32
    %dma_start3A_58 = arith.constant 0 : i32
    %dma_start3A_59 = tpu.memref_slice %arg5[%dma_start3A_57, %dma_start3A_58] : memref<100000x128xf32, #tpu.memory_space<hbm>> -> memref<100000x128xf32, #tpu.memory_space<hbm>>
    tpu.enqueue_indirect_dma source(%dma_start3A_59 : memref<100000x128xf32, #tpu.memory_space<hbm>>) target(%arg12 : memref<128x128xf32, #tpu.memory_space<vmem>>) offsets(%dma_start3A_56 : memref<128xi32, #tpu.memory_space<vmem>>) semaphore(%arg18 : memref<!tpu.dma_semaphore, #tpu.memory_space<semaphore_mem>>)
    %dma_wait3A_60 = tpu.memref_slice %arg2[%mul3A_20] : memref<2097152xf32, #tpu.memory_space<hbm>> -> memref<16384xf32, #tpu.memory_space<hbm>>
    %dma_wait3A_61 = tpu.memref_slice %arg2[%mul3A_20] : memref<2097152xf32, #tpu.memory_space<hbm>> -> memref<16384xf32, #tpu.memory_space<hbm>>
    tpu.wait_dma2 semaphore(%arg19 : memref<!tpu.dma_semaphore, #tpu.memory_space<semaphore_mem>>) src(%dma_wait3A_61 : memref<16384xf32, #tpu.memory_space<hbm>>) dst(%arg13 : memref<16384xf32, #tpu.memory_space<vmem>>)
    %dma_wait3A_62 = tpu.memref_slice %arg4[%mul3A_24] : memref<2097152xf32, #tpu.memory_space<hbm>> -> memref<16384xf32, #tpu.memory_space<hbm>>
    %dma_wait3A_63 = tpu.memref_slice %arg4[%mul3A_24] : memref<2097152xf32, #tpu.memory_space<hbm>> -> memref<16384xf32, #tpu.memory_space<hbm>>
    tpu.wait_dma2 semaphore(%arg20 : memref<!tpu.dma_semaphore, #tpu.memory_space<semaphore_mem>>) src(%dma_wait3A_63 : memref<16384xf32, #tpu.memory_space<hbm>>) dst(%arg14 : memref<16384xf32, #tpu.memory_space<vmem>>)
    %dma_wait3A_64 = arith.constant 128 : i32
    %dma_wait3A_65 = tpu.memref_slice %arg7[%dma_wait3A_64] : memref<512xi32, #tpu.memory_space<vmem>> -> memref<128xi32, #tpu.memory_space<vmem>>
    %dma_wait3A_66 = arith.constant 0 : i32
    %dma_wait3A_67 = arith.constant 0 : i32
    %dma_wait3A_68 = tpu.memref_slice %arg5[%dma_wait3A_66, %dma_wait3A_67] : memref<100000x128xf32, #tpu.memory_space<hbm>> -> memref<100000x128xf32, #tpu.memory_space<hbm>>
    tpu.wait_indirect_dma semaphore(%arg21 : memref<!tpu.dma_semaphore, #tpu.memory_space<semaphore_mem>>) src(%dma_wait3A_68 : memref<100000x128xf32, #tpu.memory_space<hbm>>) dst(%arg15 : memref<128x128xf32, #tpu.memory_space<vmem>>)
    %parallel_loop3A_69 = arith.constant 0 : i32
    %parallel_loop3A_70 = arith.constant 128 : i32
    %parallel_loop3A_71 = arith.constant 1 : i32
    scf.for %parallel_loop3A_120 = %parallel_loop3A_69 to %parallel_loop3A_70 step %parallel_loop3A_71  : i32 {
      %parallel_loop3A_121 = arith.constant 128 : i32
      %parallel_loop3A_122 = arith.muli %parallel_loop3A_120, %parallel_loop3A_121 : i32
      %parallel_loop3A_123 = arith.constant 0 : i32
      %parallel_loop3A_124 = arith.addi %parallel_loop3A_122, %parallel_loop3A_123 : i32
      %parallel_loop3A_125 = arith.constant 64 : i32
      %parallel_loop3A_126 = arith.addi %parallel_loop3A_124, %parallel_loop3A_125 : i32
      %parallel_loop3A_127 = arith.index_cast %parallel_loop3A_124 : i32 to index
      %parallel_loop3A_128 = tpu.vector_load %arg13[%parallel_loop3A_127] {strides = array<i32>} : memref<16384xf32, #tpu.memory_space<vmem>>, vector<16xf32>,
      %parallel_loop3A_129 = arith.index_cast %parallel_loop3A_126 : i32 to index
      %parallel_loop3A_130 = tpu.vector_load %arg13[%parallel_loop3A_129] {strides = array<i32>} : memref<16384xf32, #tpu.memory_space<vmem>>, vector<16xf32>,
      %parallel_loop3A_131 = arith.index_cast %parallel_loop3A_124 : i32 to index
      %parallel_loop3A_132 = tpu.vector_load %arg14[%parallel_loop3A_131] {strides = array<i32>} : memref<16384xf32, #tpu.memory_space<vmem>>, vector<16xf32>,
      %parallel_loop3A_133 = arith.index_cast %parallel_loop3A_126 : i32 to index
      %parallel_loop3A_134 = tpu.vector_load %arg14[%parallel_loop3A_133] {strides = array<i32>} : memref<16384xf32, #tpu.memory_space<vmem>>, vector<16xf32>,
      %parallel_loop3A_135 = arith.index_cast %parallel_loop3A_120 : i32 to index
      %parallel_loop3A_136 = arith.constant 0 : index
      %parallel_loop3A_137 = tpu.vector_load %arg15[%parallel_loop3A_135, %parallel_loop3A_136] {strides = array<i32>} : memref<128x128xf32, #tpu.memory_space<vmem>>, vector<16xf32>,
      %parallel_loop3A_138 = arith.index_cast %parallel_loop3A_120 : i32 to index
      %parallel_loop3A_139 = arith.constant 64 : index
      %parallel_loop3A_140 = tpu.vector_load %arg15[%parallel_loop3A_138, %parallel_loop3A_139] {strides = array<i32>} : memref<128x128xf32, #tpu.memory_space<vmem>>, vector<16xf32>,
      %parallel_loop3A_141 = arith.mulf %parallel_loop3A_128, %parallel_loop3A_132 : vector<16xf32>
      %parallel_loop3A_142 = arith.mulf %parallel_loop3A_130, %parallel_loop3A_134 : vector<16xf32>
      %parallel_loop3A_143 = arith.addf %parallel_loop3A_141, %parallel_loop3A_142 : vector<16xf32>
      %parallel_loop3A_144 = arith.mulf %parallel_loop3A_137, %parallel_loop3A_143 : vector<16xf32>
      %parallel_loop3A_145 = arith.mulf %parallel_loop3A_128, %parallel_loop3A_134 : vector<16xf32>
      %parallel_loop3A_146 = arith.mulf %parallel_loop3A_130, %parallel_loop3A_132 : vector<16xf32>
      %parallel_loop3A_147 = arith.subf %parallel_loop3A_145, %parallel_loop3A_146 : vector<16xf32>
      %parallel_loop3A_148 = arith.mulf %parallel_loop3A_140, %parallel_loop3A_147 : vector<16xf32>
      %parallel_loop3A_149 = arith.constant 16 : i32
      %parallel_loop3A_150 = arith.addi %parallel_loop3A_122, %parallel_loop3A_149 : i32
      %parallel_loop3A_151 = arith.constant 64 : i32
      %parallel_loop3A_152 = arith.addi %parallel_loop3A_150, %parallel_loop3A_151 : i32
      %parallel_loop3A_153 = arith.index_cast %parallel_loop3A_150 : i32 to index
      %parallel_loop3A_154 = tpu.vector_load %arg13[%parallel_loop3A_153] {strides = array<i32>} : memref<16384xf32, #tpu.memory_space<vmem>>, vector<16xf32>,
      %parallel_loop3A_155 = arith.index_cast %parallel_loop3A_152 : i32 to index
      %parallel_loop3A_156 = tpu.vector_load %arg13[%parallel_loop3A_155] {strides = array<i32>} : memref<16384xf32, #tpu.memory_space<vmem>>, vector<16xf32>,
      %parallel_loop3A_157 = arith.index_cast %parallel_loop3A_150 : i32 to index
      %parallel_loop3A_158 = tpu.vector_load %arg14[%parallel_loop3A_157] {strides = array<i32>} : memref<16384xf32, #tpu.memory_space<vmem>>, vector<16xf32>,
      %parallel_loop3A_159 = arith.index_cast %parallel_loop3A_152 : i32 to index
      %parallel_loop3A_160 = tpu.vector_load %arg14[%parallel_loop3A_159] {strides = array<i32>} : memref<16384xf32, #tpu.memory_space<vmem>>, vector<16xf32>,
      %parallel_loop3A_161 = arith.index_cast %parallel_loop3A_120 : i32 to index
      %parallel_loop3A_162 = arith.constant 16 : index
      %parallel_loop3A_163 = tpu.vector_load %arg15[%parallel_loop3A_161, %parallel_loop3A_162] {strides = array<i32>} : memref<128x128xf32, #tpu.memory_space<vmem>>, vector<16xf32>,
      %parallel_loop3A_164 = arith.index_cast %parallel_loop3A_120 : i32 to index
      %parallel_loop3A_165 = arith.constant 80 : index
      %parallel_loop3A_166 = tpu.vector_load %arg15[%parallel_loop3A_164, %parallel_loop3A_165] {strides = array<i32>} : memref<128x128xf32, #tpu.memory_space<vmem>>, vector<16xf32>,
      %parallel_loop3A_167 = arith.mulf %parallel_loop3A_154, %parallel_loop3A_158 : vector<16xf32>
      %parallel_loop3A_168 = arith.mulf %parallel_loop3A_156, %parallel_loop3A_160 : vector<16xf32>
      %parallel_loop3A_169 = arith.addf %parallel_loop3A_167, %parallel_loop3A_168 : vector<16xf32>
      %parallel_loop3A_170 = arith.mulf %parallel_loop3A_163, %parallel_loop3A_169 : vector<16xf32>
      %parallel_loop3A_171 = arith.mulf %parallel_loop3A_154, %parallel_loop3A_160 : vector<16xf32>
      %parallel_loop3A_172 = arith.mulf %parallel_loop3A_156, %parallel_loop3A_158 : vector<16xf32>
      %parallel_loop3A_173 = arith.subf %parallel_loop3A_171, %parallel_loop3A_172 : vector<16xf32>
      %parallel_loop3A_174 = arith.mulf %parallel_loop3A_166, %parallel_loop3A_173 : vector<16xf32>
      %parallel_loop3A_175 = arith.addf %parallel_loop3A_144, %parallel_loop3A_170 : vector<16xf32>
      %parallel_loop3A_176 = arith.addf %parallel_loop3A_148, %parallel_loop3A_174 : vector<16xf32>
      %parallel_loop3A_177 = arith.constant 32 : i32
      %parallel_loop3A_178 = arith.addi %parallel_loop3A_122, %parallel_loop3A_177 : i32
      %parallel_loop3A_179 = arith.constant 64 : i32
      %parallel_loop3A_180 = arith.addi %parallel_loop3A_178, %parallel_loop3A_179 : i32
      %parallel_loop3A_181 = arith.index_cast %parallel_loop3A_178 : i32 to index
      %parallel_loop3A_182 = tpu.vector_load %arg13[%parallel_loop3A_181] {strides = array<i32>} : memref<16384xf32, #tpu.memory_space<vmem>>, vector<16xf32>,
      %parallel_loop3A_183 = arith.index_cast %parallel_loop3A_180 : i32 to index
      %parallel_loop3A_184 = tpu.vector_load %arg13[%parallel_loop3A_183] {strides = array<i32>} : memref<16384xf32, #tpu.memory_space<vmem>>, vector<16xf32>,
      %parallel_loop3A_185 = arith.index_cast %parallel_loop3A_178 : i32 to index
      %parallel_loop3A_186 = tpu.vector_load %arg14[%parallel_loop3A_185] {strides = array<i32>} : memref<16384xf32, #tpu.memory_space<vmem>>, vector<16xf32>,
      %parallel_loop3A_187 = arith.index_cast %parallel_loop3A_180 : i32 to index
      %parallel_loop3A_188 = tpu.vector_load %arg14[%parallel_loop3A_187] {strides = array<i32>} : memref<16384xf32, #tpu.memory_space<vmem>>, vector<16xf32>,
      %parallel_loop3A_189 = arith.index_cast %parallel_loop3A_120 : i32 to index
      %parallel_loop3A_190 = arith.constant 32 : index
      %parallel_loop3A_191 = tpu.vector_load %arg15[%parallel_loop3A_189, %parallel_loop3A_190] {strides = array<i32>} : memref<128x128xf32, #tpu.memory_space<vmem>>, vector<16xf32>,
      %parallel_loop3A_192 = arith.index_cast %parallel_loop3A_120 : i32 to index
      %parallel_loop3A_193 = arith.constant 96 : index
      %parallel_loop3A_194 = tpu.vector_load %arg15[%parallel_loop3A_192, %parallel_loop3A_193] {strides = array<i32>} : memref<128x128xf32, #tpu.memory_space<vmem>>, vector<16xf32>,
      %parallel_loop3A_195 = arith.mulf %parallel_loop3A_182, %parallel_loop3A_186 : vector<16xf32>
      %parallel_loop3A_196 = arith.mulf %parallel_loop3A_184, %parallel_loop3A_188 : vector<16xf32>
      %parallel_loop3A_197 = arith.addf %parallel_loop3A_195, %parallel_loop3A_196 : vector<16xf32>
      %parallel_loop3A_198 = arith.mulf %parallel_loop3A_191, %parallel_loop3A_197 : vector<16xf32>
      %parallel_loop3A_199 = arith.mulf %parallel_loop3A_182, %parallel_loop3A_188 : vector<16xf32>
      %parallel_loop3A_200 = arith.mulf %parallel_loop3A_184, %parallel_loop3A_186 : vector<16xf32>
      %parallel_loop3A_201 = arith.subf %parallel_loop3A_199, %parallel_loop3A_200 : vector<16xf32>
      %parallel_loop3A_202 = arith.mulf %parallel_loop3A_194, %parallel_loop3A_201 : vector<16xf32>
      %parallel_loop3A_203 = arith.addf %parallel_loop3A_175, %parallel_loop3A_198 : vector<16xf32>
      %parallel_loop3A_204 = arith.addf %parallel_loop3A_176, %parallel_loop3A_202 : vector<16xf32>
      %parallel_loop3A_205 = arith.constant 48 : i32
      %parallel_loop3A_206 = arith.addi %parallel_loop3A_122, %parallel_loop3A_205 : i32
      %parallel_loop3A_207 = arith.constant 64 : i32
      %parallel_loop3A_208 = arith.addi %parallel_loop3A_206, %parallel_loop3A_207 : i32
      %parallel_loop3A_209 = arith.index_cast %parallel_loop3A_206 : i32 to index
      %parallel_loop3A_210 = tpu.vector_load %arg13[%parallel_loop3A_209] {strides = array<i32>} : memref<16384xf32, #tpu.memory_space<vmem>>, vector<16xf32>,
      %parallel_loop3A_211 = arith.index_cast %parallel_loop3A_208 : i32 to index
      %parallel_loop3A_212 = tpu.vector_load %arg13[%parallel_loop3A_211] {strides = array<i32>} : memref<16384xf32, #tpu.memory_space<vmem>>, vector<16xf32>,
      %parallel_loop3A_213 = arith.index_cast %parallel_loop3A_206 : i32 to index
      %parallel_loop3A_214 = tpu.vector_load %arg14[%parallel_loop3A_213] {strides = array<i32>} : memref<16384xf32, #tpu.memory_space<vmem>>, vector<16xf32>,
      %parallel_loop3A_215 = arith.index_cast %parallel_loop3A_208 : i32 to index
      %parallel_loop3A_216 = tpu.vector_load %arg14[%parallel_loop3A_215] {strides = array<i32>} : memref<16384xf32, #tpu.memory_space<vmem>>, vector<16xf32>,
      %parallel_loop3A_217 = arith.index_cast %parallel_loop3A_120 : i32 to index
      %parallel_loop3A_218 = arith.constant 48 : index
      %parallel_loop3A_219 = tpu.vector_load %arg15[%parallel_loop3A_217, %parallel_loop3A_218] {strides = array<i32>} : memref<128x128xf32, #tpu.memory_space<vmem>>, vector<16xf32>,
      %parallel_loop3A_220 = arith.index_cast %parallel_loop3A_120 : i32 to index
      %parallel_loop3A_221 = arith.constant 112 : index
      %parallel_loop3A_222 = tpu.vector_load %arg15[%parallel_loop3A_220, %parallel_loop3A_221] {strides = array<i32>} : memref<128x128xf32, #tpu.memory_space<vmem>>, vector<16xf32>,
      %parallel_loop3A_223 = arith.mulf %parallel_loop3A_210, %parallel_loop3A_214 : vector<16xf32>
      %parallel_loop3A_224 = arith.mulf %parallel_loop3A_212, %parallel_loop3A_216 : vector<16xf32>
      %parallel_loop3A_225 = arith.addf %parallel_loop3A_223, %parallel_loop3A_224 : vector<16xf32>
      %parallel_loop3A_226 = arith.mulf %parallel_loop3A_219, %parallel_loop3A_225 : vector<16xf32>
      %parallel_loop3A_227 = arith.mulf %parallel_loop3A_210, %parallel_loop3A_216 : vector<16xf32>
      %parallel_loop3A_228 = arith.mulf %parallel_loop3A_212, %parallel_loop3A_214 : vector<16xf32>
      %parallel_loop3A_229 = arith.subf %parallel_loop3A_227, %parallel_loop3A_228 : vector<16xf32>
      %parallel_loop3A_230 = arith.mulf %parallel_loop3A_222, %parallel_loop3A_229 : vector<16xf32>
      %parallel_loop3A_231 = arith.addf %parallel_loop3A_203, %parallel_loop3A_226 : vector<16xf32>
      %parallel_loop3A_232 = arith.addf %parallel_loop3A_204, %parallel_loop3A_230 : vector<16xf32>
      %parallel_loop3A_233 = arith.addf %parallel_loop3A_231, %parallel_loop3A_232 : vector<16xf32>
      %parallel_loop3A_234 = arith.constant 17 : i32
      %parallel_loop3A_235 = arith.muli %parallel_loop3A_120, %parallel_loop3A_234 : i32
      %parallel_loop3A_236 = arith.index_cast %parallel_loop3A_235 : i32 to index
      %parallel_loop3A_237 = tpu.vector_load %arg9[%parallel_loop3A_236] {strides = array<i32>} : memref<2176xf32, #tpu.memory_space<vmem>>, vector<16xf32>,
      tpu.vector_store %arg9[%parallel_loop3A_236], %parallel_loop3A_233 {strides = array<i32>} : memref<2176xf32, #tpu.memory_space<vmem>>, vector<16xf32>,
    } {sc.loop_unroll_factor = 4 : i64, sc.parallel_access}
    %parallel_loop3A_72 = arith.constant 0 : i32
    %parallel_loop3A_73 = arith.constant 8 : i32
    %parallel_loop3A_74 = arith.constant 1 : i32
    scf.for %parallel_loop3A_120 = %parallel_loop3A_72 to %parallel_loop3A_73 step %parallel_loop3A_74  : i32 {
      %parallel_loop3A_121 = arith.constant 16 : i32
      %parallel_loop3A_122 = arith.muli %parallel_loop3A_120, %parallel_loop3A_121 : i32
      %parallel_loop3A_123 = vector.broadcast %parallel_loop3A_122 : i32 to vector<16xi32>
      %parallel_loop3A_124 = arith.addi %parallel_loop3A_123, %iota3A : vector<16xi32>
      %parallel_loop3A_125 = arith.constant 17 : i32
      %parallel_loop3A_126 = vector.broadcast %parallel_loop3A_125 : i32 to vector<16xi32>
      %parallel_loop3A_127 = arith.muli %parallel_loop3A_124, %parallel_loop3A_126 : vector<16xi32>
      %parallel_loop3A_128 = arith.constant 0 : i32
      %parallel_loop3A_129 = vector.broadcast %parallel_loop3A_128 : i32 to vector<16xi32>
      %parallel_loop3A_130 = arith.addi %parallel_loop3A_127, %parallel_loop3A_129 : vector<16xi32>
      %parallel_loop3A_131 = tpu.vector_load_idx %arg9[%parallel_loop3A_130] : memref<2176xf32, #tpu.memory_space<vmem>>[vector<16xi32>], vector<16xf32>,
      %parallel_loop3A_132 = arith.constant 1 : i32
      %parallel_loop3A_133 = vector.broadcast %parallel_loop3A_132 : i32 to vector<16xi32>
      %parallel_loop3A_134 = arith.addi %parallel_loop3A_127, %parallel_loop3A_133 : vector<16xi32>
      %parallel_loop3A_135 = tpu.vector_load_idx %arg9[%parallel_loop3A_134] : memref<2176xf32, #tpu.memory_space<vmem>>[vector<16xi32>], vector<16xf32>,
      %parallel_loop3A_136 = arith.constant 2 : i32
      %parallel_loop3A_137 = vector.broadcast %parallel_loop3A_136 : i32 to vector<16xi32>
      %parallel_loop3A_138 = arith.addi %parallel_loop3A_127, %parallel_loop3A_137 : vector<16xi32>
      %parallel_loop3A_139 = tpu.vector_load_idx %arg9[%parallel_loop3A_138] : memref<2176xf32, #tpu.memory_space<vmem>>[vector<16xi32>], vector<16xf32>,
      %parallel_loop3A_140 = arith.constant 3 : i32
      %parallel_loop3A_141 = vector.broadcast %parallel_loop3A_140 : i32 to vector<16xi32>
      %parallel_loop3A_142 = arith.addi %parallel_loop3A_127, %parallel_loop3A_141 : vector<16xi32>
      %parallel_loop3A_143 = tpu.vector_load_idx %arg9[%parallel_loop3A_142] : memref<2176xf32, #tpu.memory_space<vmem>>[vector<16xi32>], vector<16xf32>,
      %parallel_loop3A_144 = arith.constant 4 : i32
      %parallel_loop3A_145 = vector.broadcast %parallel_loop3A_144 : i32 to vector<16xi32>
      %parallel_loop3A_146 = arith.addi %parallel_loop3A_127, %parallel_loop3A_145 : vector<16xi32>
      %parallel_loop3A_147 = tpu.vector_load_idx %arg9[%parallel_loop3A_146] : memref<2176xf32, #tpu.memory_space<vmem>>[vector<16xi32>], vector<16xf32>,
      %parallel_loop3A_148 = arith.constant 5 : i32
      %parallel_loop3A_149 = vector.broadcast %parallel_loop3A_148 : i32 to vector<16xi32>
      %parallel_loop3A_150 = arith.addi %parallel_loop3A_127, %parallel_loop3A_149 : vector<16xi32>
      %parallel_loop3A_151 = tpu.vector_load_idx %arg9[%parallel_loop3A_150] : memref<2176xf32, #tpu.memory_space<vmem>>[vector<16xi32>], vector<16xf32>,
      %parallel_loop3A_152 = arith.constant 6 : i32
      %parallel_loop3A_153 = vector.broadcast %parallel_loop3A_152 : i32 to vector<16xi32>
      %parallel_loop3A_154 = arith.addi %parallel_loop3A_127, %parallel_loop3A_153 : vector<16xi32>
      %parallel_loop3A_155 = tpu.vector_load_idx %arg9[%parallel_loop3A_154] : memref<2176xf32, #tpu.memory_space<vmem>>[vector<16xi32>], vector<16xf32>,
      %parallel_loop3A_156 = arith.constant 7 : i32
      %parallel_loop3A_157 = vector.broadcast %parallel_loop3A_156 : i32 to vector<16xi32>
      %parallel_loop3A_158 = arith.addi %parallel_loop3A_127, %parallel_loop3A_157 : vector<16xi32>
      %parallel_loop3A_159 = tpu.vector_load_idx %arg9[%parallel_loop3A_158] : memref<2176xf32, #tpu.memory_space<vmem>>[vector<16xi32>], vector<16xf32>,
      %parallel_loop3A_160 = arith.constant 8 : i32
      %parallel_loop3A_161 = vector.broadcast %parallel_loop3A_160 : i32 to vector<16xi32>
      %parallel_loop3A_162 = arith.addi %parallel_loop3A_127, %parallel_loop3A_161 : vector<16xi32>
      %parallel_loop3A_163 = tpu.vector_load_idx %arg9[%parallel_loop3A_162] : memref<2176xf32, #tpu.memory_space<vmem>>[vector<16xi32>], vector<16xf32>,
      %parallel_loop3A_164 = arith.constant 9 : i32
      %parallel_loop3A_165 = vector.broadcast %parallel_loop3A_164 : i32 to vector<16xi32>
      %parallel_loop3A_166 = arith.addi %parallel_loop3A_127, %parallel_loop3A_165 : vector<16xi32>
      %parallel_loop3A_167 = tpu.vector_load_idx %arg9[%parallel_loop3A_166] : memref<2176xf32, #tpu.memory_space<vmem>>[vector<16xi32>], vector<16xf32>,
      %parallel_loop3A_168 = arith.constant 10 : i32
      %parallel_loop3A_169 = vector.broadcast %parallel_loop3A_168 : i32 to vector<16xi32>
      %parallel_loop3A_170 = arith.addi %parallel_loop3A_127, %parallel_loop3A_169 : vector<16xi32>
      %parallel_loop3A_171 = tpu.vector_load_idx %arg9[%parallel_loop3A_170] : memref<2176xf32, #tpu.memory_space<vmem>>[vector<16xi32>], vector<16xf32>,
      %parallel_loop3A_172 = arith.constant 11 : i32
      %parallel_loop3A_173 = vector.broadcast %parallel_loop3A_172 : i32 to vector<16xi32>
      %parallel_loop3A_174 = arith.addi %parallel_loop3A_127, %parallel_loop3A_173 : vector<16xi32>
      %parallel_loop3A_175 = tpu.vector_load_idx %arg9[%parallel_loop3A_174] : memref<2176xf32, #tpu.memory_space<vmem>>[vector<16xi32>], vector<16xf32>,
      %parallel_loop3A_176 = arith.constant 12 : i32
      %parallel_loop3A_177 = vector.broadcast %parallel_loop3A_176 : i32 to vector<16xi32>
      %parallel_loop3A_178 = arith.addi %parallel_loop3A_127, %parallel_loop3A_177 : vector<16xi32>
      %parallel_loop3A_179 = tpu.vector_load_idx %arg9[%parallel_loop3A_178] : memref<2176xf32, #tpu.memory_space<vmem>>[vector<16xi32>], vector<16xf32>,
      %parallel_loop3A_180 = arith.constant 13 : i32
      %parallel_loop3A_181 = vector.broadcast %parallel_loop3A_180 : i32 to vector<16xi32>
      %parallel_loop3A_182 = arith.addi %parallel_loop3A_127, %parallel_loop3A_181 : vector<16xi32>
      %parallel_loop3A_183 = tpu.vector_load_idx %arg9[%parallel_loop3A_182] : memref<2176xf32, #tpu.memory_space<vmem>>[vector<16xi32>], vector<16xf32>,
      %parallel_loop3A_184 = arith.constant 14 : i32
      %parallel_loop3A_185 = vector.broadcast %parallel_loop3A_184 : i32 to vector<16xi32>
      %parallel_loop3A_186 = arith.addi %parallel_loop3A_127, %parallel_loop3A_185 : vector<16xi32>
      %parallel_loop3A_187 = tpu.vector_load_idx %arg9[%parallel_loop3A_186] : memref<2176xf32, #tpu.memory_space<vmem>>[vector<16xi32>], vector<16xf32>,
      %parallel_loop3A_188 = arith.constant 15 : i32
      %parallel_loop3A_189 = vector.broadcast %parallel_loop3A_188 : i32 to vector<16xi32>
      %parallel_loop3A_190 = arith.addi %parallel_loop3A_127, %parallel_loop3A_189 : vector<16xi32>
      %parallel_loop3A_191 = tpu.vector_load_idx %arg9[%parallel_loop3A_190] : memref<2176xf32, #tpu.memory_space<vmem>>[vector<16xi32>], vector<16xf32>,
      %parallel_loop3A_192 = arith.addf %parallel_loop3A_131, %parallel_loop3A_135 : vector<16xf32>
      %parallel_loop3A_193 = arith.addf %parallel_loop3A_139, %parallel_loop3A_143 : vector<16xf32>
      %parallel_loop3A_194 = arith.addf %parallel_loop3A_147, %parallel_loop3A_151 : vector<16xf32>
      %parallel_loop3A_195 = arith.addf %parallel_loop3A_155, %parallel_loop3A_159 : vector<16xf32>
      %parallel_loop3A_196 = arith.addf %parallel_loop3A_163, %parallel_loop3A_167 : vector<16xf32>
      %parallel_loop3A_197 = arith.addf %parallel_loop3A_171, %parallel_loop3A_175 : vector<16xf32>
      %parallel_loop3A_198 = arith.addf %parallel_loop3A_179, %parallel_loop3A_183 : vector<16xf32>
      %parallel_loop3A_199 = arith.addf %parallel_loop3A_187, %parallel_loop3A_191 : vector<16xf32>
      %parallel_loop3A_200 = arith.addf %parallel_loop3A_192, %parallel_loop3A_193 : vector<16xf32>
      %parallel_loop3A_201 = arith.addf %parallel_loop3A_194, %parallel_loop3A_195 : vector<16xf32>
      %parallel_loop3A_202 = arith.addf %parallel_loop3A_196, %parallel_loop3A_197 : vector<16xf32>
      %parallel_loop3A_203 = arith.addf %parallel_loop3A_198, %parallel_loop3A_199 : vector<16xf32>
      %parallel_loop3A_204 = arith.addf %parallel_loop3A_200, %parallel_loop3A_201 : vector<16xf32>
      %parallel_loop3A_205 = arith.addf %parallel_loop3A_202, %parallel_loop3A_203 : vector<16xf32>
      %parallel_loop3A_206 = arith.addf %parallel_loop3A_204, %parallel_loop3A_205 : vector<16xf32>
      %parallel_loop3A_207 = arith.constant 16 : i32
      %parallel_loop3A_208 = arith.muli %parallel_loop3A_120, %parallel_loop3A_207 : i32
      %parallel_loop3A_209 = arith.constant 128 : i32
      %parallel_loop3A_210 = arith.addi %parallel_loop3A_209, %parallel_loop3A_208 : i32
      %parallel_loop3A_211 = arith.index_cast %parallel_loop3A_210 : i32 to index
      %parallel_loop3A_212 = tpu.vector_load %arg8[%parallel_loop3A_211] {strides = array<i32>} : memref<512xf32, #tpu.memory_space<vmem>>, vector<16xf32>,
      tpu.vector_store %arg8[%parallel_loop3A_211], %parallel_loop3A_206 {strides = array<i32>} : memref<512xf32, #tpu.memory_space<vmem>>, vector<16xf32>,
    } {sc.loop_unroll_factor = 2 : i64, sc.parallel_access}
    %add3A_75 = arith.constant 384 : i32
    %add3A_76 = arith.addi %mul3A_2, %add3A_75 : i32
    %mul3A_77 = arith.constant 128 : i32
    %mul3A_78 = arith.muli %add3A_76, %mul3A_77 : i32
    %dma_start3A_79 = tpu.memref_slice %arg2[%mul3A_78] : memref<2097152xf32, #tpu.memory_space<hbm>> -> memref<16384xf32, #tpu.memory_space<hbm>>
    %dma_start3A_80 = tpu.memref_slice %arg2[%mul3A_78] : memref<2097152xf32, #tpu.memory_space<hbm>> -> memref<16384xf32, #tpu.memory_space<hbm>>
    tpu.enqueue_dma source(%dma_start3A_80 : memref<16384xf32, #tpu.memory_space<hbm>>) target(%arg13 : memref<16384xf32, #tpu.memory_space<vmem>>) target_semaphore(%arg19 : memref<!tpu.dma_semaphore, #tpu.memory_space<semaphore_mem>>)
    %mul3A_81 = arith.constant 128 : i32
    %mul3A_82 = arith.muli %add3A_76, %mul3A_81 : i32
    %dma_start3A_83 = tpu.memref_slice %arg4[%mul3A_82] : memref<2097152xf32, #tpu.memory_space<hbm>> -> memref<16384xf32, #tpu.memory_space<hbm>>
    %dma_start3A_84 = tpu.memref_slice %arg4[%mul3A_82] : memref<2097152xf32, #tpu.memory_space<hbm>> -> memref<16384xf32, #tpu.memory_space<hbm>>
    tpu.enqueue_dma source(%dma_start3A_84 : memref<16384xf32, #tpu.memory_space<hbm>>) target(%arg14 : memref<16384xf32, #tpu.memory_space<vmem>>) target_semaphore(%arg20 : memref<!tpu.dma_semaphore, #tpu.memory_space<semaphore_mem>>)
    %dma_start3A_85 = arith.constant 384 : i32
    %dma_start3A_86 = tpu.memref_slice %arg7[%dma_start3A_85] : memref<512xi32, #tpu.memory_space<vmem>> -> memref<128xi32, #tpu.memory_space<vmem>>
    %dma_start3A_87 = arith.constant 0 : i32
    %dma_start3A_88 = arith.constant 0 : i32
    %dma_start3A_89 = tpu.memref_slice %arg5[%dma_start3A_87, %dma_start3A_88] : memref<100000x128xf32, #tpu.memory_space<hbm>> -> memref<100000x128xf32, #tpu.memory_space<hbm>>
    tpu.enqueue_indirect_dma source(%dma_start3A_89 : memref<100000x128xf32, #tpu.memory_space<hbm>>) target(%arg15 : memref<128x128xf32, #tpu.memory_space<vmem>>) offsets(%dma_start3A_86 : memref<128xi32, #tpu.memory_space<vmem>>) semaphore(%arg21 : memref<!tpu.dma_semaphore, #tpu.memory_space<semaphore_mem>>)
    %dma_wait3A_90 = tpu.memref_slice %arg2[%mul3A_48] : memref<2097152xf32, #tpu.memory_space<hbm>> -> memref<16384xf32, #tpu.memory_space<hbm>>
    %dma_wait3A_91 = tpu.memref_slice %arg2[%mul3A_48] : memref<2097152xf32, #tpu.memory_space<hbm>> -> memref<16384xf32, #tpu.memory_space<hbm>>
    tpu.wait_dma2 semaphore(%arg16 : memref<!tpu.dma_semaphore, #tpu.memory_space<semaphore_mem>>) src(%dma_wait3A_91 : memref<16384xf32, #tpu.memory_space<hbm>>) dst(%arg10 : memref<16384xf32, #tpu.memory_space<vmem>>)
    %dma_wait3A_92 = tpu.memref_slice %arg4[%mul3A_52] : memref<2097152xf32, #tpu.memory_space<hbm>> -> memref<16384xf32, #tpu.memory_space<hbm>>
    %dma_wait3A_93 = tpu.memref_slice %arg4[%mul3A_52] : memref<2097152xf32, #tpu.memory_space<hbm>> -> memref<16384xf32, #tpu.memory_space<hbm>>
    tpu.wait_dma2 semaphore(%arg17 : memref<!tpu.dma_semaphore, #tpu.memory_space<semaphore_mem>>) src(%dma_wait3A_93 : memref<16384xf32, #tpu.memory_space<hbm>>) dst(%arg11 : memref<16384xf32, #tpu.memory_space<vmem>>)
    %dma_wait3A_94 = arith.constant 256 : i32
    %dma_wait3A_95 = tpu.memref_slice %arg7[%dma_wait3A_94] : memref<512xi32, #tpu.memory_space<vmem>> -> memref<128xi32, #tpu.memory_space<vmem>>
    %dma_wait3A_96 = arith.constant 0 : i32
    %dma_wait3A_97 = arith.constant 0 : i32
    %dma_wait3A_98 = tpu.memref_slice %arg5[%dma_wait3A_96, %dma_wait3A_97] : memref<100000x128xf32, #tpu.memory_space<hbm>> -> memref<100000x128xf32, #tpu.memory_space<hbm>>
    tpu.wait_indirect_dma semaphore(%arg18 : memref<!tpu.dma_semaphore, #tpu.memory_space<semaphore_mem>>) src(%dma_wait3A_98 : memref<100000x128xf32, #tpu.memory_space<hbm>>) dst(%arg12 : memref<128x128xf32, #tpu.memory_space<vmem>>)
    %parallel_loop3A_99 = arith.constant 0 : i32
    %parallel_loop3A_100 = arith.constant 128 : i32
    %parallel_loop3A_101 = arith.constant 1 : i32
    scf.for %parallel_loop3A_120 = %parallel_loop3A_99 to %parallel_loop3A_100 step %parallel_loop3A_101  : i32 {
      %parallel_loop3A_121 = arith.constant 128 : i32
      %parallel_loop3A_122 = arith.muli %parallel_loop3A_120, %parallel_loop3A_121 : i32
      %parallel_loop3A_123 = arith.constant 0 : i32
      %parallel_loop3A_124 = arith.addi %parallel_loop3A_122, %parallel_loop3A_123 : i32
      %parallel_loop3A_125 = arith.constant 64 : i32
      %parallel_loop3A_126 = arith.addi %parallel_loop3A_124, %parallel_loop3A_125 : i32
      %parallel_loop3A_127 = arith.index_cast %parallel_loop3A_124 : i32 to index
      %parallel_loop3A_128 = tpu.vector_load %arg10[%parallel_loop3A_127] {strides = array<i32>} : memref<16384xf32, #tpu.memory_space<vmem>>, vector<16xf32>,
      %parallel_loop3A_129 = arith.index_cast %parallel_loop3A_126 : i32 to index
      %parallel_loop3A_130 = tpu.vector_load %arg10[%parallel_loop3A_129] {strides = array<i32>} : memref<16384xf32, #tpu.memory_space<vmem>>, vector<16xf32>,
      %parallel_loop3A_131 = arith.index_cast %parallel_loop3A_124 : i32 to index
      %parallel_loop3A_132 = tpu.vector_load %arg11[%parallel_loop3A_131] {strides = array<i32>} : memref<16384xf32, #tpu.memory_space<vmem>>, vector<16xf32>,
      %parallel_loop3A_133 = arith.index_cast %parallel_loop3A_126 : i32 to index
      %parallel_loop3A_134 = tpu.vector_load %arg11[%parallel_loop3A_133] {strides = array<i32>} : memref<16384xf32, #tpu.memory_space<vmem>>, vector<16xf32>,
      %parallel_loop3A_135 = arith.index_cast %parallel_loop3A_120 : i32 to index
      %parallel_loop3A_136 = arith.constant 0 : index
      %parallel_loop3A_137 = tpu.vector_load %arg12[%parallel_loop3A_135, %parallel_loop3A_136] {strides = array<i32>} : memref<128x128xf32, #tpu.memory_space<vmem>>, vector<16xf32>,
      %parallel_loop3A_138 = arith.index_cast %parallel_loop3A_120 : i32 to index
      %parallel_loop3A_139 = arith.constant 64 : index
      %parallel_loop3A_140 = tpu.vector_load %arg12[%parallel_loop3A_138, %parallel_loop3A_139] {strides = array<i32>} : memref<128x128xf32, #tpu.memory_space<vmem>>, vector<16xf32>,
      %parallel_loop3A_141 = arith.mulf %parallel_loop3A_128, %parallel_loop3A_132 : vector<16xf32>
      %parallel_loop3A_142 = arith.mulf %parallel_loop3A_130, %parallel_loop3A_134 : vector<16xf32>
      %parallel_loop3A_143 = arith.addf %parallel_loop3A_141, %parallel_loop3A_142 : vector<16xf32>
      %parallel_loop3A_144 = arith.mulf %parallel_loop3A_137, %parallel_loop3A_143 : vector<16xf32>
      %parallel_loop3A_145 = arith.mulf %parallel_loop3A_128, %parallel_loop3A_134 : vector<16xf32>
      %parallel_loop3A_146 = arith.mulf %parallel_loop3A_130, %parallel_loop3A_132 : vector<16xf32>
      %parallel_loop3A_147 = arith.subf %parallel_loop3A_145, %parallel_loop3A_146 : vector<16xf32>
      %parallel_loop3A_148 = arith.mulf %parallel_loop3A_140, %parallel_loop3A_147 : vector<16xf32>
      %parallel_loop3A_149 = arith.constant 16 : i32
      %parallel_loop3A_150 = arith.addi %parallel_loop3A_122, %parallel_loop3A_149 : i32
      %parallel_loop3A_151 = arith.constant 64 : i32
      %parallel_loop3A_152 = arith.addi %parallel_loop3A_150, %parallel_loop3A_151 : i32
      %parallel_loop3A_153 = arith.index_cast %parallel_loop3A_150 : i32 to index
      %parallel_loop3A_154 = tpu.vector_load %arg10[%parallel_loop3A_153] {strides = array<i32>} : memref<16384xf32, #tpu.memory_space<vmem>>, vector<16xf32>,
      %parallel_loop3A_155 = arith.index_cast %parallel_loop3A_152 : i32 to index
      %parallel_loop3A_156 = tpu.vector_load %arg10[%parallel_loop3A_155] {strides = array<i32>} : memref<16384xf32, #tpu.memory_space<vmem>>, vector<16xf32>,
      %parallel_loop3A_157 = arith.index_cast %parallel_loop3A_150 : i32 to index
      %parallel_loop3A_158 = tpu.vector_load %arg11[%parallel_loop3A_157] {strides = array<i32>} : memref<16384xf32, #tpu.memory_space<vmem>>, vector<16xf32>,
      %parallel_loop3A_159 = arith.index_cast %parallel_loop3A_152 : i32 to index
      %parallel_loop3A_160 = tpu.vector_load %arg11[%parallel_loop3A_159] {strides = array<i32>} : memref<16384xf32, #tpu.memory_space<vmem>>, vector<16xf32>,
      %parallel_loop3A_161 = arith.index_cast %parallel_loop3A_120 : i32 to index
      %parallel_loop3A_162 = arith.constant 16 : index
      %parallel_loop3A_163 = tpu.vector_load %arg12[%parallel_loop3A_161, %parallel_loop3A_162] {strides = array<i32>} : memref<128x128xf32, #tpu.memory_space<vmem>>, vector<16xf32>,
      %parallel_loop3A_164 = arith.index_cast %parallel_loop3A_120 : i32 to index
      %parallel_loop3A_165 = arith.constant 80 : index
      %parallel_loop3A_166 = tpu.vector_load %arg12[%parallel_loop3A_164, %parallel_loop3A_165] {strides = array<i32>} : memref<128x128xf32, #tpu.memory_space<vmem>>, vector<16xf32>,
      %parallel_loop3A_167 = arith.mulf %parallel_loop3A_154, %parallel_loop3A_158 : vector<16xf32>
      %parallel_loop3A_168 = arith.mulf %parallel_loop3A_156, %parallel_loop3A_160 : vector<16xf32>
      %parallel_loop3A_169 = arith.addf %parallel_loop3A_167, %parallel_loop3A_168 : vector<16xf32>
      %parallel_loop3A_170 = arith.mulf %parallel_loop3A_163, %parallel_loop3A_169 : vector<16xf32>
      %parallel_loop3A_171 = arith.mulf %parallel_loop3A_154, %parallel_loop3A_160 : vector<16xf32>
      %parallel_loop3A_172 = arith.mulf %parallel_loop3A_156, %parallel_loop3A_158 : vector<16xf32>
      %parallel_loop3A_173 = arith.subf %parallel_loop3A_171, %parallel_loop3A_172 : vector<16xf32>
      %parallel_loop3A_174 = arith.mulf %parallel_loop3A_166, %parallel_loop3A_173 : vector<16xf32>
      %parallel_loop3A_175 = arith.addf %parallel_loop3A_144, %parallel_loop3A_170 : vector<16xf32>
      %parallel_loop3A_176 = arith.addf %parallel_loop3A_148, %parallel_loop3A_174 : vector<16xf32>
      %parallel_loop3A_177 = arith.constant 32 : i32
      %parallel_loop3A_178 = arith.addi %parallel_loop3A_122, %parallel_loop3A_177 : i32
      %parallel_loop3A_179 = arith.constant 64 : i32
      %parallel_loop3A_180 = arith.addi %parallel_loop3A_178, %parallel_loop3A_179 : i32
      %parallel_loop3A_181 = arith.index_cast %parallel_loop3A_178 : i32 to index
      %parallel_loop3A_182 = tpu.vector_load %arg10[%parallel_loop3A_181] {strides = array<i32>} : memref<16384xf32, #tpu.memory_space<vmem>>, vector<16xf32>,
      %parallel_loop3A_183 = arith.index_cast %parallel_loop3A_180 : i32 to index
      %parallel_loop3A_184 = tpu.vector_load %arg10[%parallel_loop3A_183] {strides = array<i32>} : memref<16384xf32, #tpu.memory_space<vmem>>, vector<16xf32>,
      %parallel_loop3A_185 = arith.index_cast %parallel_loop3A_178 : i32 to index
      %parallel_loop3A_186 = tpu.vector_load %arg11[%parallel_loop3A_185] {strides = array<i32>} : memref<16384xf32, #tpu.memory_space<vmem>>, vector<16xf32>,
      %parallel_loop3A_187 = arith.index_cast %parallel_loop3A_180 : i32 to index
      %parallel_loop3A_188 = tpu.vector_load %arg11[%parallel_loop3A_187] {strides = array<i32>} : memref<16384xf32, #tpu.memory_space<vmem>>, vector<16xf32>,
      %parallel_loop3A_189 = arith.index_cast %parallel_loop3A_120 : i32 to index
      %parallel_loop3A_190 = arith.constant 32 : index
      %parallel_loop3A_191 = tpu.vector_load %arg12[%parallel_loop3A_189, %parallel_loop3A_190] {strides = array<i32>} : memref<128x128xf32, #tpu.memory_space<vmem>>, vector<16xf32>,
      %parallel_loop3A_192 = arith.index_cast %parallel_loop3A_120 : i32 to index
      %parallel_loop3A_193 = arith.constant 96 : index
      %parallel_loop3A_194 = tpu.vector_load %arg12[%parallel_loop3A_192, %parallel_loop3A_193] {strides = array<i32>} : memref<128x128xf32, #tpu.memory_space<vmem>>, vector<16xf32>,
      %parallel_loop3A_195 = arith.mulf %parallel_loop3A_182, %parallel_loop3A_186 : vector<16xf32>
      %parallel_loop3A_196 = arith.mulf %parallel_loop3A_184, %parallel_loop3A_188 : vector<16xf32>
      %parallel_loop3A_197 = arith.addf %parallel_loop3A_195, %parallel_loop3A_196 : vector<16xf32>
      %parallel_loop3A_198 = arith.mulf %parallel_loop3A_191, %parallel_loop3A_197 : vector<16xf32>
      %parallel_loop3A_199 = arith.mulf %parallel_loop3A_182, %parallel_loop3A_188 : vector<16xf32>
      %parallel_loop3A_200 = arith.mulf %parallel_loop3A_184, %parallel_loop3A_186 : vector<16xf32>
      %parallel_loop3A_201 = arith.subf %parallel_loop3A_199, %parallel_loop3A_200 : vector<16xf32>
      %parallel_loop3A_202 = arith.mulf %parallel_loop3A_194, %parallel_loop3A_201 : vector<16xf32>
      %parallel_loop3A_203 = arith.addf %parallel_loop3A_175, %parallel_loop3A_198 : vector<16xf32>
      %parallel_loop3A_204 = arith.addf %parallel_loop3A_176, %parallel_loop3A_202 : vector<16xf32>
      %parallel_loop3A_205 = arith.constant 48 : i32
      %parallel_loop3A_206 = arith.addi %parallel_loop3A_122, %parallel_loop3A_205 : i32
      %parallel_loop3A_207 = arith.constant 64 : i32
      %parallel_loop3A_208 = arith.addi %parallel_loop3A_206, %parallel_loop3A_207 : i32
      %parallel_loop3A_209 = arith.index_cast %parallel_loop3A_206 : i32 to index
      %parallel_loop3A_210 = tpu.vector_load %arg10[%parallel_loop3A_209] {strides = array<i32>} : memref<16384xf32, #tpu.memory_space<vmem>>, vector<16xf32>,
      %parallel_loop3A_211 = arith.index_cast %parallel_loop3A_208 : i32 to index
      %parallel_loop3A_212 = tpu.vector_load %arg10[%parallel_loop3A_211] {strides = array<i32>} : memref<16384xf32, #tpu.memory_space<vmem>>, vector<16xf32>,
      %parallel_loop3A_213 = arith.index_cast %parallel_loop3A_206 : i32 to index
      %parallel_loop3A_214 = tpu.vector_load %arg11[%parallel_loop3A_213] {strides = array<i32>} : memref<16384xf32, #tpu.memory_space<vmem>>, vector<16xf32>,
      %parallel_loop3A_215 = arith.index_cast %parallel_loop3A_208 : i32 to index
      %parallel_loop3A_216 = tpu.vector_load %arg11[%parallel_loop3A_215] {strides = array<i32>} : memref<16384xf32, #tpu.memory_space<vmem>>, vector<16xf32>,
      %parallel_loop3A_217 = arith.index_cast %parallel_loop3A_120 : i32 to index
      %parallel_loop3A_218 = arith.constant 48 : index
      %parallel_loop3A_219 = tpu.vector_load %arg12[%parallel_loop3A_217, %parallel_loop3A_218] {strides = array<i32>} : memref<128x128xf32, #tpu.memory_space<vmem>>, vector<16xf32>,
      %parallel_loop3A_220 = arith.index_cast %parallel_loop3A_120 : i32 to index
      %parallel_loop3A_221 = arith.constant 112 : index
      %parallel_loop3A_222 = tpu.vector_load %arg12[%parallel_loop3A_220, %parallel_loop3A_221] {strides = array<i32>} : memref<128x128xf32, #tpu.memory_space<vmem>>, vector<16xf32>,
      %parallel_loop3A_223 = arith.mulf %parallel_loop3A_210, %parallel_loop3A_214 : vector<16xf32>
      %parallel_loop3A_224 = arith.mulf %parallel_loop3A_212, %parallel_loop3A_216 : vector<16xf32>
      %parallel_loop3A_225 = arith.addf %parallel_loop3A_223, %parallel_loop3A_224 : vector<16xf32>
      %parallel_loop3A_226 = arith.mulf %parallel_loop3A_219, %parallel_loop3A_225 : vector<16xf32>
      %parallel_loop3A_227 = arith.mulf %parallel_loop3A_210, %parallel_loop3A_216 : vector<16xf32>
      %parallel_loop3A_228 = arith.mulf %parallel_loop3A_212, %parallel_loop3A_214 : vector<16xf32>
      %parallel_loop3A_229 = arith.subf %parallel_loop3A_227, %parallel_loop3A_228 : vector<16xf32>
      %parallel_loop3A_230 = arith.mulf %parallel_loop3A_222, %parallel_loop3A_229 : vector<16xf32>
      %parallel_loop3A_231 = arith.addf %parallel_loop3A_203, %parallel_loop3A_226 : vector<16xf32>
      %parallel_loop3A_232 = arith.addf %parallel_loop3A_204, %parallel_loop3A_230 : vector<16xf32>
      %parallel_loop3A_233 = arith.addf %parallel_loop3A_231, %parallel_loop3A_232 : vector<16xf32>
      %parallel_loop3A_234 = arith.constant 17 : i32
      %parallel_loop3A_235 = arith.muli %parallel_loop3A_120, %parallel_loop3A_234 : i32
      %parallel_loop3A_236 = arith.index_cast %parallel_loop3A_235 : i32 to index
      %parallel_loop3A_237 = tpu.vector_load %arg9[%parallel_loop3A_236] {strides = array<i32>} : memref<2176xf32, #tpu.memory_space<vmem>>, vector<16xf32>,
      tpu.vector_store %arg9[%parallel_loop3A_236], %parallel_loop3A_233 {strides = array<i32>} : memref<2176xf32, #tpu.memory_space<vmem>>, vector<16xf32>,
    } {sc.loop_unroll_factor = 4 : i64, sc.parallel_access}
    %parallel_loop3A_102 = arith.constant 0 : i32
    %parallel_loop3A_103 = arith.constant 8 : i32
    %parallel_loop3A_104 = arith.constant 1 : i32
    scf.for %parallel_loop3A_120 = %parallel_loop3A_102 to %parallel_loop3A_103 step %parallel_loop3A_104  : i32 {
      %parallel_loop3A_121 = arith.constant 16 : i32
      %parallel_loop3A_122 = arith.muli %parallel_loop3A_120, %parallel_loop3A_121 : i32
      %parallel_loop3A_123 = vector.broadcast %parallel_loop3A_122 : i32 to vector<16xi32>
      %parallel_loop3A_124 = arith.addi %parallel_loop3A_123, %iota3A : vector<16xi32>
      %parallel_loop3A_125 = arith.constant 17 : i32
      %parallel_loop3A_126 = vector.broadcast %parallel_loop3A_125 : i32 to vector<16xi32>
      %parallel_loop3A_127 = arith.muli %parallel_loop3A_124, %parallel_loop3A_126 : vector<16xi32>
      %parallel_loop3A_128 = arith.constant 0 : i32
      %parallel_loop3A_129 = vector.broadcast %parallel_loop3A_128 : i32 to vector<16xi32>
      %parallel_loop3A_130 = arith.addi %parallel_loop3A_127, %parallel_loop3A_129 : vector<16xi32>
      %parallel_loop3A_131 = tpu.vector_load_idx %arg9[%parallel_loop3A_130] : memref<2176xf32, #tpu.memory_space<vmem>>[vector<16xi32>], vector<16xf32>,
      %parallel_loop3A_132 = arith.constant 1 : i32
      %parallel_loop3A_133 = vector.broadcast %parallel_loop3A_132 : i32 to vector<16xi32>
      %parallel_loop3A_134 = arith.addi %parallel_loop3A_127, %parallel_loop3A_133 : vector<16xi32>
      %parallel_loop3A_135 = tpu.vector_load_idx %arg9[%parallel_loop3A_134] : memref<2176xf32, #tpu.memory_space<vmem>>[vector<16xi32>], vector<16xf32>,
      %parallel_loop3A_136 = arith.constant 2 : i32
      %parallel_loop3A_137 = vector.broadcast %parallel_loop3A_136 : i32 to vector<16xi32>
      %parallel_loop3A_138 = arith.addi %parallel_loop3A_127, %parallel_loop3A_137 : vector<16xi32>
      %parallel_loop3A_139 = tpu.vector_load_idx %arg9[%parallel_loop3A_138] : memref<2176xf32, #tpu.memory_space<vmem>>[vector<16xi32>], vector<16xf32>,
      %parallel_loop3A_140 = arith.constant 3 : i32
      %parallel_loop3A_141 = vector.broadcast %parallel_loop3A_140 : i32 to vector<16xi32>
      %parallel_loop3A_142 = arith.addi %parallel_loop3A_127, %parallel_loop3A_141 : vector<16xi32>
      %parallel_loop3A_143 = tpu.vector_load_idx %arg9[%parallel_loop3A_142] : memref<2176xf32, #tpu.memory_space<vmem>>[vector<16xi32>], vector<16xf32>,
      %parallel_loop3A_144 = arith.constant 4 : i32
      %parallel_loop3A_145 = vector.broadcast %parallel_loop3A_144 : i32 to vector<16xi32>
      %parallel_loop3A_146 = arith.addi %parallel_loop3A_127, %parallel_loop3A_145 : vector<16xi32>
      %parallel_loop3A_147 = tpu.vector_load_idx %arg9[%parallel_loop3A_146] : memref<2176xf32, #tpu.memory_space<vmem>>[vector<16xi32>], vector<16xf32>,
      %parallel_loop3A_148 = arith.constant 5 : i32
      %parallel_loop3A_149 = vector.broadcast %parallel_loop3A_148 : i32 to vector<16xi32>
      %parallel_loop3A_150 = arith.addi %parallel_loop3A_127, %parallel_loop3A_149 : vector<16xi32>
      %parallel_loop3A_151 = tpu.vector_load_idx %arg9[%parallel_loop3A_150] : memref<2176xf32, #tpu.memory_space<vmem>>[vector<16xi32>], vector<16xf32>,
      %parallel_loop3A_152 = arith.constant 6 : i32
      %parallel_loop3A_153 = vector.broadcast %parallel_loop3A_152 : i32 to vector<16xi32>
      %parallel_loop3A_154 = arith.addi %parallel_loop3A_127, %parallel_loop3A_153 : vector<16xi32>
      %parallel_loop3A_155 = tpu.vector_load_idx %arg9[%parallel_loop3A_154] : memref<2176xf32, #tpu.memory_space<vmem>>[vector<16xi32>], vector<16xf32>,
      %parallel_loop3A_156 = arith.constant 7 : i32
      %parallel_loop3A_157 = vector.broadcast %parallel_loop3A_156 : i32 to vector<16xi32>
      %parallel_loop3A_158 = arith.addi %parallel_loop3A_127, %parallel_loop3A_157 : vector<16xi32>
      %parallel_loop3A_159 = tpu.vector_load_idx %arg9[%parallel_loop3A_158] : memref<2176xf32, #tpu.memory_space<vmem>>[vector<16xi32>], vector<16xf32>,
      %parallel_loop3A_160 = arith.constant 8 : i32
      %parallel_loop3A_161 = vector.broadcast %parallel_loop3A_160 : i32 to vector<16xi32>
      %parallel_loop3A_162 = arith.addi %parallel_loop3A_127, %parallel_loop3A_161 : vector<16xi32>
      %parallel_loop3A_163 = tpu.vector_load_idx %arg9[%parallel_loop3A_162] : memref<2176xf32, #tpu.memory_space<vmem>>[vector<16xi32>], vector<16xf32>,
      %parallel_loop3A_164 = arith.constant 9 : i32
      %parallel_loop3A_165 = vector.broadcast %parallel_loop3A_164 : i32 to vector<16xi32>
      %parallel_loop3A_166 = arith.addi %parallel_loop3A_127, %parallel_loop3A_165 : vector<16xi32>
      %parallel_loop3A_167 = tpu.vector_load_idx %arg9[%parallel_loop3A_166] : memref<2176xf32, #tpu.memory_space<vmem>>[vector<16xi32>], vector<16xf32>,
      %parallel_loop3A_168 = arith.constant 10 : i32
      %parallel_loop3A_169 = vector.broadcast %parallel_loop3A_168 : i32 to vector<16xi32>
      %parallel_loop3A_170 = arith.addi %parallel_loop3A_127, %parallel_loop3A_169 : vector<16xi32>
      %parallel_loop3A_171 = tpu.vector_load_idx %arg9[%parallel_loop3A_170] : memref<2176xf32, #tpu.memory_space<vmem>>[vector<16xi32>], vector<16xf32>,
      %parallel_loop3A_172 = arith.constant 11 : i32
      %parallel_loop3A_173 = vector.broadcast %parallel_loop3A_172 : i32 to vector<16xi32>
      %parallel_loop3A_174 = arith.addi %parallel_loop3A_127, %parallel_loop3A_173 : vector<16xi32>
      %parallel_loop3A_175 = tpu.vector_load_idx %arg9[%parallel_loop3A_174] : memref<2176xf32, #tpu.memory_space<vmem>>[vector<16xi32>], vector<16xf32>,
      %parallel_loop3A_176 = arith.constant 12 : i32
      %parallel_loop3A_177 = vector.broadcast %parallel_loop3A_176 : i32 to vector<16xi32>
      %parallel_loop3A_178 = arith.addi %parallel_loop3A_127, %parallel_loop3A_177 : vector<16xi32>
      %parallel_loop3A_179 = tpu.vector_load_idx %arg9[%parallel_loop3A_178] : memref<2176xf32, #tpu.memory_space<vmem>>[vector<16xi32>], vector<16xf32>,
      %parallel_loop3A_180 = arith.constant 13 : i32
      %parallel_loop3A_181 = vector.broadcast %parallel_loop3A_180 : i32 to vector<16xi32>
      %parallel_loop3A_182 = arith.addi %parallel_loop3A_127, %parallel_loop3A_181 : vector<16xi32>
      %parallel_loop3A_183 = tpu.vector_load_idx %arg9[%parallel_loop3A_182] : memref<2176xf32, #tpu.memory_space<vmem>>[vector<16xi32>], vector<16xf32>,
      %parallel_loop3A_184 = arith.constant 14 : i32
      %parallel_loop3A_185 = vector.broadcast %parallel_loop3A_184 : i32 to vector<16xi32>
      %parallel_loop3A_186 = arith.addi %parallel_loop3A_127, %parallel_loop3A_185 : vector<16xi32>
      %parallel_loop3A_187 = tpu.vector_load_idx %arg9[%parallel_loop3A_186] : memref<2176xf32, #tpu.memory_space<vmem>>[vector<16xi32>], vector<16xf32>,
      %parallel_loop3A_188 = arith.constant 15 : i32
      %parallel_loop3A_189 = vector.broadcast %parallel_loop3A_188 : i32 to vector<16xi32>
      %parallel_loop3A_190 = arith.addi %parallel_loop3A_127, %parallel_loop3A_189 : vector<16xi32>
      %parallel_loop3A_191 = tpu.vector_load_idx %arg9[%parallel_loop3A_190] : memref<2176xf32, #tpu.memory_space<vmem>>[vector<16xi32>], vector<16xf32>,
      %parallel_loop3A_192 = arith.addf %parallel_loop3A_131, %parallel_loop3A_135 : vector<16xf32>
      %parallel_loop3A_193 = arith.addf %parallel_loop3A_139, %parallel_loop3A_143 : vector<16xf32>
      %parallel_loop3A_194 = arith.addf %parallel_loop3A_147, %parallel_loop3A_151 : vector<16xf32>
      %parallel_loop3A_195 = arith.addf %parallel_loop3A_155, %parallel_loop3A_159 : vector<16xf32>
      %parallel_loop3A_196 = arith.addf %parallel_loop3A_163, %parallel_loop3A_167 : vector<16xf32>
      %parallel_loop3A_197 = arith.addf %parallel_loop3A_171, %parallel_loop3A_175 : vector<16xf32>
      %parallel_loop3A_198 = arith.addf %parallel_loop3A_179, %parallel_loop3A_183 : vector<16xf32>
      %parallel_loop3A_199 = arith.addf %parallel_loop3A_187, %parallel_loop3A_191 : vector<16xf32>
      %parallel_loop3A_200 = arith.addf %parallel_loop3A_192, %parallel_loop3A_193 : vector<16xf32>
      %parallel_loop3A_201 = arith.addf %parallel_loop3A_194, %parallel_loop3A_195 : vector<16xf32>
      %parallel_loop3A_202 = arith.addf %parallel_loop3A_196, %parallel_loop3A_197 : vector<16xf32>
      %parallel_loop3A_203 = arith.addf %parallel_loop3A_198, %parallel_loop3A_199 : vector<16xf32>
      %parallel_loop3A_204 = arith.addf %parallel_loop3A_200, %parallel_loop3A_201 : vector<16xf32>
      %parallel_loop3A_205 = arith.addf %parallel_loop3A_202, %parallel_loop3A_203 : vector<16xf32>
      %parallel_loop3A_206 = arith.addf %parallel_loop3A_204, %parallel_loop3A_205 : vector<16xf32>
      %parallel_loop3A_207 = arith.constant 16 : i32
      %parallel_loop3A_208 = arith.muli %parallel_loop3A_120, %parallel_loop3A_207 : i32
      %parallel_loop3A_209 = arith.constant 256 : i32
      %parallel_loop3A_210 = arith.addi %parallel_loop3A_209, %parallel_loop3A_208 : i32
      %parallel_loop3A_211 = arith.index_cast %parallel_loop3A_210 : i32 to index
      %parallel_loop3A_212 = tpu.vector_load %arg8[%parallel_loop3A_211] {strides = array<i32>} : memref<512xf32, #tpu.memory_space<vmem>>, vector<16xf32>,
      tpu.vector_store %arg8[%parallel_loop3A_211], %parallel_loop3A_206 {strides = array<i32>} : memref<512xf32, #tpu.memory_space<vmem>>, vector<16xf32>,
    } {sc.loop_unroll_factor = 2 : i64, sc.parallel_access}
    %dma_wait3A_105 = tpu.memref_slice %arg2[%mul3A_78] : memref<2097152xf32, #tpu.memory_space<hbm>> -> memref<16384xf32, #tpu.memory_space<hbm>>
    %dma_wait3A_106 = tpu.memref_slice %arg2[%mul3A_78] : memref<2097152xf32, #tpu.memory_space<hbm>> -> memref<16384xf32, #tpu.memory_space<hbm>>
    tpu.wait_dma2 semaphore(%arg19 : memref<!tpu.dma_semaphore, #tpu.memory_space<semaphore_mem>>) src(%dma_wait3A_106 : memref<16384xf32, #tpu.memory_space<hbm>>) dst(%arg13 : memref<16384xf32, #tpu.memory_space<vmem>>)
    %dma_wait3A_107 = tpu.memref_slice %arg4[%mul3A_82] : memref<2097152xf32, #tpu.memory_space<hbm>> -> memref<16384xf32, #tpu.memory_space<hbm>>
    %dma_wait3A_108 = tpu.memref_slice %arg4[%mul3A_82] : memref<2097152xf32, #tpu.memory_space<hbm>> -> memref<16384xf32, #tpu.memory_space<hbm>>
    tpu.wait_dma2 semaphore(%arg20 : memref<!tpu.dma_semaphore, #tpu.memory_space<semaphore_mem>>) src(%dma_wait3A_108 : memref<16384xf32, #tpu.memory_space<hbm>>) dst(%arg14 : memref<16384xf32, #tpu.memory_space<vmem>>)
    %dma_wait3A_109 = arith.constant 384 : i32
    %dma_wait3A_110 = tpu.memref_slice %arg7[%dma_wait3A_109] : memref<512xi32, #tpu.memory_space<vmem>> -> memref<128xi32, #tpu.memory_space<vmem>>
    %dma_wait3A_111 = arith.constant 0 : i32
    %dma_wait3A_112 = arith.constant 0 : i32
    %dma_wait3A_113 = tpu.memref_slice %arg5[%dma_wait3A_111, %dma_wait3A_112] : memref<100000x128xf32, #tpu.memory_space<hbm>> -> memref<100000x128xf32, #tpu.memory_space<hbm>>
    tpu.wait_indirect_dma semaphore(%arg21 : memref<!tpu.dma_semaphore, #tpu.memory_space<semaphore_mem>>) src(%dma_wait3A_113 : memref<100000x128xf32, #tpu.memory_space<hbm>>) dst(%arg15 : memref<128x128xf32, #tpu.memory_space<vmem>>)
    %parallel_loop3A_114 = arith.constant 0 : i32
    %parallel_loop3A_115 = arith.constant 128 : i32
    %parallel_loop3A_116 = arith.constant 1 : i32
    scf.for %parallel_loop3A_120 = %parallel_loop3A_114 to %parallel_loop3A_115 step %parallel_loop3A_116  : i32 {
      %parallel_loop3A_121 = arith.constant 128 : i32
      %parallel_loop3A_122 = arith.muli %parallel_loop3A_120, %parallel_loop3A_121 : i32
      %parallel_loop3A_123 = arith.constant 0 : i32
      %parallel_loop3A_124 = arith.addi %parallel_loop3A_122, %parallel_loop3A_123 : i32
      %parallel_loop3A_125 = arith.constant 64 : i32
      %parallel_loop3A_126 = arith.addi %parallel_loop3A_124, %parallel_loop3A_125 : i32
      %parallel_loop3A_127 = arith.index_cast %parallel_loop3A_124 : i32 to index
      %parallel_loop3A_128 = tpu.vector_load %arg13[%parallel_loop3A_127] {strides = array<i32>} : memref<16384xf32, #tpu.memory_space<vmem>>, vector<16xf32>,
      %parallel_loop3A_129 = arith.index_cast %parallel_loop3A_126 : i32 to index
      %parallel_loop3A_130 = tpu.vector_load %arg13[%parallel_loop3A_129] {strides = array<i32>} : memref<16384xf32, #tpu.memory_space<vmem>>, vector<16xf32>,
      %parallel_loop3A_131 = arith.index_cast %parallel_loop3A_124 : i32 to index
      %parallel_loop3A_132 = tpu.vector_load %arg14[%parallel_loop3A_131] {strides = array<i32>} : memref<16384xf32, #tpu.memory_space<vmem>>, vector<16xf32>,
      %parallel_loop3A_133 = arith.index_cast %parallel_loop3A_126 : i32 to index
      %parallel_loop3A_134 = tpu.vector_load %arg14[%parallel_loop3A_133] {strides = array<i32>} : memref<16384xf32, #tpu.memory_space<vmem>>, vector<16xf32>,
      %parallel_loop3A_135 = arith.index_cast %parallel_loop3A_120 : i32 to index
      %parallel_loop3A_136 = arith.constant 0 : index
      %parallel_loop3A_137 = tpu.vector_load %arg15[%parallel_loop3A_135, %parallel_loop3A_136] {strides = array<i32>} : memref<128x128xf32, #tpu.memory_space<vmem>>, vector<16xf32>,
      %parallel_loop3A_138 = arith.index_cast %parallel_loop3A_120 : i32 to index
      %parallel_loop3A_139 = arith.constant 64 : index
      %parallel_loop3A_140 = tpu.vector_load %arg15[%parallel_loop3A_138, %parallel_loop3A_139] {strides = array<i32>} : memref<128x128xf32, #tpu.memory_space<vmem>>, vector<16xf32>,
      %parallel_loop3A_141 = arith.mulf %parallel_loop3A_128, %parallel_loop3A_132 : vector<16xf32>
      %parallel_loop3A_142 = arith.mulf %parallel_loop3A_130, %parallel_loop3A_134 : vector<16xf32>
      %parallel_loop3A_143 = arith.addf %parallel_loop3A_141, %parallel_loop3A_142 : vector<16xf32>
      %parallel_loop3A_144 = arith.mulf %parallel_loop3A_137, %parallel_loop3A_143 : vector<16xf32>
      %parallel_loop3A_145 = arith.mulf %parallel_loop3A_128, %parallel_loop3A_134 : vector<16xf32>
      %parallel_loop3A_146 = arith.mulf %parallel_loop3A_130, %parallel_loop3A_132 : vector<16xf32>
      %parallel_loop3A_147 = arith.subf %parallel_loop3A_145, %parallel_loop3A_146 : vector<16xf32>
      %parallel_loop3A_148 = arith.mulf %parallel_loop3A_140, %parallel_loop3A_147 : vector<16xf32>
      %parallel_loop3A_149 = arith.constant 16 : i32
      %parallel_loop3A_150 = arith.addi %parallel_loop3A_122, %parallel_loop3A_149 : i32
      %parallel_loop3A_151 = arith.constant 64 : i32
      %parallel_loop3A_152 = arith.addi %parallel_loop3A_150, %parallel_loop3A_151 : i32
      %parallel_loop3A_153 = arith.index_cast %parallel_loop3A_150 : i32 to index
      %parallel_loop3A_154 = tpu.vector_load %arg13[%parallel_loop3A_153] {strides = array<i32>} : memref<16384xf32, #tpu.memory_space<vmem>>, vector<16xf32>,
      %parallel_loop3A_155 = arith.index_cast %parallel_loop3A_152 : i32 to index
      %parallel_loop3A_156 = tpu.vector_load %arg13[%parallel_loop3A_155] {strides = array<i32>} : memref<16384xf32, #tpu.memory_space<vmem>>, vector<16xf32>,
      %parallel_loop3A_157 = arith.index_cast %parallel_loop3A_150 : i32 to index
      %parallel_loop3A_158 = tpu.vector_load %arg14[%parallel_loop3A_157] {strides = array<i32>} : memref<16384xf32, #tpu.memory_space<vmem>>, vector<16xf32>,
      %parallel_loop3A_159 = arith.index_cast %parallel_loop3A_152 : i32 to index
      %parallel_loop3A_160 = tpu.vector_load %arg14[%parallel_loop3A_159] {strides = array<i32>} : memref<16384xf32, #tpu.memory_space<vmem>>, vector<16xf32>,
      %parallel_loop3A_161 = arith.index_cast %parallel_loop3A_120 : i32 to index
      %parallel_loop3A_162 = arith.constant 16 : index
      %parallel_loop3A_163 = tpu.vector_load %arg15[%parallel_loop3A_161, %parallel_loop3A_162] {strides = array<i32>} : memref<128x128xf32, #tpu.memory_space<vmem>>, vector<16xf32>,
      %parallel_loop3A_164 = arith.index_cast %parallel_loop3A_120 : i32 to index
      %parallel_loop3A_165 = arith.constant 80 : index
      %parallel_loop3A_166 = tpu.vector_load %arg15[%parallel_loop3A_164, %parallel_loop3A_165] {strides = array<i32>} : memref<128x128xf32, #tpu.memory_space<vmem>>, vector<16xf32>,
      %parallel_loop3A_167 = arith.mulf %parallel_loop3A_154, %parallel_loop3A_158 : vector<16xf32>
      %parallel_loop3A_168 = arith.mulf %parallel_loop3A_156, %parallel_loop3A_160 : vector<16xf32>
      %parallel_loop3A_169 = arith.addf %parallel_loop3A_167, %parallel_loop3A_168 : vector<16xf32>
      %parallel_loop3A_170 = arith.mulf %parallel_loop3A_163, %parallel_loop3A_169 : vector<16xf32>
      %parallel_loop3A_171 = arith.mulf %parallel_loop3A_154, %parallel_loop3A_160 : vector<16xf32>
      %parallel_loop3A_172 = arith.mulf %parallel_loop3A_156, %parallel_loop3A_158 : vector<16xf32>
      %parallel_loop3A_173 = arith.subf %parallel_loop3A_171, %parallel_loop3A_172 : vector<16xf32>
      %parallel_loop3A_174 = arith.mulf %parallel_loop3A_166, %parallel_loop3A_173 : vector<16xf32>
      %parallel_loop3A_175 = arith.addf %parallel_loop3A_144, %parallel_loop3A_170 : vector<16xf32>
      %parallel_loop3A_176 = arith.addf %parallel_loop3A_148, %parallel_loop3A_174 : vector<16xf32>
      %parallel_loop3A_177 = arith.constant 32 : i32
      %parallel_loop3A_178 = arith.addi %parallel_loop3A_122, %parallel_loop3A_177 : i32
      %parallel_loop3A_179 = arith.constant 64 : i32
      %parallel_loop3A_180 = arith.addi %parallel_loop3A_178, %parallel_loop3A_179 : i32
      %parallel_loop3A_181 = arith.index_cast %parallel_loop3A_178 : i32 to index
      %parallel_loop3A_182 = tpu.vector_load %arg13[%parallel_loop3A_181] {strides = array<i32>} : memref<16384xf32, #tpu.memory_space<vmem>>, vector<16xf32>,
      %parallel_loop3A_183 = arith.index_cast %parallel_loop3A_180 : i32 to index
      %parallel_loop3A_184 = tpu.vector_load %arg13[%parallel_loop3A_183] {strides = array<i32>} : memref<16384xf32, #tpu.memory_space<vmem>>, vector<16xf32>,
      %parallel_loop3A_185 = arith.index_cast %parallel_loop3A_178 : i32 to index
      %parallel_loop3A_186 = tpu.vector_load %arg14[%parallel_loop3A_185] {strides = array<i32>} : memref<16384xf32, #tpu.memory_space<vmem>>, vector<16xf32>,
      %parallel_loop3A_187 = arith.index_cast %parallel_loop3A_180 : i32 to index
      %parallel_loop3A_188 = tpu.vector_load %arg14[%parallel_loop3A_187] {strides = array<i32>} : memref<16384xf32, #tpu.memory_space<vmem>>, vector<16xf32>,
      %parallel_loop3A_189 = arith.index_cast %parallel_loop3A_120 : i32 to index
      %parallel_loop3A_190 = arith.constant 32 : index
      %parallel_loop3A_191 = tpu.vector_load %arg15[%parallel_loop3A_189, %parallel_loop3A_190] {strides = array<i32>} : memref<128x128xf32, #tpu.memory_space<vmem>>, vector<16xf32>,
      %parallel_loop3A_192 = arith.index_cast %parallel_loop3A_120 : i32 to index
      %parallel_loop3A_193 = arith.constant 96 : index
      %parallel_loop3A_194 = tpu.vector_load %arg15[%parallel_loop3A_192, %parallel_loop3A_193] {strides = array<i32>} : memref<128x128xf32, #tpu.memory_space<vmem>>, vector<16xf32>,
      %parallel_loop3A_195 = arith.mulf %parallel_loop3A_182, %parallel_loop3A_186 : vector<16xf32>
      %parallel_loop3A_196 = arith.mulf %parallel_loop3A_184, %parallel_loop3A_188 : vector<16xf32>
      %parallel_loop3A_197 = arith.addf %parallel_loop3A_195, %parallel_loop3A_196 : vector<16xf32>
      %parallel_loop3A_198 = arith.mulf %parallel_loop3A_191, %parallel_loop3A_197 : vector<16xf32>
      %parallel_loop3A_199 = arith.mulf %parallel_loop3A_182, %parallel_loop3A_188 : vector<16xf32>
      %parallel_loop3A_200 = arith.mulf %parallel_loop3A_184, %parallel_loop3A_186 : vector<16xf32>
      %parallel_loop3A_201 = arith.subf %parallel_loop3A_199, %parallel_loop3A_200 : vector<16xf32>
      %parallel_loop3A_202 = arith.mulf %parallel_loop3A_194, %parallel_loop3A_201 : vector<16xf32>
      %parallel_loop3A_203 = arith.addf %parallel_loop3A_175, %parallel_loop3A_198 : vector<16xf32>
      %parallel_loop3A_204 = arith.addf %parallel_loop3A_176, %parallel_loop3A_202 : vector<16xf32>
      %parallel_loop3A_205 = arith.constant 48 : i32
      %parallel_loop3A_206 = arith.addi %parallel_loop3A_122, %parallel_loop3A_205 : i32
      %parallel_loop3A_207 = arith.constant 64 : i32
      %parallel_loop3A_208 = arith.addi %parallel_loop3A_206, %parallel_loop3A_207 : i32
      %parallel_loop3A_209 = arith.index_cast %parallel_loop3A_206 : i32 to index
      %parallel_loop3A_210 = tpu.vector_load %arg13[%parallel_loop3A_209] {strides = array<i32>} : memref<16384xf32, #tpu.memory_space<vmem>>, vector<16xf32>,
      %parallel_loop3A_211 = arith.index_cast %parallel_loop3A_208 : i32 to index
      %parallel_loop3A_212 = tpu.vector_load %arg13[%parallel_loop3A_211] {strides = array<i32>} : memref<16384xf32, #tpu.memory_space<vmem>>, vector<16xf32>,
      %parallel_loop3A_213 = arith.index_cast %parallel_loop3A_206 : i32 to index
      %parallel_loop3A_214 = tpu.vector_load %arg14[%parallel_loop3A_213] {strides = array<i32>} : memref<16384xf32, #tpu.memory_space<vmem>>, vector<16xf32>,
      %parallel_loop3A_215 = arith.index_cast %parallel_loop3A_208 : i32 to index
      %parallel_loop3A_216 = tpu.vector_load %arg14[%parallel_loop3A_215] {strides = array<i32>} : memref<16384xf32, #tpu.memory_space<vmem>>, vector<16xf32>,
      %parallel_loop3A_217 = arith.index_cast %parallel_loop3A_120 : i32 to index
      %parallel_loop3A_218 = arith.constant 48 : index
      %parallel_loop3A_219 = tpu.vector_load %arg15[%parallel_loop3A_217, %parallel_loop3A_218] {strides = array<i32>} : memref<128x128xf32, #tpu.memory_space<vmem>>, vector<16xf32>,
      %parallel_loop3A_220 = arith.index_cast %parallel_loop3A_120 : i32 to index
      %parallel_loop3A_221 = arith.constant 112 : index
      %parallel_loop3A_222 = tpu.vector_load %arg15[%parallel_loop3A_220, %parallel_loop3A_221] {strides = array<i32>} : memref<128x128xf32, #tpu.memory_space<vmem>>, vector<16xf32>,
      %parallel_loop3A_223 = arith.mulf %parallel_loop3A_210, %parallel_loop3A_214 : vector<16xf32>
      %parallel_loop3A_224 = arith.mulf %parallel_loop3A_212, %parallel_loop3A_216 : vector<16xf32>
      %parallel_loop3A_225 = arith.addf %parallel_loop3A_223, %parallel_loop3A_224 : vector<16xf32>
      %parallel_loop3A_226 = arith.mulf %parallel_loop3A_219, %parallel_loop3A_225 : vector<16xf32>
      %parallel_loop3A_227 = arith.mulf %parallel_loop3A_210, %parallel_loop3A_216 : vector<16xf32>
      %parallel_loop3A_228 = arith.mulf %parallel_loop3A_212, %parallel_loop3A_214 : vector<16xf32>
      %parallel_loop3A_229 = arith.subf %parallel_loop3A_227, %parallel_loop3A_228 : vector<16xf32>
      %parallel_loop3A_230 = arith.mulf %parallel_loop3A_222, %parallel_loop3A_229 : vector<16xf32>
      %parallel_loop3A_231 = arith.addf %parallel_loop3A_203, %parallel_loop3A_226 : vector<16xf32>
      %parallel_loop3A_232 = arith.addf %parallel_loop3A_204, %parallel_loop3A_230 : vector<16xf32>
      %parallel_loop3A_233 = arith.addf %parallel_loop3A_231, %parallel_loop3A_232 : vector<16xf32>
      %parallel_loop3A_234 = arith.constant 17 : i32
      %parallel_loop3A_235 = arith.muli %parallel_loop3A_120, %parallel_loop3A_234 : i32
      %parallel_loop3A_236 = arith.index_cast %parallel_loop3A_235 : i32 to index
      %parallel_loop3A_237 = tpu.vector_load %arg9[%parallel_loop3A_236] {strides = array<i32>} : memref<2176xf32, #tpu.memory_space<vmem>>, vector<16xf32>,
      tpu.vector_store %arg9[%parallel_loop3A_236], %parallel_loop3A_233 {strides = array<i32>} : memref<2176xf32, #tpu.memory_space<vmem>>, vector<16xf32>,
    } {sc.loop_unroll_factor = 4 : i64, sc.parallel_access}
    %parallel_loop3A_117 = arith.constant 0 : i32
    %parallel_loop3A_118 = arith.constant 8 : i32
    %parallel_loop3A_119 = arith.constant 1 : i32
    scf.for %parallel_loop3A_120 = %parallel_loop3A_117 to %parallel_loop3A_118 step %parallel_loop3A_119  : i32 {
      %parallel_loop3A_121 = arith.constant 16 : i32
      %parallel_loop3A_122 = arith.muli %parallel_loop3A_120, %parallel_loop3A_121 : i32
      %parallel_loop3A_123 = vector.broadcast %parallel_loop3A_122 : i32 to vector<16xi32>
      %parallel_loop3A_124 = arith.addi %parallel_loop3A_123, %iota3A : vector<16xi32>
      %parallel_loop3A_125 = arith.constant 17 : i32
      %parallel_loop3A_126 = vector.broadcast %parallel_loop3A_125 : i32 to vector<16xi32>
      %parallel_loop3A_127 = arith.muli %parallel_loop3A_124, %parallel_loop3A_126 : vector<16xi32>
      %parallel_loop3A_128 = arith.constant 0 : i32
      %parallel_loop3A_129 = vector.broadcast %parallel_loop3A_128 : i32 to vector<16xi32>
      %parallel_loop3A_130 = arith.addi %parallel_loop3A_127, %parallel_loop3A_129 : vector<16xi32>
      %parallel_loop3A_131 = tpu.vector_load_idx %arg9[%parallel_loop3A_130] : memref<2176xf32, #tpu.memory_space<vmem>>[vector<16xi32>], vector<16xf32>,
      %parallel_loop3A_132 = arith.constant 1 : i32
      %parallel_loop3A_133 = vector.broadcast %parallel_loop3A_132 : i32 to vector<16xi32>
      %parallel_loop3A_134 = arith.addi %parallel_loop3A_127, %parallel_loop3A_133 : vector<16xi32>
      %parallel_loop3A_135 = tpu.vector_load_idx %arg9[%parallel_loop3A_134] : memref<2176xf32, #tpu.memory_space<vmem>>[vector<16xi32>], vector<16xf32>,
      %parallel_loop3A_136 = arith.constant 2 : i32
      %parallel_loop3A_137 = vector.broadcast %parallel_loop3A_136 : i32 to vector<16xi32>
      %parallel_loop3A_138 = arith.addi %parallel_loop3A_127, %parallel_loop3A_137 : vector<16xi32>
      %parallel_loop3A_139 = tpu.vector_load_idx %arg9[%parallel_loop3A_138] : memref<2176xf32, #tpu.memory_space<vmem>>[vector<16xi32>], vector<16xf32>,
      %parallel_loop3A_140 = arith.constant 3 : i32
      %parallel_loop3A_141 = vector.broadcast %parallel_loop3A_140 : i32 to vector<16xi32>
      %parallel_loop3A_142 = arith.addi %parallel_loop3A_127, %parallel_loop3A_141 : vector<16xi32>
      %parallel_loop3A_143 = tpu.vector_load_idx %arg9[%parallel_loop3A_142] : memref<2176xf32, #tpu.memory_space<vmem>>[vector<16xi32>], vector<16xf32>,
      %parallel_loop3A_144 = arith.constant 4 : i32
      %parallel_loop3A_145 = vector.broadcast %parallel_loop3A_144 : i32 to vector<16xi32>
      %parallel_loop3A_146 = arith.addi %parallel_loop3A_127, %parallel_loop3A_145 : vector<16xi32>
      %parallel_loop3A_147 = tpu.vector_load_idx %arg9[%parallel_loop3A_146] : memref<2176xf32, #tpu.memory_space<vmem>>[vector<16xi32>], vector<16xf32>,
      %parallel_loop3A_148 = arith.constant 5 : i32
      %parallel_loop3A_149 = vector.broadcast %parallel_loop3A_148 : i32 to vector<16xi32>
      %parallel_loop3A_150 = arith.addi %parallel_loop3A_127, %parallel_loop3A_149 : vector<16xi32>
      %parallel_loop3A_151 = tpu.vector_load_idx %arg9[%parallel_loop3A_150] : memref<2176xf32, #tpu.memory_space<vmem>>[vector<16xi32>], vector<16xf32>,
      %parallel_loop3A_152 = arith.constant 6 : i32
      %parallel_loop3A_153 = vector.broadcast %parallel_loop3A_152 : i32 to vector<16xi32>
      %parallel_loop3A_154 = arith.addi %parallel_loop3A_127, %parallel_loop3A_153 : vector<16xi32>
      %parallel_loop3A_155 = tpu.vector_load_idx %arg9[%parallel_loop3A_154] : memref<2176xf32, #tpu.memory_space<vmem>>[vector<16xi32>], vector<16xf32>,
      %parallel_loop3A_156 = arith.constant 7 : i32
      %parallel_loop3A_157 = vector.broadcast %parallel_loop3A_156 : i32 to vector<16xi32>
      %parallel_loop3A_158 = arith.addi %parallel_loop3A_127, %parallel_loop3A_157 : vector<16xi32>
      %parallel_loop3A_159 = tpu.vector_load_idx %arg9[%parallel_loop3A_158] : memref<2176xf32, #tpu.memory_space<vmem>>[vector<16xi32>], vector<16xf32>,
      %parallel_loop3A_160 = arith.constant 8 : i32
      %parallel_loop3A_161 = vector.broadcast %parallel_loop3A_160 : i32 to vector<16xi32>
      %parallel_loop3A_162 = arith.addi %parallel_loop3A_127, %parallel_loop3A_161 : vector<16xi32>
      %parallel_loop3A_163 = tpu.vector_load_idx %arg9[%parallel_loop3A_162] : memref<2176xf32, #tpu.memory_space<vmem>>[vector<16xi32>], vector<16xf32>,
      %parallel_loop3A_164 = arith.constant 9 : i32
      %parallel_loop3A_165 = vector.broadcast %parallel_loop3A_164 : i32 to vector<16xi32>
      %parallel_loop3A_166 = arith.addi %parallel_loop3A_127, %parallel_loop3A_165 : vector<16xi32>
      %parallel_loop3A_167 = tpu.vector_load_idx %arg9[%parallel_loop3A_166] : memref<2176xf32, #tpu.memory_space<vmem>>[vector<16xi32>], vector<16xf32>,
      %parallel_loop3A_168 = arith.constant 10 : i32
      %parallel_loop3A_169 = vector.broadcast %parallel_loop3A_168 : i32 to vector<16xi32>
      %parallel_loop3A_170 = arith.addi %parallel_loop3A_127, %parallel_loop3A_169 : vector<16xi32>
      %parallel_loop3A_171 = tpu.vector_load_idx %arg9[%parallel_loop3A_170] : memref<2176xf32, #tpu.memory_space<vmem>>[vector<16xi32>], vector<16xf32>,
      %parallel_loop3A_172 = arith.constant 11 : i32
      %parallel_loop3A_173 = vector.broadcast %parallel_loop3A_172 : i32 to vector<16xi32>
      %parallel_loop3A_174 = arith.addi %parallel_loop3A_127, %parallel_loop3A_173 : vector<16xi32>
      %parallel_loop3A_175 = tpu.vector_load_idx %arg9[%parallel_loop3A_174] : memref<2176xf32, #tpu.memory_space<vmem>>[vector<16xi32>], vector<16xf32>,
      %parallel_loop3A_176 = arith.constant 12 : i32
      %parallel_loop3A_177 = vector.broadcast %parallel_loop3A_176 : i32 to vector<16xi32>
      %parallel_loop3A_178 = arith.addi %parallel_loop3A_127, %parallel_loop3A_177 : vector<16xi32>
      %parallel_loop3A_179 = tpu.vector_load_idx %arg9[%parallel_loop3A_178] : memref<2176xf32, #tpu.memory_space<vmem>>[vector<16xi32>], vector<16xf32>,
      %parallel_loop3A_180 = arith.constant 13 : i32
      %parallel_loop3A_181 = vector.broadcast %parallel_loop3A_180 : i32 to vector<16xi32>
      %parallel_loop3A_182 = arith.addi %parallel_loop3A_127, %parallel_loop3A_181 : vector<16xi32>
      %parallel_loop3A_183 = tpu.vector_load_idx %arg9[%parallel_loop3A_182] : memref<2176xf32, #tpu.memory_space<vmem>>[vector<16xi32>], vector<16xf32>,
      %parallel_loop3A_184 = arith.constant 14 : i32
      %parallel_loop3A_185 = vector.broadcast %parallel_loop3A_184 : i32 to vector<16xi32>
      %parallel_loop3A_186 = arith.addi %parallel_loop3A_127, %parallel_loop3A_185 : vector<16xi32>
      %parallel_loop3A_187 = tpu.vector_load_idx %arg9[%parallel_loop3A_186] : memref<2176xf32, #tpu.memory_space<vmem>>[vector<16xi32>], vector<16xf32>,
      %parallel_loop3A_188 = arith.constant 15 : i32
      %parallel_loop3A_189 = vector.broadcast %parallel_loop3A_188 : i32 to vector<16xi32>
      %parallel_loop3A_190 = arith.addi %parallel_loop3A_127, %parallel_loop3A_189 : vector<16xi32>
      %parallel_loop3A_191 = tpu.vector_load_idx %arg9[%parallel_loop3A_190] : memref<2176xf32, #tpu.memory_space<vmem>>[vector<16xi32>], vector<16xf32>,
      %parallel_loop3A_192 = arith.addf %parallel_loop3A_131, %parallel_loop3A_135 : vector<16xf32>
      %parallel_loop3A_193 = arith.addf %parallel_loop3A_139, %parallel_loop3A_143 : vector<16xf32>
      %parallel_loop3A_194 = arith.addf %parallel_loop3A_147, %parallel_loop3A_151 : vector<16xf32>
      %parallel_loop3A_195 = arith.addf %parallel_loop3A_155, %parallel_loop3A_159 : vector<16xf32>
      %parallel_loop3A_196 = arith.addf %parallel_loop3A_163, %parallel_loop3A_167 : vector<16xf32>
      %parallel_loop3A_197 = arith.addf %parallel_loop3A_171, %parallel_loop3A_175 : vector<16xf32>
      %parallel_loop3A_198 = arith.addf %parallel_loop3A_179, %parallel_loop3A_183 : vector<16xf32>
      %parallel_loop3A_199 = arith.addf %parallel_loop3A_187, %parallel_loop3A_191 : vector<16xf32>
      %parallel_loop3A_200 = arith.addf %parallel_loop3A_192, %parallel_loop3A_193 : vector<16xf32>
      %parallel_loop3A_201 = arith.addf %parallel_loop3A_194, %parallel_loop3A_195 : vector<16xf32>
      %parallel_loop3A_202 = arith.addf %parallel_loop3A_196, %parallel_loop3A_197 : vector<16xf32>
      %parallel_loop3A_203 = arith.addf %parallel_loop3A_198, %parallel_loop3A_199 : vector<16xf32>
      %parallel_loop3A_204 = arith.addf %parallel_loop3A_200, %parallel_loop3A_201 : vector<16xf32>
      %parallel_loop3A_205 = arith.addf %parallel_loop3A_202, %parallel_loop3A_203 : vector<16xf32>
      %parallel_loop3A_206 = arith.addf %parallel_loop3A_204, %parallel_loop3A_205 : vector<16xf32>
      %parallel_loop3A_207 = arith.constant 16 : i32
      %parallel_loop3A_208 = arith.muli %parallel_loop3A_120, %parallel_loop3A_207 : i32
      %parallel_loop3A_209 = arith.constant 384 : i32
      %parallel_loop3A_210 = arith.addi %parallel_loop3A_209, %parallel_loop3A_208 : i32
      %parallel_loop3A_211 = arith.index_cast %parallel_loop3A_210 : i32 to index
      %parallel_loop3A_212 = tpu.vector_load %arg8[%parallel_loop3A_211] {strides = array<i32>} : memref<512xf32, #tpu.memory_space<vmem>>, vector<16xf32>,
      tpu.vector_store %arg8[%parallel_loop3A_211], %parallel_loop3A_206 {strides = array<i32>} : memref<512xf32, #tpu.memory_space<vmem>>, vector<16xf32>,
    } {sc.loop_unroll_factor = 2 : i64, sc.parallel_access}
    "tpu.region"() ({
      %run_scoped3A = tpu.sem_alloc : memref<!tpu.dma_semaphore, #tpu.memory_space<semaphore_mem>>
      %dma_start3A_120 = tpu.memref_slice %arg6[%mul3A_2] : memref<16384xf32, #tpu.memory_space<hbm>> -> memref<512xf32, #tpu.memory_space<hbm>>
      %dma_start3A_121 = tpu.memref_slice %arg6[%mul3A_2] : memref<16384xf32, #tpu.memory_space<hbm>> -> memref<512xf32, #tpu.memory_space<hbm>>
      tpu.enqueue_dma source(%arg8 : memref<512xf32, #tpu.memory_space<vmem>>) target(%dma_start3A_121 : memref<512xf32, #tpu.memory_space<hbm>>) target_semaphore(%run_scoped3A : memref<!tpu.dma_semaphore, #tpu.memory_space<semaphore_mem>>)
      %dma_wait3A_122 = tpu.memref_slice %arg6[%mul3A_2] : memref<16384xf32, #tpu.memory_space<hbm>> -> memref<512xf32, #tpu.memory_space<hbm>>
      %dma_wait3A_123 = tpu.memref_slice %arg6[%mul3A_2] : memref<16384xf32, #tpu.memory_space<hbm>> -> memref<512xf32, #tpu.memory_space<hbm>>
      tpu.wait_dma2 semaphore(%run_scoped3A : memref<!tpu.dma_semaphore, #tpu.memory_space<semaphore_mem>>) src(%arg8 : memref<512xf32, #tpu.memory_space<vmem>>) dst(%dma_wait3A_123 : memref<512xf32, #tpu.memory_space<hbm>>)
      tpu.yield
    }) : () -> ()
    return
  }
}

</mosaic_0001>

<sc_bundles>
// kernel: _complex_score.3.cloned.1.call-start
scs
__scs_entry_jumppad:
0x0: {  	(pc) =	sbr.rel $0x88, $3  }
0x1: {  	(tag) =	ssettag $0x0;
	lr =	simm.s32 $0x1  }
0x2: {  	[smem:$0x3F9D] =	sst lr;
	_ =	strace $0xD0000000  }
0x3: {  	_ = 	snop  }
0x4: {  	_ = 	snop  }
0x5: {  	_ = 	snop  }
0x6: {  	_ = 	snop  }
0x7: {  	_ = 	snop  }
__scs_overlays_trampoline_lowered:
0x8: {  	[smem:$0x3FAC] =	sst s0  }
0x9: {  	[smem:$0x3FAD] =	sst s1  }
0xa: {  	[smem:$0x3FAE] =	sst s2  }
0xb: {  	[smem:$0x3FAF] =	sst s3  }
0xc: {  	[smem:$0x3FB0] =	sst s4  }
0xd: {  	[smem:$0x3FB1] =	sst s5  }
0xe: {  	[smem:$0x3FB2] =	sst s6  }
0xf: {  	[smem:$0x3FB3] =	sst s7  }
0x10: {  	[smem:$0x3FB4] =	sst s8  }
0x11: {  	[smem:$0x3FB5] =	sst s9;
	s0 =	simm.s32 @!p0 $0x0  }
0x12: {  	s1 =	sld [smem:$0x3F9B];
	s0 =	simm.s32 @p0 $0x1  }
0x13: {  	[smem:$0x3FB6] =	sst s0;
	s0 =	simm.s32 @!p1 $0x0  }
0x14: {  	s2 =	sld [smem:$0x3F9A];
	s0 =	simm.s32 @p1 $0x1  }
0x15: {  	[smem:$0x3FB7] =	sst s0;
	s0 =	simm.s32 @!p2 $0x0  }
0x16: {  	s3 =	sld [smem:$0x3FDB];
	s0 =	simm.s32 @p2 $0x1  }
0x17: {  	s4 =	simm.s32 $0x1BF5;
	[smem:$0x3FB9] =	sst s0  }
0x18: {  	s0 =	sld [smem:$0x3F9C];
	_ =	swait.ge [sflag:s4], $0x0  }
0x19: {  	s7 =	sld [smem:$0x3F9D]  }
0x1a: {  	s8 =	sadd.s32 $0xFFFFE003, lr  }
0x1b: {  	s9 =	sadd.s32 $0xFFFFFEF7, lr;
	s5 =	simm.s32 $0xFFFFFFFF;
	p2 =	slt.u32 s8, $0xFFFFF086  }
0x1c: {  	p1 =	slt.u32 s9, $0xF7A;
	s5 =	simm.s32 @!p2 $0x0  }
0x1d: {  	s5 =	simm.s32 @p1 $0x1;
	p0 =	seq.s32 s7, s2  }
0x1e: {  	s7 =	smul.u32 @!p0 $0xF7A, s2;
	p2 =	seq.s32 @!p0 s5, $0x0  }
0x1f: {  	s9 =	smul.u32 $0xF7A, s1;
	s8 =	simm.s32 @!p0 $0x1BF5;
	p2 =	por !p2, p0  }
0x20: {  	[sflag:s8] =	ssyncset.s32 @!p0 $0xFFFFF086;
	s6 =	sadd.s32 @!p0 s3, s7;
	s7 =	simm.s32 @!p0 $0x108  }
0x21: {  	s3 =	sadd.s32 s3, s9;
	s6 =	sadd.s32 @!p0 $0x88, s6;
	s7 =	simm.s32 @p2 $0x1082  }
0x22: {  	[simem:s7], [sflag:s8] =	dma.local @!p0 [hbm:s6], $0xF7A  }
0x23: {  	s9 =	sor.u32 $0xD0000000, s2;
	s6 =	simm.s32 $0x108;
	_ =	swait.ge @!p0 [sflag:s8], $0x0  }
0x24: {  	s3 =	sadd.s32 $0x88, s3;
	s6 =	simm.s32 @!p1 $0x1082;
	[sflag:s4] =	ssyncset.s32 $0xFFFFF086  }
0x25: {  	[simem:s6], [sflag:s4] =	dma.local [hbm:s3], $0xF7A  }
0x26: {  	[smem:$0x3F9D] =	sst s1;
	(tag) =	ssettag s2;
	_ =	strace s9  }
0x27: {  	s1 =	sld [smem:$0x3FAD]  }
0x28: {  	s2 =	sld [smem:$0x3FAE]  }
0x29: {  	s4 =	sld [smem:$0x3FB0]  }
0x2a: {  	p0 =	seq.s32 s5, $0x0;
	s5 =	sld [smem:$0x3FB1]  }
0x2b: {  	s6 =	sld [smem:$0x3FB2]  }
0x2c: {  	s7 =	sld [smem:$0x3FB3]  }
0x2d: {  	s3 =	simm.s32 $0x108;
	s8 =	sld [smem:$0x3FB4]  }
0x2e: {  	s3 =	simm.s32 @!p0 $0x1082;
	s9 =	sld [smem:$0x3FB5]  }
0x2f: {  	lr =	sadd.s32 s0, s3;
	s0 =	sld [smem:$0x3FAC]  }
0x30: {  	s3 =	sld [smem:$0x3FAF]  }
0x31: {  	[smem:$0x3FB8] =	sst s10  }
0x32: {  	s10 =	sld [smem:$0x3FB6];
	_ =	sdelay $0x3  }
0x33: {  	p0 =	seq.s32 s10, $0x1;
	s10 =	sld [smem:$0x3FB8];
	_ =	sdelay $0x3  }
0x34: {  	[smem:$0x3FB8] =	sst s10  }
0x35: {  	s10 =	sld [smem:$0x3FB7];
	_ =	sdelay $0x3  }
0x36: {  	p1 =	seq.s32 s10, $0x1;
	s10 =	sld [smem:$0x3FB8];
	_ =	sdelay $0x3  }
0x37: {  	[smem:$0x3FB8] =	sst s10  }
0x38: {  	s10 =	sld [smem:$0x3FB9]  }
0x39: {  	_ = 	snop;
	(pc) =	sbr.ind lr, $3  }
0x3a: {  	_ = 	snop  }
0x3b: {  	_ = 	snop  }
0x3c: {  	p2 =	seq.s32 s10, $0x1;
	s10 =	sld [smem:$0x3FB8]  }
0x3d: {  	_ =	shalt  }
0x3e: {  	_ =	shalt  }
0x3f: {  	_ =	shalt  }
0x40: {  	_ =	shalt  }
0x41: {  	_ =	shalt  }
0x42: {  	_ =	shalt  }
0x43: {  	_ =	shalt  }
0x44: {  	_ =	shalt  }
0x45: {  	_ =	shalt  }
0x46: {  	_ =	shalt  }
0x47: {  	_ =	shalt  }
0x48: {  	_ =	shalt  }
0x49: {  	_ =	shalt  }
0x4a: {  	_ =	shalt  }
0x4b: {  	_ =	shalt  }
0x4c: {  	_ =	shalt  }
0x4d: {  	_ =	shalt  }
0x4e: {  	_ =	shalt  }
0x4f: {  	_ =	shalt  }
0x50: {  	_ =	shalt  }
0x51: {  	_ =	shalt  }
0x52: {  	_ =	shalt  }
0x53: {  	_ =	shalt  }
0x54: {  	_ =	shalt  }
0x55: {  	_ =	shalt  }
0x56: {  	_ =	shalt  }
0x57: {  	_ =	shalt  }
0x58: {  	_ =	shalt  }
0x59: {  	_ =	shalt  }
0x5a: {  	_ =	shalt  }
0x5b: {  	_ =	shalt  }
0x5c: {  	_ =	shalt  }
0x5d: {  	_ =	shalt  }
0x5e: {  	_ =	shalt  }
0x5f: {  	_ =	shalt  }
0x60: {  	_ =	shalt  }
0x61: {  	_ =	shalt  }
0x62: {  	_ =	shalt  }
0x63: {  	_ =	shalt  }
0x64: {  	_ =	shalt  }
0x65: {  	_ =	shalt  }
0x66: {  	_ =	shalt  }
0x67: {  	_ =	shalt  }
0x68: {  	_ =	shalt  }
0x69: {  	_ =	shalt  }
0x6a: {  	_ =	shalt  }
0x6b: {  	_ =	shalt  }
0x6c: {  	_ =	shalt  }
0x6d: {  	_ =	shalt  }
0x6e: {  	_ =	shalt  }
0x6f: {  	_ =	shalt  }
0x70: {  	_ =	shalt  }
0x71: {  	_ =	shalt  }
0x72: {  	_ =	shalt  }
0x73: {  	_ =	shalt  }
0x74: {  	_ =	shalt  }
0x75: {  	_ =	shalt  }
0x76: {  	_ =	shalt  }
0x77: {  	_ =	shalt  }
0x78: {  	_ =	shalt  }
0x79: {  	_ =	shalt  }
0x7a: {  	_ =	shalt  }
0x7b: {  	_ =	shalt  }
0x7c: {  	_ =	shalt  }
0x7d: {  	_ =	shalt  }
0x7e: {  	_ =	shalt  }
0x7f: {  	_ =	shalt  }
0x80: {  	_ =	shalt  }
0x81: {  	_ =	shalt  }
0x82: {  	_ =	shalt  }
0x83: {  	_ =	shalt  }
0x84: {  	_ =	shalt  }
0x85: {  	_ =	shalt  }
0x86: {  	_ =	shalt  }
0x87: {  	_ =	shalt  }
.Lfunc_end0:
.L_simem_size_0:
called_computation_lowered:
.L_overlay_start_0:
0x88: {  	s2 =	sld [smem:$0x3FD9]  }
0x89: {  	s3 =	sld [smem:$0x3FFE];
	_ =	sdelay $0x1  }
0x8a: {  	s1 =	srdreg.scid  }
0x8b: {  	s0 =	sand.u32 $0x1, s1  }
0x8c: {  	s18 =	sshll.u32 s0, $0xA;
	s2 =	sadd.s32 s3, s2  }
0x8d: {  	s2 =	sadd.s32 s2, s18  }
0x8e: {  	[smem:$0x3FC4] =	sst s2  }
0x8f: {  	_ = 	snop  }
0x90: {  	s2 =	sld [smem:$0x3FC9]  }
0x91: {  	s19 =	sld [smem:$0x3FC8]  }
0x92: {  	s4 =	sld [smem:$0x3FC7]  }
0x93: {  	s5 =	sld [smem:$0x3FC6]  }
0x94: {  	s6 =	sld [smem:$0x3FD0];
	(tm) =	ssettm $0x1  }
0x95: {  	s7 =	sld [smem:$0x3FFB];
	_ =	sdelay $0x3  }
0x96: {  	_ =	strace s7  }
0x97: {  	s7 =	sld [smem:$0x3FFC];
	_ =	sdelay $0x3  }
0x98: {  	_ =	strace s7  }
0x99: {  	s7 =	sld [smem:$0x3FFD];
	_ =	sdelay $0x3  }
0x9a: {  	_ =	strace s7  }
0x9b: {  	_ =	strace $0x8FFFFFFF  }
0x9c: {  	s20 =	sld [smem:$0x3FDB];
	_ =	sdelay $0x1  }
0x9d: {  	s8 =	simm.s32 $_scs_section_size  }
0x9e: {  	s9 =	simm.s32 $_size__tile_overlayer_lowered;
	s10 =	simm.s32 $_tile_overlayer_lowered  }
0x9f: {  	s23 =	simm.s32 $0x1BFF;
	s22 =	sshll.u32 s10, $0x1;
	s7 =	sadd.s32 s8, s20  }
0xa0: {  	s11 =	simm.s32 $0x0;
	s21 =	sshll.u32 s9, $0x1;
	s9 =	sadd.s32 s22, s7  }
0xa1: {  	[timem:s11], [sflag:s23] =	dma.local [hbm:s9], s21  }
0xa2: {  	_ =	swait.ge [sflag:s23], s21  }
0xa3: {  	s8 =	ssub.s32 $0x0, s21;
	[sflag:s23] =	ssyncset.done $0x0  }
0xa4: {  	[sflag:s23] =	ssyncadd.s32 s8;
	_ =	sdelay $0x1  }
0xa5: {  	s24 =	simm.s32 $0x1B8B  }
0xa6: {  	_ =	swait.ge [sflag:s24], $0x1  }
0xa7: {  	[sflag:s24] =	ssyncset.done $0x0  }
0xa8: {  	s25 =	simm.s32 $0x1B8E;
	[sflag:s24] =	ssyncadd.s32 $0xFFFFFFFF  }
0xa9: {  	s26 =	simm.s32 $execute0_lowered;
	[smem:$0x3FD2] =	sst s25  }
0xaa: {  	s8 =	sshll.u32 s26, $0x1;
	_ =	strace $0x80000046;
	[dreg:$0x1] =	wrdreg $0xFFFFFFFF  }
0xab: {  	s28 =	simm.s32 $_size_execute0_lowered;
	s7 =	sadd.s32 s7, s8;
	[dreg:$0x0] =	wrdreg $0x0  }
0xac: {  	s8 =	sshll.u32 s28, $0x1;
	[dreg:$0x2] =	wrdreg s7  }
0xad: {  	[dreg:$0x3] =	wrdreg s8  }
0xae: {  	[dreg:$0x4] =	wrdreg $0xC0  }
0xaf: {  	_ =	task [dreg:s11], $0x5FFFF  }
0xb0: {  	[dreg:$0x1] =	wrdreg $0xFFFFFFFF  }
0xb1: {  	[dreg:$0x0] =	wrdreg $0x60  }
0xb2: {  	[dreg:$0x2] =	wrdreg s2  }
0xb3: {  	[dreg:$0x3] =	wrdreg s19  }
0xb4: {  	[dreg:$0x4] =	wrdreg s4  }
0xb5: {  	[dreg:$0x5] =	wrdreg s5  }
0xb6: {  	[dreg:$0x6] =	wrdreg s6  }
0xb7: {  	[dreg:$0x7] =	wrdreg $0x9  }
0xb8: {  	_ =	task.clear_ibuf [dreg:s11], $0x8FFFF;
	_ =	strace $0x90000046  }
0xb9: {  	s29 =	simm.s32 $0x9;
	_ =	strace $0x80000048  }
0xba: {  	_ =	swait.ge [sflag:s29], $0x1  }
0xbb: {  	[sflag:s29] =	ssyncadd.s32 $0xFFFFFFFF  }
0xbc: {  	_ =	strace $0x90000048  }
0xbd: {  	_ =	sfence  }
0xbe: {  	s30 =	sld [smem:$0x0];
	_ =	sdelay $0x2  }
0xbf: {  	s31 =	sshll.u32 s1, $0xD;
	s1 =	sshrl.u32 s1, $0x2  }
0xc0: {  	s3 =	sand.u32 $0x4000, s31;
	s1 =	sadd.s32 s1, s30  }
0xc1: {  	s0 =	sor.u32 s3, s0;
	s1 =	sshll.u32 s1, $0x11  }
0xc2: {  	s0 =	sor.u32 s1, s0  }
0xc3: {  	s0 =	sadd.s32 $0x8F2B, s0  }
0xc4: {  	[sflag:s0] =	ssyncadd.remote.s32 $0x1  }
0xc5: {  	_ =	sfence.sel $0xFFFF  }
0xc6: {  	[dreg:$0x0] =	wrdreg $0xFFFFFFFF;
	(pc) =	sbr.abs _section_cstart, $3  }
0xc7: {  	[dreg:$0x1] =	wrdreg $0xFFFFFFFF  }
0xc8: {  	_ =	task.clear_ibuf [dreg:s11], $0x2FFFF;
	_ =	strace $0x9FFFFFFF  }
0xc9: {  	(tm) =	ssettm $0x7FFFFFFF  }
tec
execute0_lowered:
.L_overlay_start_1:
0x0: {  	(tag) =	ssettag $0x1  }
0x1: {  	s0 =	rddreg [dreg:$0x0]  }
0x2: {  	s1 =	rddreg [dreg:$0x1]  }
0x3: {  	s12 =	rddreg [dreg:$0x2]  }
0x4: {  	s2 =	rddreg [dreg:$0x3]  }
0x5: {  	s13 =	rddreg [dreg:$0x4]  }
0x6: {  	s3 =	srdreg.scid;
	s5 =	stileid.u32  }
0x7: {  	s17 =	simm.s32 $0x7;
	s18 =	simm.s32 $0x80;
	s22 =	simm.s32 $0x14C80  }
0x8: {  	s23 =	simm.s32 $0x1;
	s24 =	simm.s32 $0x2;
	s29 =	simm.s32 $0x4  }
0x9: {  	s30 =	simm.s32 $0x5;
	s31 =	simm.s32 $0x6;
	s28 =	simm.s32 $0x0  }
0xa: {  	s4 =	sand.u32 $0x1, s3;
	s5 =	sshll.u32 s5, $0x1;
	s3 =	simm.s32 $0x0  }
0xb: {  	s6 =	ssub.s32 $0x2, s4;
	s7 =	sor.u32 s4, s5;
	[smem:$0x7FF] =	sst s3  }
0xc: {  	s25 =	sshrl.u32 s6, $0x1;
	s10 =	sshll.u32 s7, $0xD;
	_ =	strace $0x80000047  }
0xd: {  	s15 =	sshll.u32 s7, $0x6;
	s14 =	ssub.s32 s6, s25;
	s4 =	sadd.s32 s0, s10  }
0xe: {  	s5 =	sadd.s32 s12, s10;
	s8 =	sor.u32 $0x800, s10;
	s6 =	sadd.s32 s1, s15  }
0xf: {  	s26 =	sor.u32 $0x1000, s10;
	s16 =	sor.u32 $0x1800, s10;
	s13 =	sadd.s32 s13, s15  }
0x10: {  	s25 =	simm.s32 $0x3;
	s7 =	sadd.s32 s0, s8;
	s8 =	sadd.s32 s12, s8  }
0x11: {  	v0 =	vlaneseq.u32;
	s9 =	sadd.s32 s0, s26;
	s10 =	sadd.s32 s12, s26;
	s11 =	sadd.s32 s0, s16  }
0x12: {  	v0 =	vmul.u32 $0x11, v0;
	s12 =	sadd.s32 s12, s16;
	s14 =	smax.u32 s14, $0x1;
	s26 =	simm.s32 $0x400  }
.LBB2_1:
0x13: {  	s0 =	simm.s32 $0xC80  }
0x14: {  	[tilespmem:s0], [sflag:$0x1] =	stream.linear.gather [hbm4b:s4+s3], $0x4000, $0x38;
	[tilespmem:$0x18C80] =	vst v63  }
0x15: {  	s15 =	simm.s32 $0x4C80  }
0x16: {  	[tilespmem:s15], [sflag:$0x2] =	stream.linear.gather [hbm4b:s5+s3], $0x4000, $0x38;
	[tilespmem:$0x18C80] =	vst v63  }
0x17: {  	_ = 	snop  }
0x18: {  	[tilespmem:s3], [sflag:$0x7] =	stream.linear.gather [hbm4b:s6+s3], $0x200, $0x38;
	[tilespmem:$0x18C80] =	vst v63  }
0x19: {  	_ =	swait.ge [sflag:s17], $0x200  }
0x1a: {  	[sflag:s17] =	ssyncset.done $0x0  }
0x1b: {  	s16 =	simm.s32 $0x8C80;
	[sflag:s17] =	ssyncadd.s32 $0xFFFFFE00  }
0x1c: {  	[tilespmem:s16], [sflag:$0x3] =	stream.indirect.gather [hbm4b:s2+s18], $0x80, s3, s18, $0xb8;
	[tilespmem:$0x18C80] =	vst v63  }
0x1d: {  	s19 =	simm.s32 $0xCC80  }
0x1e: {  	[tilespmem:s19], [sflag:$0x4] =	stream.linear.gather [hbm4b:s7+s3], $0x4000, $0x38;
	[tilespmem:$0x18C80] =	vst v63  }
0x1f: {  	s20 =	simm.s32 $0x10C80  }
0x20: {  	[tilespmem:s20], [sflag:$0x5] =	stream.linear.gather [hbm4b:s8+s3], $0x4000, $0x38;
	[tilespmem:$0x18C80] =	vst v63  }
0x21: {  	_ = 	snop  }
0x22: {  	[tilespmem:s22], [sflag:$0x6] =	stream.indirect.gather [hbm4b:s2+s18], $0x80, s18, s18, $0xb8;
	[tilespmem:$0x18C80] =	vst v63  }
0x23: {  	_ =	swait.ge [sflag:s23], $0x4000  }
0x24: {  	[sflag:s23] =	ssyncset.done $0x0  }
0x25: {  	[sflag:s23] =	ssyncadd.s32 $0xFFFFC000  }
0x26: {  	_ =	swait.ge [sflag:s24], $0x4000  }
0x27: {  	[sflag:s24] =	ssyncset.done $0x0  }
0x28: {  	[sflag:s24] =	ssyncadd.s32 $0xFFFFC000  }
0x29: {  	_ =	swait.ge [sflag:s25], $0x4000  }
0x2a: {  	[sflag:s25] =	ssyncset.done $0x0  }
0x2b: {  	s21 =	simm.s32 $0xD80;
	[sflag:s25] =	ssyncadd.s32 $0xFFFFC000  }
0x2c: {  	v1 =	vld [tilespmem:s21+$0xB0]  }
0x2d: {  	s1 =	simm.s32 $0x4D80;
	v2 =	vld [tilespmem:s21+$0xF0]  }
0x2e: {  	v3 =	vld [tilespmem:s1+$0xB0]  }
0x2f: {  	v4 =	vld [tilespmem:s1+$0xF0]  }
0x30: {  	v5 =	vld [tilespmem:s21+$0xA0]  }
0x31: {  	v6 =	vld [tilespmem:s21+$0xE0]  }
0x32: {  	v7 =	vld [tilespmem:s1+$0xA0]  }
0x33: {  	v8 =	vld [tilespmem:s1+$0xE0]  }
0x34: {  	v9 =	vld [tilespmem:s21+$0x80]  }
0x35: {  	v10 =	vld [tilespmem:s21+$0xC0]  }
0x36: {  	v11 =	vld [tilespmem:s1+$0x80]  }
0x37: {  	v12 =	vld [tilespmem:s1+$0xC0]  }
0x38: {  	v13 =	vld [tilespmem:s21+$0x90]  }
0x39: {  	v14 =	vld [tilespmem:s21+$0xD0]  }
0x3a: {  	v15 =	vld [tilespmem:s1+$0x90]  }
0x3b: {  	v16 =	vld [tilespmem:s1+$0xD0]  }
0x3c: {  	s15 =	simm.s32 $0x8D80;
	v17 =	vld [tilespmem:s21+$0xFFFFFF40]  }
0x3d: {  	v18 =	vld [tilespmem:s15+$0x80]  }
0x3e: {  	v19 =	vld [tilespmem:s15+$0xC0]  }
0x3f: {  	v20 =	vld [tilespmem:s15+$0x90]  }
0x40: {  	v21 =	vld [tilespmem:s15+$0xD0]  }
0x41: {  	v22 =	vld [tilespmem:s15+$0xA0]  }
0x42: {  	v23 =	vld [tilespmem:s15+$0xE0]  }
0x43: {  	v24 =	vld [tilespmem:s15+$0xB0]  }
0x44: {  	v25 =	vld [tilespmem:s15+$0xF0]  }
0x45: {  	v26 =	vld [tilespmem:s1+$0xFFFFFF00]  }
0x46: {  	v27 =	vld [tilespmem:s1+$0xFFFFFF40]  }
0x47: {  	v28 =	vld [tilespmem:s21+$0xFFFFFF10]  }
0x48: {  	v29 =	vld [tilespmem:s21+$0xFFFFFF50]  }
0x49: {  	v30 =	vld [tilespmem:s1+$0xFFFFFF10]  }
0x4a: {  	v31 =	vld [tilespmem:s1+$0xFFFFFF50]  }
0x4b: {  	v32 =	vld [tilespmem:s21+$0xFFFFFF80]  }
0x4c: {  	v33 =	vld [tilespmem:s21+$0xFFFFFFC0]  }
0x4d: {  	v34 =	vld [tilespmem:s1+$0xFFFFFF80]  }
0x4e: {  	v35 =	vld [tilespmem:s1+$0xFFFFFFC0]  }
0x4f: {  	v36 =	vld [tilespmem:s21+$0xFFFFFF90]  }
0x50: {  	v37 =	vld [tilespmem:s21+$0xFFFFFFD0]  }
0x51: {  	v38 =	vld [tilespmem:s1+$0xFFFFFF90]  }
0x52: {  	v39 =	vld [tilespmem:s1+$0xFFFFFFD0]  }
0x53: {  	v40 =	vld [tilespmem:s21+$0x0]  }
0x54: {  	v41 =	vld [tilespmem:s21+$0x40]  }
0x55: {  	v42 =	vld [tilespmem:s1+$0x0]  }
0x56: {  	v43 =	vld [tilespmem:s1+$0x40]  }
0x57: {  	v44 =	vld [tilespmem:s21+$0x10]  }
0x58: {  	v45 =	vld [tilespmem:s21+$0x50]  }
0x59: {  	v47 =	vld [tilespmem:s1+$0x10];
	v46 =	vmul.f32 v3, v1;
	v48 =	vmul.f32 v4, v2  }
0x5a: {  	v49 =	vld [tilespmem:s21+$0xFFFFFF00];
	v1 =	vmul.f32 v4, v1;
	v2 =	vmul.f32 v3, v2  }
0x5b: {  	v51 =	vld [tilespmem:s21+$0xFFFFFF60];
	v3 =	vmul.f32 v11, v9;
	v50 =	vmul.f32 v12, v10  }
0x5c: {  	v55 =	vld [tilespmem:s15+$0xFFFFFF80];
	v9 =	vmul.f32 v12, v9;
	v10 =	vmul.f32 v11, v10  }
0x5d: {  	v58 =	vld [tilespmem:s15+$0xFFFFFFC0];
	v11 =	vmul.f32 v15, v13;
	v52 =	vmul.f32 v16, v14  }
0x5e: {  	v4 =	vld [tilespmem:s1+$0x50];
	v13 =	vmul.f32 v16, v13;
	v14 =	vmul.f32 v15, v14  }
0x5f: {  	v12 =	vld [tilespmem:s21+$0xFFFFFF20];
	v15 =	vmul.f32 v7, v5;
	v5 =	vmul.f32 v8, v5  }
0x60: {  	v16 =	vld [tilespmem:s1+$0xFFFFFF20];
	v61 =	vmul.f32 v34, v32;
	v62 =	vmul.f32 v35, v33  }
0x61: {  	v63 =	vmul.f32 v38, v36;
	v38 =	vmul.f32 v38, v37;
	v3 =	vadd.f32 v50, v3;
	v50 =	vld [tilespmem:s1+$0xFFFFFF60]  }
0x62: {  	v53 =	vmul.f32 v42, v41;
	v9 =	vsub.f32 v9, v10;
	v10 =	vmul.f32 v8, v6;
	v8 =	vld [tilespmem:s21+$0xFFFFFFA0]  }
0x63: {  	v54 =	vmul.f32 v43, v41;
	v6 =	vmul.f32 v7, v6;
	v7 =	vld [tilespmem:s21+$0xFFFFFFE0]  }
0x64: {  	v56 =	vmul.f32 v43, v40;
	v57 =	vmul.f32 v47, v44;
	v13 =	vsub.f32 v13, v14;
	v14 =	vld [tilespmem:s1+$0xFFFFFFA0]  }
0x65: {  	v59 =	vmul.f32 v47, v45;
	v11 =	vadd.f32 v52, v11;
	v1 =	vsub.f32 v1, v2;
	v52 =	vld [tilespmem:s1+$0xFFFFFF70]  }
0x66: {  	v3 =	vmul.f32 v3, v18;
	v9 =	vmul.f32 v9, v19;
	v5 =	vsub.f32 v5, v6;
	v6 =	vld [tilespmem:s1+$0xFFFFFFE0]  }
0x67: {  	v11 =	vmul.f32 v11, v20;
	v13 =	vmul.f32 v13, v21;
	v18 =	vld [tilespmem:s21+$0x20]  }
0x68: {  	v10 =	vadd.f32 v10, v15;
	v1 =	vmul.f32 v1, v25;
	v19 =	vmul.f32 v30, v29;
	v21 =	vld [tilespmem:s15+$0xFFFFFF10]  }
0x69: {  	v15 =	vadd.f32 v48, v46;
	v20 =	vmul.f32 v31, v29;
	v25 =	vld [tilespmem:s21+$0xFFFFFF30];
	v46 =	vmul.f32 v39, v37  }
0x6a: {  	v29 =	vld [tilespmem:s21+$0xFFFFFF70];
	v48 =	vmul.f32 v42, v40;
	v60 =	vmul.f32 v4, v45  }
0x6b: {  	v4 =	vmul.f32 v4, v44;
	v45 =	vld [tilespmem:s21+$0xFFFFFFB0];
	v10 =	vmul.f32 v10, v22;
	v2 =	vadd.f32 v11, v3  }
0x6c: {  	v3 =	vadd.f32 v13, v9;
	v5 =	vmul.f32 v5, v23;
	v9 =	vld [tilespmem:s21+$0x60];
	v11 =	vmul.f32 v15, v24  }
0x6d: {  	v13 =	vld [tilespmem:s1+$0x20];
	v15 =	vmul.f32 v27, v17;
	v22 =	vadd.f32 v62, v61;
	v27 =	vmul.f32 v27, v49  }
0x6e: {  	v23 =	vld [tilespmem:s15+$0xFFFFFF50];
	v47 =	vmul.f32 v14, v8;
	v14 =	vmul.f32 v14, v7;
	v2 =	vadd.f32 v10, v2  }
0x6f: {  	v61 =	vld [tilespmem:s15+$0xFFFFFF90];
	v3 =	vadd.f32 v5, v3;
	v10 =	vmul.f32 v26, v17;
	v26 =	vmul.f32 v26, v49  }
0x70: {  	v24 =	vsub.f32 v56, v53;
	v62 =	vld [tilespmem:s15+$0xFFFFFFD0];
	v7 =	vmul.f32 v6, v7;
	v6 =	vmul.f32 v6, v8  }
0x71: {  	v17 =	vld [tilespmem:s15+$0xFFFFFF00];
	v2 =	vadd.f32 v11, v2;
	v1 =	vadd.f32 v1, v3;
	v3 =	vmul.f32 v30, v28  }
0x72: {  	v49 =	vld [tilespmem:s1+$0xFFFFFFF0];
	v15 =	vadd.f32 v15, v26;
	v10 =	vsub.f32 v27, v10;
	v8 =	vmul.f32 v13, v18  }
0x73: {  	v53 =	vld [tilespmem:s1+$0x70];
	v2 =	vadd.f32 v1, v2;
	v1 =	vmul.f32 v31, v28;
	v3 =	vadd.f32 v20, v3  }
0x74: {  	v5 =	vld [tilespmem:s1+$0x60];
	v20 =	vmul.f32 v34, v33;
	v28 =	vadd.f32 v46, v63;
	v63 =	vmul.f32 v16, v12  }
0x75: {  	v11 =	vld [tilespmem:s15+$0xFFFFFF40];
	v34 =	vsub.f32 v4, v59;
	v4 =	vmul.f32 v16, v51;
	v16 =	vmul.f32 v50, v51  }
0x76: {  	v26 =	vadd.f32 v7, v47;
	v31 =	vld [tilespmem:s1+$0xFFFFFF30];
	v12 =	vmul.f32 v50, v12;
	v51 =	vmul.f32 v22, v55  }
0x77: {  	v46 =	vld [tilespmem:s21+$0xFFFFFFF0];
	v7 =	vmul.f32 v15, v17;
	v27 =	vmul.f32 v49, v45;
	v1 =	vsub.f32 v1, v19  }
0x78: {  	v50 =	vld [tilespmem:s15+$0x0];
	v19 =	vmul.f32 v35, v32;
	v12 =	vsub.f32 v12, v4;
	v4 =	vmul.f32 v13, v9  }
0x79: {  	v14 =	vsub.f32 v6, v14;
	v55 =	vld [tilespmem:s15+$0xFFFFFF60];
	v9 =	vmul.f32 v5, v9;
	v5 =	vmul.f32 v5, v18  }
0x7a: {  	v15 =	vld [tilespmem:s15+$0x10];
	v32 =	vadd.f32 v54, v48;
	v3 =	vmul.f32 v3, v21;
	v6 =	vmul.f32 v10, v11  }
0x7b: {  	v48 =	vld [tilespmem:s1+$0xFFFFFFB0];
	v19 =	vsub.f32 v19, v20;
	v20 =	vmul.f32 v39, v36;
	v8 =	vadd.f32 v9, v8  }
0x7c: {  	v13 =	vld [tilespmem:s15+$0x40];
	v17 =	vsub.f32 v5, v4;
	v1 =	vmul.f32 v1, v23;
	v9 =	vadd.f32 v3, v7  }
0x7d: {  	v18 =	vld [tilespmem:s1+$0x30];
	v4 =	vmul.f32 v52, v29;
	v3 =	vmul.f32 v31, v25;
	v20 =	vsub.f32 v20, v38  }
0x7e: {  	v10 =	vld [tilespmem:s15+$0x50];
	v11 =	vadd.f32 v1, v6;
	v1 =	vmul.f32 v31, v29;
	v6 =	vmul.f32 v52, v25  }
0x7f: {  	v36 =	vadd.f32 v60, v57;
	v5 =	vld [tilespmem:s21+$0x30];
	v52 =	vadd.f32 v4, v3;
	v3 =	vmul.f32 v28, v61  }
0x80: {  	v7 =	vld [tilespmem:s21+$0x70];
	v4 =	vmul.f32 v19, v58;
	v1 =	vsub.f32 v6, v1;
	v6 =	vmul.f32 v20, v62  }
0x81: {  	v59 =	vld [tilespmem:s15+$0xFFFFFFE0];
	v54 =	vmul.f32 v49, v46;
	v15 =	vmul.f32 v36, v15;
	v20 =	vadd.f32 v3, v51  }
0x82: {  	v19 =	vld [tilespmem:s15+$0xFFFFFF20];
	v3 =	vmul.f32 v48, v45;
	v56 =	vadd.f32 v6, v4;
	v6 =	vmul.f32 v48, v46  }
0x83: {  	v16 =	vadd.f32 v16, v63;
	v57 =	vld [tilespmem:s15+$0xFFFFFFA0];
	v58 =	vmul.f32 v32, v50;
	v10 =	vmul.f32 v34, v10  }
0x84: {  	v60 =	vld [tilespmem:s15+$0x20];
	v4 =	vadd.f32 v54, v3;
	v3 =	vsub.f32 v27, v6;
	v6 =	vmul.f32 v24, v13  }
0x85: {  	v62 =	vld [tilespmem:s15+$0x60];
	v61 =	vadd.f32 v15, v58;
	v15 =	vmul.f32 v53, v7;
	v13 =	vmul.f32 v18, v5  }
0x86: {  	v63 =	vld [tilespmem:s15+$0xFFFFFF30];
	v5 =	vmul.f32 v53, v5;
	v6 =	vadd.f32 v10, v6;
	v10 =	vmul.f32 v18, v7  }
0x87: {  	v12 =	vmul.f32 v12, v55;
	v16 =	vmul.f32 v16, v19;
	v7 =	vadd.f32 v15, v13;
	v13 =	vld [tilespmem:s15+$0xFFFFFF70]  }
0x88: {  	v15 =	vmul.f32 v26, v57;
	v18 =	vmul.f32 v14, v59;
	v14 =	vld [tilespmem:s15+$0xFFFFFFB0];
	v5 =	vsub.f32 v5, v10  }
0x89: {  	v10 =	vadd.f32 v16, v9;
	v9 =	vadd.f32 v12, v11;
	v12 =	vld [tilespmem:s15+$0xFFFFFFF0];
	v16 =	vmul.f32 v8, v60  }
0x8a: {  	s0 =	simm.s32 $0x210;
	s19 =	simm.s32 $0x422;
	v11 =	vadd.f32 v15, v20;
	v8 =	vadd.f32 v18, v56;
	v15 =	vld [tilespmem:s15+$0x30];
	v18 =	vmul.f32 v17, v62  }
0x8b: {  	s16 =	simm.s32 $0x10;
	s20 =	simm.s32 $0x0;
	[tilespmem:s19+$0x11] =	vst v2;
	s21 =	simm.s32 $0xF80;
	v17 =	vmul.f32 v52, v63;
	v2 =	vadd.f32 v16, v61;
	v16 =	vld [tilespmem:s15+$0x70]  }
.LBB2_2:
0x8c: {  	v19 =	vld [tilespmem:s21+$0xB0];
	v1 =	vmul.f32 v1, v13;
	v6 =	vadd.f32 v18, v6  }
0x8d: {  	s1 =	sadd.s32 $0x200, s1;
	v13 =	vld [tilespmem:s21+$0xF0];
	v10 =	vadd.f32 v17, v10;
	v4 =	vmul.f32 v4, v14  }
0x8e: {  	v14 =	vld [tilespmem:s1+$0xB0];
	v1 =	vadd.f32 v1, v9;
	v3 =	vmul.f32 v3, v12  }
0x8f: {  	v9 =	vld [tilespmem:s1+$0xF0];
	v4 =	vadd.f32 v4, v11;
	v7 =	vmul.f32 v7, v15  }
0x90: {  	v11 =	vld [tilespmem:s21+$0xA0];
	v1 =	vadd.f32 v1, v10;
	v3 =	vadd.f32 v3, v8;
	v5 =	vmul.f32 v5, v16  }
0x91: {  	v8 =	vld [tilespmem:s21+$0xE0];
	v2 =	vadd.f32 v7, v2  }
0x92: {  	v7 =	vld [tilespmem:s1+$0xA0];
	[tilespmem:s19+$0xFFFFFFDE] =	vst v1;
	v1 =	vadd.f32 v3, v4;
	v3 =	vadd.f32 v5, v6  }
0x93: {  	v4 =	vld [tilespmem:s1+$0xE0]  }
0x94: {  	v5 =	vld [tilespmem:s21+$0x80];
	[tilespmem:s19+$0xFFFFFFEF] =	vst v1;
	v1 =	vadd.f32 v3, v2  }
0x95: {  	v2 =	vld [tilespmem:s21+$0xC0]  }
0x96: {  	v3 =	vld [tilespmem:s1+$0x80];
	[tilespmem:s19+$0x0] =	vst v1  }
0x97: {  	v1 =	vld [tilespmem:s1+$0xC0]  }
0x98: {  	v6 =	vld [tilespmem:s21+$0x90]  }
0x99: {  	v10 =	vld [tilespmem:s21+$0xD0]  }
0x9a: {  	v12 =	vld [tilespmem:s1+$0x90]  }
0x9b: {  	v16 =	vmul.f32 v14, v19;
	v17 =	vmul.f32 v9, v13;
	v15 =	vld [tilespmem:s1+$0xD0]  }
0x9c: {  	s20 =	sadd.s32 $0x4, s20;
	s15 =	sadd.s32 $0x200, s15;
	v9 =	vmul.f32 v9, v19;
	v13 =	vmul.f32 v14, v13;
	v18 =	vld [tilespmem:s21+$0xFFFFFF40]  }
0x9d: {  	p0 =	slt.u32 s20, $0x7C;
	v19 =	vmul.f32 v7, v11;
	v20 =	vmul.f32 v4, v8;
	v14 =	vld [tilespmem:s15+$0x80]  }
0x9e: {  	v22 =	vmul.f32 v3, v5;
	v23 =	vmul.f32 v1, v2;
	v21 =	vld [tilespmem:s15+$0xC0]  }
0x9f: {  	v1 =	vmul.f32 v1, v5;
	v2 =	vmul.f32 v3, v2;
	v3 =	vld [tilespmem:s15+$0x90]  }
0xa0: {  	v24 =	vmul.f32 v12, v6;
	v5 =	vld [tilespmem:s15+$0xD0];
	v25 =	vmul.f32 v15, v10  }
0xa1: {  	v6 =	vmul.f32 v15, v6;
	v10 =	vmul.f32 v12, v10;
	v12 =	vld [tilespmem:s15+$0xA0]  }
0xa2: {  	v4 =	vmul.f32 v4, v11;
	v1 =	vsub.f32 v1, v2;
	v15 =	vadd.f32 v23, v22;
	v2 =	vld [tilespmem:s15+$0xE0]  }
0xa3: {  	v7 =	vmul.f32 v7, v8;
	v11 =	vadd.f32 v25, v24;
	v6 =	vsub.f32 v6, v10;
	v8 =	vld [tilespmem:s15+$0xB0]  }
0xa4: {  	v10 =	vmul.f32 v15, v14;
	v14 =	vadd.f32 v20, v19;
	v1 =	vmul.f32 v1, v21;
	v15 =	vld [tilespmem:s15+$0xF0]  }
0xa5: {  	v4 =	vsub.f32 v4, v7;
	v3 =	vmul.f32 v11, v3;
	v19 =	vld [tilespmem:s1+$0xFFFFFF00];
	v5 =	vmul.f32 v6, v5  }
0xa6: {  	v9 =	vsub.f32 v9, v13;
	v11 =	vadd.f32 v17, v16;
	v6 =	vld [tilespmem:s1+$0xFFFFFF40];
	v7 =	vmul.f32 v14, v12  }
0xa7: {  	v3 =	vadd.f32 v3, v10;
	v12 =	vld [tilespmem:s21+$0xFFFFFF10];
	v1 =	vadd.f32 v5, v1;
	v2 =	vmul.f32 v4, v2  }
0xa8: {  	v4 =	vld [tilespmem:s21+$0xFFFFFF50];
	v5 =	vmul.f32 v11, v8  }
0xa9: {  	v3 =	vadd.f32 v7, v3;
	v8 =	vld [tilespmem:s1+$0xFFFFFF10];
	v1 =	vadd.f32 v2, v1;
	v2 =	vmul.f32 v9, v15  }
0xaa: {  	v7 =	vmul.f32 v19, v18;
	v9 =	vld [tilespmem:s1+$0xFFFFFF50]  }
0xab: {  	v3 =	vadd.f32 v5, v3;
	v10 =	vmul.f32 v6, v18;
	v11 =	vld [tilespmem:s21+$0xFFFFFF80];
	v1 =	vadd.f32 v2, v1  }
0xac: {  	v2 =	vld [tilespmem:s21+$0xFFFFFFC0]  }
0xad: {  	v5 =	vld [tilespmem:s1+$0xFFFFFF80];
	v1 =	vadd.f32 v1, v3  }
0xae: {  	s19 =	sadd.s32 $0x44, s19;
	v3 =	vmul.f32 v8, v12;
	v8 =	vmul.f32 v8, v4;
	v13 =	vld [tilespmem:s1+$0xFFFFFFC0]  }
0xaf: {  	v4 =	vmul.f32 v9, v4;
	v9 =	vmul.f32 v9, v12;
	v12 =	vld [tilespmem:s21+$0xFFFFFF90];
	[tilespmem:s19+$0x11] =	vst v1  }
0xb0: {  	v1 =	vld [tilespmem:s21+$0xFFFFFFD0]  }
0xb1: {  	v3 =	vadd.f32 v4, v3;
	v4 =	vsub.f32 v9, v8;
	v8 =	vld [tilespmem:s1+$0xFFFFFF90]  }
0xb2: {  	v9 =	vmul.f32 v5, v11;
	v5 =	vmul.f32 v5, v2;
	v14 =	vld [tilespmem:s1+$0xFFFFFFD0]  }
0xb3: {  	v2 =	vmul.f32 v13, v2;
	v11 =	vmul.f32 v13, v11;
	v13 =	vld [tilespmem:s21+$0x0]  }
0xb4: {  	v15 =	vld [tilespmem:s21+$0x40]  }
0xb5: {  	v2 =	vadd.f32 v2, v9;
	v5 =	vsub.f32 v11, v5;
	v9 =	vld [tilespmem:s1+$0x0]  }
0xb6: {  	v11 =	vmul.f32 v8, v12;
	v8 =	vmul.f32 v8, v1;
	v16 =	vld [tilespmem:s1+$0x40]  }
0xb7: {  	v1 =	vmul.f32 v14, v1;
	v12 =	vmul.f32 v14, v12;
	v14 =	vld [tilespmem:s21+$0x10]  }
0xb8: {  	v17 =	vld [tilespmem:s21+$0x50]  }
0xb9: {  	v11 =	vadd.f32 v1, v11;
	v8 =	vsub.f32 v12, v8;
	v1 =	vld [tilespmem:s1+$0x10]  }
0xba: {  	v12 =	vmul.f32 v9, v13;
	v9 =	vmul.f32 v9, v15;
	v18 =	vld [tilespmem:s1+$0x50]  }
0xbb: {  	v20 =	vld [tilespmem:s21+$0xFFFFFF00];
	v15 =	vmul.f32 v16, v15;
	v13 =	vmul.f32 v16, v13  }
0xbc: {  	v16 =	vld [tilespmem:s21+$0xFFFFFF20]  }
0xbd: {  	v21 =	vld [tilespmem:s21+$0xFFFFFF60];
	v12 =	vadd.f32 v15, v12;
	v9 =	vsub.f32 v13, v9  }
0xbe: {  	v13 =	vld [tilespmem:s1+$0xFFFFFF20];
	v15 =	vmul.f32 v1, v14;
	v1 =	vmul.f32 v1, v17  }
0xbf: {  	v22 =	vld [tilespmem:s1+$0xFFFFFF60];
	v17 =	vmul.f32 v18, v17;
	v14 =	vmul.f32 v18, v14  }
0xc0: {  	v18 =	vmul.f32 v19, v20;
	v6 =	vmul.f32 v6, v20;
	v19 =	vld [tilespmem:s21+$0xFFFFFFA0]  }
0xc1: {  	v20 =	vld [tilespmem:s21+$0xFFFFFFE0];
	v15 =	vadd.f32 v17, v15;
	v14 =	vsub.f32 v14, v1  }
0xc2: {  	v1 =	vadd.f32 v10, v18;
	v6 =	vsub.f32 v6, v7;
	v7 =	vld [tilespmem:s1+$0xFFFFFFA0]  }
0xc3: {  	v10 =	vmul.f32 v13, v16;
	v13 =	vmul.f32 v13, v21;
	v17 =	vld [tilespmem:s1+$0xFFFFFFE0]  }
0xc4: {  	v18 =	vmul.f32 v22, v21;
	v16 =	vmul.f32 v22, v16;
	v21 =	vld [tilespmem:s21+$0x20]  }
0xc5: {  	v22 =	vld [tilespmem:s21+$0x60]  }
0xc6: {  	v10 =	vadd.f32 v18, v10;
	v13 =	vsub.f32 v16, v13;
	v16 =	vld [tilespmem:s1+$0x20]  }
0xc7: {  	v18 =	vmul.f32 v7, v19;
	v7 =	vmul.f32 v7, v20;
	v23 =	vld [tilespmem:s1+$0x60]  }
0xc8: {  	v24 =	vld [tilespmem:s15+$0xFFFFFF00];
	v20 =	vmul.f32 v17, v20;
	v17 =	vmul.f32 v17, v19  }
0xc9: {  	v19 =	vld [tilespmem:s15+$0xFFFFFF40]  }
0xca: {  	v25 =	vld [tilespmem:s15+$0xFFFFFF10];
	v18 =	vadd.f32 v20, v18;
	v17 =	vsub.f32 v17, v7  }
0xcb: {  	v7 =	vld [tilespmem:s15+$0xFFFFFF50];
	v20 =	vmul.f32 v16, v21;
	v16 =	vmul.f32 v16, v22  }
0xcc: {  	v26 =	vld [tilespmem:s21+$0xFFFFFF30];
	v22 =	vmul.f32 v23, v22;
	v21 =	vmul.f32 v23, v21  }
0xcd: {  	v1 =	vmul.f32 v1, v24;
	v23 =	vld [tilespmem:s21+$0xFFFFFF70]  }
0xce: {  	v6 =	vmul.f32 v6, v19;
	v19 =	vld [tilespmem:s1+$0xFFFFFF30];
	v20 =	vadd.f32 v22, v20;
	v16 =	vsub.f32 v21, v16  }
0xcf: {  	v3 =	vmul.f32 v3, v25;
	v21 =	vld [tilespmem:s1+$0xFFFFFF70]  }
0xd0: {  	v4 =	vmul.f32 v4, v7;
	v7 =	vld [tilespmem:s15+$0xFFFFFF80]  }
0xd1: {  	v22 =	vadd.f32 v3, v1;
	v3 =	vld [tilespmem:s15+$0xFFFFFFC0]  }
0xd2: {  	v24 =	vadd.f32 v4, v6;
	v4 =	vld [tilespmem:s15+$0xFFFFFF90]  }
0xd3: {  	v1 =	vmul.f32 v19, v26;
	v6 =	vmul.f32 v19, v23;
	v19 =	vld [tilespmem:s15+$0xFFFFFFD0]  }
0xd4: {  	v23 =	vmul.f32 v21, v23;
	v21 =	vmul.f32 v21, v26;
	v25 =	vld [tilespmem:s21+$0xFFFFFFB0]  }
0xd5: {  	v2 =	vmul.f32 v2, v7;
	v7 =	vld [tilespmem:s21+$0xFFFFFFF0]  }
0xd6: {  	v23 =	vadd.f32 v23, v1;
	v1 =	vsub.f32 v21, v6;
	v3 =	vmul.f32 v5, v3;
	v5 =	vld [tilespmem:s1+$0xFFFFFFB0]  }
0xd7: {  	v4 =	vmul.f32 v11, v4;
	v6 =	vld [tilespmem:s1+$0xFFFFFFF0]  }
0xd8: {  	v8 =	vmul.f32 v8, v19;
	v11 =	vld [tilespmem:s15+$0x0]  }
0xd9: {  	v2 =	vadd.f32 v4, v2;
	v19 =	vld [tilespmem:s15+$0x40]  }
0xda: {  	v8 =	vadd.f32 v8, v3;
	v21 =	vld [tilespmem:s15+$0x10]  }
0xdb: {  	v3 =	vmul.f32 v5, v25;
	v5 =	vmul.f32 v5, v7;
	v26 =	vld [tilespmem:s15+$0x50]  }
0xdc: {  	v4 =	vmul.f32 v6, v7;
	v6 =	vmul.f32 v6, v25;
	v7 =	vld [tilespmem:s21+$0x30]  }
0xdd: {  	v11 =	vmul.f32 v12, v11;
	v12 =	vld [tilespmem:s21+$0x70]  }
0xde: {  	v4 =	vadd.f32 v4, v3;
	v3 =	vsub.f32 v6, v5;
	v5 =	vmul.f32 v9, v19;
	v9 =	vld [tilespmem:s1+$0x30]  }
0xdf: {  	v6 =	vmul.f32 v15, v21;
	v15 =	vld [tilespmem:s1+$0x70]  }
0xe0: {  	v19 =	vld [tilespmem:s15+$0xFFFFFF20];
	v14 =	vmul.f32 v14, v26  }
0xe1: {  	v21 =	vld [tilespmem:s15+$0xFFFFFF60];
	v25 =	vadd.f32 v6, v11  }
0xe2: {  	v11 =	vld [tilespmem:s15+$0xFFFFFFA0];
	v6 =	vadd.f32 v14, v5  }
0xe3: {  	v14 =	vld [tilespmem:s15+$0xFFFFFFE0];
	v5 =	vmul.f32 v9, v7;
	v9 =	vmul.f32 v9, v12  }
0xe4: {  	v26 =	vld [tilespmem:s15+$0x20];
	v12 =	vmul.f32 v15, v12;
	v15 =	vmul.f32 v15, v7  }
0xe5: {  	v10 =	vmul.f32 v10, v19;
	v19 =	vld [tilespmem:s15+$0x60]  }
0xe6: {  	v21 =	vmul.f32 v13, v21;
	v27 =	vld [tilespmem:s15+$0xFFFFFF30];
	v7 =	vadd.f32 v12, v5;
	v5 =	vsub.f32 v15, v9  }
.Ltmp0:
0xe7: {  	v10 =	vadd.f32 v10, v22;
	v13 =	vld [tilespmem:s15+$0xFFFFFF70];
	v11 =	vmul.f32 v18, v11;
	(pc) =	sbr.rel @p0 .LBB2_2-.Ltmp0, $4  }
0xe8: {  	v9 =	vadd.f32 v21, v24;
	v15 =	vmul.f32 v17, v14;
	v14 =	vld [tilespmem:s15+$0xFFFFFFB0]  }
0xe9: {  	v11 =	vadd.f32 v11, v2;
	v12 =	vld [tilespmem:s15+$0xFFFFFFF0];
	v2 =	vmul.f32 v20, v26  }
0xea: {  	v8 =	vadd.f32 v15, v8;
	v18 =	vmul.f32 v16, v19;
	v15 =	vld [tilespmem:s15+$0x30]  }
0xeb: {  	s21 =	sadd.s32 $0x200, s21;
	v17 =	vmul.f32 v23, v27;
	v2 =	vadd.f32 v2, v25;
	v16 =	vld [tilespmem:s15+$0x70]  }
0xec: {  	v1 =	vmul.f32 v1, v13;
	s1 =	simm.s32 $0x0;
	v6 =	vadd.f32 v18, v6;
	v25 =	vmov s16  }
0xed: {  	v13 =	vmov s1;
	v4 =	vmul.f32 v4, v14;
	v10 =	vadd.f32 v17, v10  }
0xee: {  	v25 =	vmul.u32 $0x11, v25;
	v1 =	vadd.f32 v1, v9;
	v9 =	vmul.u32 $0x11, v13  }
0xef: {  	v3 =	vmul.f32 v3, v12;
	v4 =	vadd.f32 v4, v11;
	v7 =	vmul.f32 v7, v15  }
0xf0: {  	v10 =	vadd.f32 v1, v10;
	v1 =	vmul.f32 v5, v16;
	v16 =	vbroadcast v9, $0x0  }
0xf1: {  	v25 =	vbroadcast v25, $0x0;
	v3 =	vadd.f32 v3, v8;
	v5 =	vadd.f32 v7, v2  }
0xf2: {  	v2 =	vadd.s32 $0x2, v0;
	v6 =	vadd.f32 v1, v6;
	v7 =	vadd.s32 v0, v16  }
0xf3: {  	v4 =	vadd.f32 v3, v4;
	v9 =	vadd.s32 v2, v16  }
0xf4: {  	v33 =	vadd.s32 v0, v25;
	[tilespmem:s19+$0xFFFFFFDE] =	vst v10;
	v5 =	vadd.f32 v6, v5  }
0xf5: {  	v1 =	vadd.s32 $0x1, v0;
	v35 =	vadd.s32 v2, v25;
	[tilespmem:s19+$0xFFFFFFEF] =	vst v4  }
0xf6: {  	v3 =	vadd.s32 $0x3, v0;
	v8 =	vadd.s32 v1, v16;
	[tilespmem:s19+$0x0] =	vst v5  }
0xf7: {  	v10 =	vadd.s32 v3, v16;
	v17 =	vld.idx.msk [tilespmem:v7+s26+$0x0], $0xffff  }
0xf8: {  	v34 =	vadd.s32 v1, v25;
	v19 =	vld.idx.msk [tilespmem:v9+s26+$0x0], $0xffff  }
0xf9: {  	v36 =	vadd.s32 v3, v25;
	v4 =	vadd.s32 $0x4, v0;
	v33 =	vld.idx.msk [tilespmem:v33+s26+$0x0], $0xffff  }
0xfa: {  	v6 =	vadd.s32 $0x7, v0;
	v11 =	vadd.s32 v4, v16;
	v35 =	vld.idx.msk [tilespmem:v35+s26+$0x0], $0xffff  }
0xfb: {  	v14 =	vadd.s32 v6, v16;
	v18 =	vld.idx.msk [tilespmem:v8+s26+$0x0], $0xffff  }
0xfc: {  	v37 =	vadd.s32 v4, v25;
	v20 =	vld.idx.msk [tilespmem:v10+s26+$0x0], $0xffff  }
0xfd: {  	v40 =	vadd.s32 v6, v25;
	v5 =	vadd.s32 $0x5, v0;
	v34 =	vld.idx.msk [tilespmem:v34+s26+$0x0], $0xffff  }
0xfe: {  	v12 =	vadd.s32 v5, v16;
	v36 =	vld.idx.msk [tilespmem:v36+s26+$0x0], $0xffff  }
0xff: {  	v7 =	vadd.s32 $0x6, v0;
	v38 =	vadd.s32 v5, v25;
	v21 =	vld.idx.msk [tilespmem:v11+s26+$0x0], $0xffff  }
0x100: {  	v9 =	vadd.s32 $0x9, v0;
	v13 =	vadd.s32 v7, v16;
	v28 =	vld.idx.msk [tilespmem:v14+s26+$0x0], $0xffff  }
0x101: {  	v22 =	vadd.s32 v9, v16;
	v37 =	vld.idx.msk [tilespmem:v37+s26+$0x0], $0xffff  }
0x102: {  	v39 =	vadd.s32 v7, v25;
	v40 =	vld.idx.msk [tilespmem:v40+s26+$0x0], $0xffff  }
0x103: {  	v8 =	vadd.s32 $0x8, v0;
	v42 =	vadd.s32 v9, v25;
	v23 =	vld.idx.msk [tilespmem:v12+s26+$0x0], $0xffff  }
0x104: {  	v10 =	vadd.s32 $0xA, v0;
	v15 =	vadd.s32 v8, v16;
	v38 =	vld.idx.msk [tilespmem:v38+s26+$0x0], $0xffff  }
0x105: {  	v24 =	vadd.s32 v10, v16;
	v26 =	vld.idx.msk [tilespmem:v13+s26+$0x0], $0xffff  }
0x106: {  	s20 =	simm.s32 $0x20;
	v41 =	vadd.s32 v8, v25;
	v22 =	vld.idx.msk [tilespmem:v22+s26+$0x0], $0xffff  }
0x107: {  	v45 =	vmov s20;
	v43 =	vadd.s32 v10, v25;
	v11 =	vadd.s32 $0xB, v0;
	v39 =	vld.idx.msk [tilespmem:v39+s26+$0x0], $0xffff  }
0x108: {  	v45 =	vmul.u32 $0x11, v45;
	v14 =	vadd.s32 $0xE, v0;
	v27 =	vadd.s32 v11, v16;
	v42 =	vld.idx.msk [tilespmem:v42+s26+$0x0], $0xffff  }
0x109: {  	v32 =	vadd.s32 v14, v16;
	v30 =	vld.idx.msk [tilespmem:v15+s26+$0x0], $0xffff  }
0x10a: {  	v45 =	vbroadcast v45, $0x0;
	v44 =	vadd.s32 v11, v25;
	v24 =	vld.idx.msk [tilespmem:v24+s26+$0x0], $0xffff  }
0x10b: {  	v48 =	vadd.s32 v14, v25;
	v41 =	vld.idx.msk [tilespmem:v41+s26+$0x0], $0xffff  }
0x10c: {  	v49 =	vadd.s32 v0, v45;
	v43 =	vld.idx.msk [tilespmem:v43+s26+$0x0], $0xffff  }
0x10d: {  	v50 =	vadd.s32 v1, v45;
	v12 =	vadd.s32 $0xC, v0;
	v27 =	vld.idx.msk [tilespmem:v27+s26+$0x0], $0xffff  }
0x10e: {  	v29 =	vadd.s32 v12, v16;
	v13 =	vadd.s32 $0xD, v0;
	v32 =	vld.idx.msk [tilespmem:v32+s26+$0x0], $0xffff  }
0x10f: {  	v17 =	vadd.f32 v18, v17;
	v18 =	vadd.s32 v2, v45;
	v19 =	vadd.f32 v20, v19;
	v44 =	vld.idx.msk [tilespmem:v44+s26+$0x0], $0xffff  }
0x110: {  	v31 =	vadd.s32 v13, v16;
	v15 =	vadd.s32 $0xF, v0;
	v20 =	vadd.f32 v23, v21;
	v23 =	vld.idx.msk [tilespmem:v48+s26+$0x0], $0xffff  }
0x111: {  	v16 =	vadd.s32 v15, v16;
	v48 =	vld.idx.msk [tilespmem:v49+s26+$0x0], $0xffff  }
0x112: {  	v46 =	vadd.s32 v12, v25;
	v49 =	vld.idx.msk [tilespmem:v50+s26+$0x0], $0xffff  }
0x113: {  	v47 =	vadd.s32 v13, v25;
	v29 =	vld.idx.msk [tilespmem:v29+s26+$0x0], $0xffff  }
0x114: {  	v21 =	vadd.s32 v3, v45;
	v50 =	vld.idx.msk [tilespmem:v18+s26+$0x0], $0xffff  }
0x115: {  	v25 =	vadd.s32 v15, v25;
	v31 =	vld.idx.msk [tilespmem:v31+s26+$0x0], $0xffff  }
0x116: {  	v26 =	vadd.f32 v28, v26;
	v18 =	vadd.s32 v6, v45;
	v16 =	vld.idx.msk [tilespmem:v16+s26+$0x0], $0xffff  }
0x117: {  	v17 =	vadd.f32 v19, v17;
	v46 =	vld.idx.msk [tilespmem:v46+s26+$0x0], $0xffff;
	v28 =	vadd.s32 v4, v45  }
0x118: {  	v47 =	vld.idx.msk [tilespmem:v47+s26+$0x0], $0xffff;
	v22 =	vadd.f32 v22, v30;
	v30 =	vadd.s32 v5, v45;
	v19 =	vadd.f32 v26, v20  }
0x119: {  	s21 =	simm.s32 $0x30;
	v24 =	vadd.f32 v27, v24;
	v51 =	vld.idx.msk [tilespmem:v21+s26+$0x0], $0xffff;
	v21 =	vadd.s32 v8, v45  }
0x11a: {  	v25 =	vld.idx.msk [tilespmem:v25+s26+$0x0], $0xffff;
	v27 =	vmov s21;
	v17 =	vadd.f32 v19, v17;
	v19 =	vadd.s32 v10, v45  }
0x11b: {  	v56 =	vld.idx.msk [tilespmem:v18+s26+$0x0], $0xffff;
	v18 =	vadd.s32 v12, v45;
	v29 =	vadd.f32 v31, v29;
	v16 =	vadd.f32 v16, v32  }
0x11c: {  	v20 =	vadd.f32 v24, v22;
	v22 =	vmul.u32 $0x11, v27;
	v52 =	vld.idx.msk [tilespmem:v28+s26+$0x0], $0xffff;
	v31 =	vadd.s32 v7, v45  }
0x11d: {  	v53 =	vld.idx.msk [tilespmem:v30+s26+$0x0], $0xffff;
	v30 =	vadd.s32 v15, v45;
	v16 =	vadd.f32 v16, v29  }
0x11e: {  	v42 =	vadd.f32 v42, v41;
	v24 =	vadd.s32 v9, v45;
	v54 =	vbroadcast v22, $0x0;
	v57 =	vld.idx.msk [tilespmem:v21+s26+$0x0], $0xffff  }
0x11f: {  	v62 =	vadd.f32 v44, v43;
	v21 =	vadd.s32 v13, v45;
	v60 =	vld.idx.msk [tilespmem:v19+s26+$0x0], $0xffff;
	v16 =	vadd.f32 v16, v20  }
0x120: {  	v26 =	vadd.f32 v36, v35;
	v27 =	vadd.s32 v0, v54;
	v28 =	vld.idx.msk [tilespmem:v18+s26+$0x0], $0xffff  }
0x121: {  	v35 =	vadd.f32 v62, v42;
	v55 =	vld.idx.msk [tilespmem:v31+s26+$0x0], $0xffff;
	v20 =	vadd.s32 v11, v45;
	v16 =	vadd.f32 v16, v17  }
0x122: {  	v22 =	vadd.f32 v34, v33;
	v23 =	vadd.f32 v25, v23;
	v33 =	vadd.s32 v1, v54;
	v36 =	vld.idx.msk [tilespmem:v30+s26+$0x0], $0xffff  }
0x123: {  	v58 =	vadd.s32 v2, v54;
	[tilespmem:s0+$0xFFFFFFF0] =	vst v16;
	v16 =	vld.idx.msk [tilespmem:v24+s26+$0x0], $0xffff;
	v24 =	vadd.s32 v14, v45  }
0x124: {  	v59 =	vadd.s32 v3, v54;
	v19 =	vadd.s32 v6, v54;
	v31 =	vadd.f32 v40, v39;
	v29 =	vld.idx.msk [tilespmem:v21+s26+$0x0], $0xffff  }
0x125: {  	v18 =	vadd.s32 v7, v54;
	v39 =	vadd.f32 v51, v50;
	v21 =	vadd.f32 v47, v46;
	v30 =	vld.idx.msk [tilespmem:v27+s26+$0x0], $0xffff  }
0x126: {  	v40 =	vadd.f32 v53, v52;
	v17 =	vadd.s32 v5, v54;
	v27 =	vadd.s32 v14, v54;
	v61 =	vld.idx.msk [tilespmem:v20+s26+$0x0], $0xffff  }
0x127: {  	v45 =	vadd.s32 v4, v54;
	v20 =	vadd.f32 v38, v37;
	v63 =	vadd.f32 v23, v21  }
0x128: {  	v21 =	vadd.s32 v9, v54;
	v23 =	vadd.s32 v12, v54;
	v38 =	vadd.f32 v49, v48;
	v32 =	vld.idx.msk [tilespmem:v24+s26+$0x0], $0xffff  }
0x129: {  	v34 =	vld.idx.msk [tilespmem:v33+s26+$0x0], $0xffff;
	v41 =	vadd.f32 v56, v55;
	v25 =	vadd.f32 v31, v20;
	v20 =	vadd.s32 v8, v54  }
0x12a: {  	v33 =	vld.idx.msk [tilespmem:v58+s26+$0x0], $0xffff;
	v35 =	vadd.f32 v63, v35;
	v24 =	vadd.f32 v26, v22;
	v26 =	vadd.s32 v10, v54  }
0x12b: {  	v37 =	vld.idx.msk [tilespmem:v59+s26+$0x0], $0xffff;
	v22 =	vadd.s32 v11, v54;
	v42 =	vadd.f32 v16, v57;
	v43 =	vadd.f32 v61, v60  }
0x12c: {  	s15 =	simm.s32 $0x50;
	s1 =	simm.s32 $0x2;
	v16 =	vld.idx.msk [tilespmem:v45+s26+$0x0], $0xffff;
	v31 =	vadd.f32 v25, v24;
	v24 =	vadd.s32 v13, v54;
	v25 =	vadd.s32 v15, v54  }
.LBB2_4:
0x12d: {  	s16 =	sadd.s32 $0xFFFFFFF0, s15;
	v44 =	vmov s15;
	v28 =	vadd.f32 v29, v28;
	v29 =	vadd.f32 v36, v32;
	v32 =	vld.idx.msk [tilespmem:v17+s26+$0x0], $0xffff  }
0x12e: {  	v36 =	vadd.f32 v39, v38;
	v38 =	vadd.f32 v41, v40;
	v17 =	vmov s16;
	v39 =	vld.idx.msk [tilespmem:v18+s26+$0x0], $0xffff  }
0x12f: {  	v18 =	vadd.f32 v43, v42;
	v17 =	vmul.u32 $0x11, v17;
	v28 =	vadd.f32 v29, v28;
	v29 =	vld.idx.msk [tilespmem:v19+s26+$0x0], $0xffff  }
0x130: {  	v30 =	vadd.f32 v34, v30;
	v19 =	vmul.u32 $0x11, v44;
	v40 =	vld.idx.msk [tilespmem:v20+s26+$0x0], $0xffff;
	v20 =	vadd.f32 v35, v31  }
0x131: {  	v31 =	vbroadcast v17, $0x0;
	v17 =	vadd.f32 v38, v36;
	v18 =	vadd.f32 v28, v18;
	v34 =	vld.idx.msk [tilespmem:v21+s26+$0x0], $0xffff  }
0x132: {  	v33 =	vadd.f32 v37, v33;
	v28 =	vbroadcast v19, $0x0;
	v35 =	vld.idx.msk [tilespmem:v26+s26+$0x0], $0xffff;
	[tilespmem:s0+$0x0] =	vst v20  }
0x133: {  	v19 =	vadd.s32 v0, v31;
	v17 =	vadd.f32 v18, v17;
	v36 =	vld.idx.msk [tilespmem:v22+s26+$0x0], $0xffff  }
0x134: {  	s0 =	sadd.s32 $0x20, s0;
	v18 =	vadd.s32 v1, v31;
	v37 =	vadd.s32 v0, v28;
	v38 =	vld.idx.msk [tilespmem:v23+s26+$0x0], $0xffff  }
0x135: {  	v20 =	vadd.s32 v2, v31;
	v41 =	vadd.s32 v1, v28;
	[tilespmem:s0+$0xFFFFFFF0] =	vst v17;
	v42 =	vld.idx.msk [tilespmem:v24+s26+$0x0], $0xffff  }
0x136: {  	v21 =	vadd.s32 v3, v31;
	v43 =	vadd.s32 v2, v28;
	v44 =	vld.idx.msk [tilespmem:v27+s26+$0x0], $0xffff  }
0x137: {  	v22 =	vadd.s32 v4, v31;
	v45 =	vadd.s32 v3, v28;
	v46 =	vld.idx.msk [tilespmem:v25+s26+$0x0], $0xffff  }
0x138: {  	v48 =	vadd.s32 v4, v28;
	v23 =	vadd.s32 v5, v31;
	v47 =	vld.idx.msk [tilespmem:v19+s26+$0x0], $0xffff  }
0x139: {  	v24 =	vadd.s32 v7, v31;
	v17 =	vadd.s32 v5, v28;
	v49 =	vld.idx.msk [tilespmem:v18+s26+$0x0], $0xffff  }
0x13a: {  	v25 =	vadd.s32 v6, v31;
	v18 =	vadd.s32 v7, v28;
	v50 =	vld.idx.msk [tilespmem:v20+s26+$0x0], $0xffff  }
0x13b: {  	v27 =	vadd.s32 v8, v31;
	v19 =	vadd.s32 v6, v28;
	v51 =	vld.idx.msk [tilespmem:v21+s26+$0x0], $0xffff  }
0x13c: {  	s1 =	sadd.s32 $0x2, s1;
	v53 =	vadd.s32 v9, v31;
	v20 =	vadd.s32 v8, v28;
	v52 =	vld.idx.msk [tilespmem:v22+s26+$0x0], $0xffff  }
0x13d: {  	p0 =	slt.u32 s1, $0x6;
	v55 =	vadd.s32 v10, v31;
	v21 =	vadd.s32 v9, v28;
	v54 =	vld.idx.msk [tilespmem:v23+s26+$0x0], $0xffff  }
0x13e: {  	v57 =	vadd.s32 v11, v31;
	v26 =	vadd.s32 v10, v28;
	v56 =	vld.idx.msk [tilespmem:v24+s26+$0x0], $0xffff  }
0x13f: {  	v59 =	vadd.s32 v12, v31;
	v22 =	vadd.s32 v11, v28;
	v58 =	vld.idx.msk [tilespmem:v25+s26+$0x0], $0xffff  }
0x140: {  	v61 =	vadd.s32 v13, v31;
	v23 =	vadd.s32 v12, v28;
	v60 =	vld.idx.msk [tilespmem:v27+s26+$0x0], $0xffff  }
0x141: {  	v62 =	vadd.s32 v14, v31;
	v24 =	vadd.s32 v13, v28;
	v53 =	vld.idx.msk [tilespmem:v53+s26+$0x0], $0xffff  }
0x142: {  	v31 =	vadd.s32 v15, v31;
	v25 =	vadd.s32 v15, v28;
	v27 =	vadd.s32 v14, v28;
	v55 =	vld.idx.msk [tilespmem:v55+s26+$0x0], $0xffff  }
0x143: {  	v16 =	vadd.f32 v32, v16;
	v39 =	vadd.f32 v29, v39;
	v57 =	vld.idx.msk [tilespmem:v57+s26+$0x0], $0xffff  }
0x144: {  	v34 =	vadd.f32 v34, v40;
	v35 =	vadd.f32 v36, v35;
	v28 =	vld.idx.msk [tilespmem:v59+s26+$0x0], $0xffff  }
0x145: {  	v38 =	vadd.f32 v42, v38;
	v40 =	vadd.f32 v46, v44;
	v29 =	vld.idx.msk [tilespmem:v61+s26+$0x0], $0xffff  }
0x146: {  	v33 =	vadd.f32 v33, v30;
	v16 =	vadd.f32 v39, v16;
	v32 =	vld.idx.msk [tilespmem:v62+s26+$0x0], $0xffff  }
0x147: {  	v35 =	vadd.f32 v35, v34;
	v38 =	vadd.f32 v40, v38;
	v36 =	vld.idx.msk [tilespmem:v31+s26+$0x0], $0xffff  }
.Ltmp1:
0x148: {  	v31 =	vadd.f32 v16, v33;
	v30 =	vld.idx.msk [tilespmem:v37+s26+$0x0], $0xffff;
	(pc) =	sbr.rel @p0 .LBB2_4-.Ltmp1, $4  }
0x149: {  	v35 =	vadd.f32 v38, v35;
	v34 =	vld.idx.msk [tilespmem:v41+s26+$0x0], $0xffff  }
0x14a: {  	v38 =	vadd.f32 v49, v47;
	v39 =	vadd.f32 v51, v50;
	v33 =	vld.idx.msk [tilespmem:v43+s26+$0x0], $0xffff  }
0x14b: {  	v40 =	vadd.f32 v54, v52;
	v41 =	vadd.f32 v58, v56;
	v37 =	vld.idx.msk [tilespmem:v45+s26+$0x0], $0xffff  }
0x14c: {  	s15 =	sadd.s32 $0x20, s15;
	v42 =	vadd.f32 v53, v60;
	v43 =	vadd.f32 v57, v55;
	v16 =	vld.idx.msk [tilespmem:v48+s26+$0x0], $0xffff  }
0x14d: {  	_ =	sdelay $0x3  }
0x14e: {  	v17 =	vld.idx.msk [tilespmem:v17+s26+$0x0], $0xffff  }
0x14f: {  	v18 =	vld.idx.msk [tilespmem:v18+s26+$0x0], $0xffff  }
0x150: {  	v19 =	vld.idx.msk [tilespmem:v19+s26+$0x0], $0xffff  }
0x151: {  	v20 =	vld.idx.msk [tilespmem:v20+s26+$0x0], $0xffff  }
0x152: {  	v21 =	vld.idx.msk [tilespmem:v21+s26+$0x0], $0xffff  }
0x153: {  	v26 =	vld.idx.msk [tilespmem:v26+s26+$0x0], $0xffff  }
0x154: {  	v22 =	vld.idx.msk [tilespmem:v22+s26+$0x0], $0xffff  }
0x155: {  	v23 =	vld.idx.msk [tilespmem:v23+s26+$0x0], $0xffff  }
0x156: {  	v28 =	vadd.f32 v29, v28;
	v24 =	vld.idx.msk [tilespmem:v24+s26+$0x0], $0xffff  }
0x157: {  	v29 =	vadd.f32 v36, v32;
	v63 =	vadd.f32 v39, v38;
	v27 =	vld.idx.msk [tilespmem:v27+s26+$0x0], $0xffff  }
0x158: {  	v41 =	vadd.f32 v41, v40;
	v25 =	vld.idx.msk [tilespmem:v25+s26+$0x0], $0xffff;
	v44 =	vadd.f32 v43, v42  }
0x159: {  	v28 =	vadd.f32 v29, v28;
	v29 =	vadd.f32 v34, v30  }
0x15a: {  	v30 =	vadd.f32 v35, v31;
	v31 =	vadd.f32 v37, v33  }
0x15b: {  	v16 =	vadd.f32 v17, v16;
	v17 =	vadd.f32 v19, v18  }
0x15c: {  	v18 =	vadd.f32 v21, v20;
	v19 =	vadd.f32 v22, v26  }
0x15d: {  	v20 =	vadd.f32 v24, v23;
	v21 =	vadd.f32 v25, v27  }
0x15e: {  	v22 =	vadd.f32 v31, v29;
	v16 =	vadd.f32 v17, v16  }
0x15f: {  	v17 =	vadd.f32 v19, v18;
	v18 =	vadd.f32 v21, v20  }
0x160: {  	v19 =	vadd.f32 v41, v63;
	v20 =	vadd.f32 v28, v44  }
0x161: {  	v16 =	vadd.f32 v16, v22;
	v17 =	vadd.f32 v18, v17  }
0x162: {  	v18 =	vadd.f32 v20, v19  }
0x163: {  	s15 =	sadd.s32 $0x20, s0;
	[tilespmem:s0+$0x0] =	vst v30;
	v16 =	vadd.f32 v17, v16  }
0x164: {  	[tilespmem:s15+$0xFFFFFFF0] =	vst v18  }
0x165: {  	s16 =	simm.s32 $0xC80;
	[tilespmem:s15+$0x0] =	vst v16  }
0x166: {  	[tilespmem:s16], [sflag:$0x1] =	stream.linear.gather [hbm4b:s9+s3], $0x4000, $0x38;
	[tilespmem:$0x18C80] =	vst v63  }
0x167: {  	s19 =	simm.s32 $0x4C80  }
0x168: {  	[tilespmem:s19], [sflag:$0x2] =	stream.linear.gather [hbm4b:s10+s3], $0x4000, $0x38;
	[tilespmem:$0x18C80] =	vst v63  }
0x169: {  	s20 =	simm.s32 $0x8C80;
	s1 =	simm.s32 $0x100  }
0x16a: {  	[tilespmem:s20], [sflag:$0x3] =	stream.indirect.gather [hbm4b:s2+s18], $0x80, s1, s18, $0xb8;
	[tilespmem:$0x18C80] =	vst v63  }
0x16b: {  	_ =	swait.ge [sflag:s29], $0x4000  }
0x16c: {  	[sflag:s29] =	ssyncset.done $0x0  }
0x16d: {  	[sflag:s29] =	ssyncadd.s32 $0xFFFFC000  }
0x16e: {  	_ =	swait.ge [sflag:s30], $0x4000  }
0x16f: {  	[sflag:s30] =	ssyncset.done $0x0  }
0x170: {  	[sflag:s30] =	ssyncadd.s32 $0xFFFFC000  }
0x171: {  	_ =	swait.ge [sflag:s31], $0x4000  }
0x172: {  	[sflag:s31] =	ssyncset.done $0x0  }
0x173: {  	s21 =	simm.s32 $0xCD80;
	[sflag:s31] =	ssyncadd.s32 $0xFFFFC000  }
0x174: {  	v16 =	vld [tilespmem:s21+$0xB0]  }
0x175: {  	s0 =	simm.s32 $0x10D80;
	v17 =	vld [tilespmem:s21+$0xF0]  }
0x176: {  	v18 =	vld [tilespmem:s0+$0xB0]  }
0x177: {  	v19 =	vld [tilespmem:s0+$0xF0]  }
0x178: {  	v20 =	vld [tilespmem:s21+$0xA0]  }
0x179: {  	v32 =	vld [tilespmem:s21+$0xE0]  }
0x17a: {  	v22 =	vld [tilespmem:s0+$0xA0]  }
0x17b: {  	v23 =	vld [tilespmem:s0+$0xE0]  }
0x17c: {  	v24 =	vld [tilespmem:s21+$0x80]  }
0x17d: {  	v25 =	vld [tilespmem:s21+$0xC0]  }
0x17e: {  	v26 =	vld [tilespmem:s0+$0x80]  }
0x17f: {  	v27 =	vld [tilespmem:s0+$0xC0]  }
0x180: {  	v28 =	vld [tilespmem:s21+$0x90]  }
0x181: {  	v29 =	vld [tilespmem:s21+$0xD0]  }
0x182: {  	v30 =	vld [tilespmem:s0+$0x90]  }
0x183: {  	v31 =	vld [tilespmem:s0+$0xD0]  }
0x184: {  	s15 =	simm.s32 $0x14D80;
	v33 =	vld [tilespmem:s21+$0xFFFFFF40]  }
0x185: {  	v37 =	vld [tilespmem:s15+$0x80]  }
0x186: {  	v21 =	vld [tilespmem:s15+$0xB0]  }
0x187: {  	v38 =	vld [tilespmem:s15+$0xC0]  }
0x188: {  	v39 =	vld [tilespmem:s15+$0x90]  }
0x189: {  	v40 =	vld [tilespmem:s15+$0xD0]  }
0x18a: {  	v41 =	vld [tilespmem:s15+$0xA0]  }
0x18b: {  	v42 =	vld [tilespmem:s15+$0xE0];
	[tilespmem:$0x1FFC0] =	vst v21  }
0x18c: {  	v21 =	vld [tilespmem:s15+$0xF0];
	_ =	sdelay $0x4  }
0x18d: {  	[tilespmem:$0x1FFD0] =	vst v21  }
0x18e: {  	v21 =	vld [tilespmem:s0+$0xFFFFFF00];
	_ =	sdelay $0x4  }
0x18f: {  	[tilespmem:$0x1FFE0] =	vst v21  }
0x190: {  	v21 =	vld [tilespmem:s0+$0xFFFFFF40];
	_ =	sdelay $0x4  }
0x191: {  	[tilespmem:$0x1FFF0] =	vst v21  }
0x192: {  	v43 =	vld [tilespmem:s21+$0xFFFFFF10]  }
0x193: {  	v44 =	vld [tilespmem:s21+$0xFFFFFF50]  }
0x194: {  	v45 =	vld [tilespmem:s0+$0xFFFFFF10]  }
0x195: {  	v46 =	vld [tilespmem:s0+$0xFFFFFF50]  }
0x196: {  	v47 =	vld [tilespmem:s21+$0xFFFFFF80]  }
0x197: {  	v48 =	vld [tilespmem:s21+$0xFFFFFFC0]  }
0x198: {  	v49 =	vld [tilespmem:s0+$0xFFFFFF80]  }
0x199: {  	v50 =	vld [tilespmem:s0+$0xFFFFFFC0]  }
0x19a: {  	v51 =	vld [tilespmem:s21+$0xFFFFFF90]  }
0x19b: {  	v52 =	vld [tilespmem:s21+$0xFFFFFFD0]  }
0x19c: {  	v53 =	vld [tilespmem:s0+$0xFFFFFF90]  }
0x19d: {  	v54 =	vld [tilespmem:s0+$0xFFFFFFD0]  }
0x19e: {  	v55 =	vld [tilespmem:s21+$0x0]  }
0x19f: {  	v56 =	vld [tilespmem:s21+$0x40]  }
0x1a0: {  	v57 =	vld [tilespmem:s0+$0x0]  }
0x1a1: {  	v58 =	vld [tilespmem:s0+$0x40]  }
0x1a2: {  	v59 =	vld [tilespmem:s21+$0x10]  }
0x1a3: {  	v60 =	vld [tilespmem:s21+$0x50]  }
0x1a4: {  	v61 =	vmul.f32 v18, v16;
	v62 =	vld [tilespmem:s0+$0x10]  }
0x1a5: {  	v63 =	vmul.f32 v19, v17;
	v21 =	vmul.f32 v19, v16;
	v34 =	vld [tilespmem:s0+$0x50]  }
0x1a6: {  	v19 =	vmul.f32 v18, v17;
	v18 =	vmul.f32 v26, v24;
	v35 =	vld [tilespmem:s21+$0xFFFFFF00]  }
0x1a7: {  	v16 =	vmul.f32 v27, v25;
	v24 =	vmul.f32 v27, v24;
	v36 =	vld [tilespmem:s21+$0xFFFFFF20]  }
0x1a8: {  	v25 =	vmul.f32 v26, v25;
	v26 =	vmul.f32 v30, v28;
	v27 =	vld [tilespmem:s21+$0xFFFFFF60]  }
0x1a9: {  	v17 =	vmul.f32 v31, v29;
	v28 =	vmul.f32 v31, v28;
	v31 =	vld [tilespmem:s0+$0xFFFFFF20]  }
0x1aa: {  	v29 =	vmul.f32 v30, v29;
	v30 =	vmul.f32 v22, v20;
	v16 =	vadd.f32 v16, v18;
	v18 =	vld [tilespmem:s0+$0xFFFFFF60]  }
0x1ab: {  	v20 =	vmul.f32 v23, v20;
	v24 =	vsub.f32 v24, v25;
	v25 =	vmul.f32 v23, v32;
	v23 =	vld [tilespmem:s21+$0xFFFFFFA0]  }
0x1ac: {  	v22 =	vmul.f32 v22, v32;
	v17 =	vadd.f32 v17, v26;
	v26 =	vsub.f32 v28, v29;
	v28 =	vld [tilespmem:s21+$0xFFFFFFE0]  }
0x1ad: {  	v29 =	vld [tilespmem:s0+$0xFFFFFFA0]  }
0x1ae: {  	v20 =	vsub.f32 v20, v22;
	v22 =	vld [tilespmem:s0+$0xFFFFFFE0];
	v16 =	vmul.f32 v16, v37;
	v24 =	vmul.f32 v24, v38  }
0x1af: {  	v19 =	vsub.f32 v21, v19;
	v21 =	vld [tilespmem:s21+$0x20];
	v17 =	vmul.f32 v17, v39;
	v26 =	vmul.f32 v26, v40  }
0x1b0: {  	v25 =	vadd.f32 v25, v30;
	v30 =	vadd.f32 v63, v61;
	v63 =	vld [tilespmem:$0x1FFE0]  }
0x1b1: {  	v20 =	vmul.f32 v20, v42;
	v61 =	vld [tilespmem:$0x1FFF0];
	v16 =	vadd.f32 v17, v16;
	v17 =	vadd.f32 v26, v24  }
0x1b2: {  	v39 =	vld [tilespmem:s15+$0xFFFFFF10]  }
0x1b3: {  	v17 =	vadd.f32 v20, v17;
	v20 =	vld [tilespmem:$0x1FFD0]  }
0x1b4: {  	v25 =	vmul.f32 v25, v41;
	v26 =	vld [tilespmem:$0x1FFC0];
	v37 =	vmul.f32 v45, v44  }
0x1b5: {  	v24 =	vld [tilespmem:s21+$0x60];
	v40 =	vmul.f32 v49, v47;
	v38 =	vmul.f32 v49, v48  }
0x1b6: {  	v41 =	vld [tilespmem:s15+$0xFFFFFF50];
	v49 =	vmul.f32 v50, v48;
	v50 =	vmul.f32 v50, v47  }
0x1b7: {  	v42 =	vmul.f32 v53, v52;
	v47 =	vld [tilespmem:s0+$0xFFFFFF30];
	v48 =	vmul.f32 v57, v55;
	v16 =	vadd.f32 v25, v16  }
0x1b8: {  	v40 =	vadd.f32 v49, v40;
	v49 =	vld [tilespmem:s0+$0xFFFFFF70];
	v25 =	vmul.f32 v63, v33;
	v19 =	vmul.f32 v19, v20  }
0x1b9: {  	v32 =	vmul.f32 v61, v33;
	v33 =	vld [tilespmem:s15+$0xFFFFFF00];
	v26 =	vmul.f32 v30, v26  }
0x1ba: {  	v30 =	vld [tilespmem:s0+$0x20];
	v17 =	vadd.f32 v19, v17;
	v19 =	vmul.f32 v45, v43;
	v45 =	vmul.f32 v46, v44  }
0x1bb: {  	v20 =	vld [tilespmem:s0+$0x60];
	v16 =	vadd.f32 v26, v16;
	v44 =	vmul.f32 v53, v51;
	v53 =	vmul.f32 v54, v52  }
0x1bc: {  	v26 =	vld [tilespmem:s15+$0xFFFFFF40];
	v54 =	vmul.f32 v54, v51;
	v52 =	vmul.f32 v62, v59  }
0x1bd: {  	v51 =	vld [tilespmem:s15+$0xFFFFFF80];
	v17 =	vadd.f32 v17, v16;
	v16 =	vmul.f32 v46, v43;
	v46 =	vmul.f32 v57, v56  }
0x1be: {  	v19 =	vadd.f32 v45, v19;
	v43 =	vld [tilespmem:s21+$0xFFFFFF30];
	v57 =	vmul.f32 v58, v56;
	v58 =	vmul.f32 v58, v55  }
0x1bf: {  	v45 =	vld [tilespmem:s21+$0xFFFFFF70];
	v16 =	vsub.f32 v16, v37;
	v37 =	vsub.f32 v50, v38;
	v50 =	vmul.f32 v62, v60  }
0x1c0: {  	v44 =	vadd.f32 v53, v44;
	v53 =	vld [tilespmem:s15+$0xFFFFFFC0];
	v62 =	vmul.f32 v34, v60;
	v34 =	vmul.f32 v34, v59  }
0x1c1: {  	v55 =	vld [tilespmem:s15+$0xFFFFFF90];
	v38 =	vsub.f32 v54, v42;
	v60 =	vmul.f32 v63, v35;
	v35 =	vmul.f32 v61, v35  }
0x1c2: {  	v56 =	vld [tilespmem:s15+$0xFFFFFFD0];
	v48 =	vadd.f32 v57, v48;
	v63 =	vmul.f32 v29, v23;
	v29 =	vmul.f32 v29, v28  }
0x1c3: {  	v42 =	vsub.f32 v58, v46;
	v57 =	vld [tilespmem:s21+$0xFFFFFFB0];
	v28 =	vmul.f32 v22, v28;
	v22 =	vmul.f32 v22, v23  }
0x1c4: {  	v46 =	vld [tilespmem:s0+$0xFFFFFFB0];
	v23 =	vmul.f32 v30, v21;
	v19 =	vmul.f32 v19, v39;
	v52 =	vadd.f32 v62, v52  }
0x1c5: {  	v58 =	vld [tilespmem:s0+$0xFFFFFFF0];
	v62 =	vmul.f32 v31, v36;
	v34 =	vsub.f32 v34, v50;
	v31 =	vmul.f32 v31, v27  }
0x1c6: {  	v59 =	vld [tilespmem:s15+$0x0];
	v27 =	vmul.f32 v18, v27;
	v32 =	vadd.f32 v32, v60;
	v18 =	vmul.f32 v18, v36  }
0x1c7: {  	v61 =	vmul.f32 v40, v51;
	v51 =	vld [tilespmem:s15+$0xFFFFFF60];
	v25 =	vsub.f32 v35, v25;
	v28 =	vadd.f32 v28, v63  }
0x1c8: {  	v50 =	vld [tilespmem:s21+$0xFFFFFFF0];
	v16 =	vmul.f32 v16, v41;
	v31 =	vsub.f32 v18, v31;
	v18 =	vmul.f32 v30, v24  }
0x1c9: {  	v60 =	vld [tilespmem:s15+$0x10];
	v27 =	vadd.f32 v27, v62;
	v24 =	vmul.f32 v20, v24;
	v20 =	vmul.f32 v20, v21  }
0x1ca: {  	v63 =	vld [tilespmem:s15+$0xFFFFFF20];
	v21 =	vmul.f32 v32, v33;
	v33 =	vsub.f32 v22, v29;
	v22 =	vmul.f32 v25, v26  }
0x1cb: {  	v30 =	vld [tilespmem:s15+$0x40];
	v35 =	vmul.f32 v58, v57;
	v23 =	vadd.f32 v24, v23;
	v26 =	vsub.f32 v20, v18  }
0x1cc: {  	v25 =	vld [tilespmem:s15+$0x50];
	v24 =	vadd.f32 v19, v21;
	v18 =	vmul.f32 v47, v43;
	v19 =	vmul.f32 v49, v45  }
0x1cd: {  	v62 =	vld [tilespmem:s0+$0x70];
	v36 =	vadd.f32 v16, v22;
	v16 =	vmul.f32 v47, v45;
	v22 =	vmul.f32 v49, v43  }
0x1ce: {  	v21 =	vld [tilespmem:s21+$0x70];
	v31 =	vmul.f32 v31, v51;
	v49 =	vmul.f32 v58, v50  }
0x1cf: {  	v29 =	vld [tilespmem:s0+$0x30];
	v32 =	vmul.f32 v52, v60;
	v40 =	vadd.f32 v19, v18;
	v18 =	vmul.f32 v44, v55  }
0x1d0: {  	v20 =	vld [tilespmem:s21+$0x30];
	v16 =	vsub.f32 v22, v16;
	v19 =	vmul.f32 v37, v53;
	v22 =	vmul.f32 v38, v56  }
0x1d1: {  	v27 =	vmul.f32 v27, v63;
	v55 =	vld [tilespmem:s15+$0xFFFFFFA0];
	v56 =	vmul.f32 v48, v59;
	v38 =	vadd.f32 v18, v61  }
0x1d2: {  	v58 =	vld [tilespmem:s15+$0x20];
	v18 =	vmul.f32 v46, v57;
	v53 =	vadd.f32 v22, v19;
	v22 =	vmul.f32 v46, v50  }
0x1d3: {  	v25 =	vmul.f32 v34, v25;
	v57 =	vld [tilespmem:s15+$0xFFFFFFE0];
	v60 =	vmul.f32 v62, v21  }
0x1d4: {  	v61 =	vld [tilespmem:s15+$0x60];
	v19 =	vadd.f32 v49, v18;
	v18 =	vsub.f32 v35, v22;
	v22 =	vmul.f32 v42, v30  }
0x1d5: {  	v30 =	vmul.f32 v29, v20;
	v20 =	vmul.f32 v62, v20;
	v62 =	vld [tilespmem:s15+$0xFFFFFF30]  }
0x1d6: {  	v63 =	vmul.f32 v28, v55;
	v22 =	vadd.f32 v25, v22;
	v25 =	vmul.f32 v29, v21;
	v29 =	vld [tilespmem:s15+$0xFFFFFF70]  }
0x1d7: {  	v59 =	vadd.f32 v32, v56;
	v34 =	vmul.f32 v23, v58;
	v21 =	vadd.f32 v60, v30;
	v30 =	vld [tilespmem:s15+$0xFFFFFFB0]  }
0x1d8: {  	v28 =	vadd.f32 v27, v24;
	v27 =	vld [tilespmem:s15+$0xFFFFFFF0];
	v33 =	vmul.f32 v33, v57;
	v24 =	vadd.f32 v63, v38  }
0x1d9: {  	s16 =	simm.s32 $0x422;
	v32 =	vmul.f32 v26, v61;
	v20 =	vsub.f32 v20, v25;
	v25 =	vadd.f32 v31, v36;
	v31 =	vld [tilespmem:s15+$0x30]  }
0x1da: {  	s19 =	simm.s32 $0x0;
	s1 =	simm.s32 $0x290;
	s20 =	simm.s32 $0xCF80;
	[tilespmem:s16+$0x11] =	vst v17;
	v17 =	vld [tilespmem:s15+$0x70];
	v26 =	vadd.f32 v34, v59;
	v23 =	vadd.f32 v33, v53;
	v33 =	vmul.f32 v40, v62  }
.LBB2_6:
0x1db: {  	v34 =	vld [tilespmem:s20+$0xB0];
	v16 =	vmul.f32 v16, v29;
	v22 =	vadd.f32 v32, v22  }
0x1dc: {  	s0 =	sadd.s32 $0x200, s0;
	v29 =	vld [tilespmem:s20+$0xF0];
	v28 =	vadd.f32 v33, v28;
	v19 =	vmul.f32 v19, v30  }
0x1dd: {  	v30 =	vld [tilespmem:s0+$0xB0];
	v16 =	vadd.f32 v16, v25;
	v18 =	vmul.f32 v18, v27  }
0x1de: {  	v25 =	vld [tilespmem:s0+$0xF0];
	v19 =	vadd.f32 v19, v24;
	v21 =	vmul.f32 v21, v31  }
0x1df: {  	v24 =	vld [tilespmem:s20+$0xA0];
	v16 =	vadd.f32 v16, v28;
	v18 =	vadd.f32 v18, v23;
	v17 =	vmul.f32 v20, v17  }
0x1e0: {  	v20 =	vld [tilespmem:s20+$0xE0];
	v21 =	vadd.f32 v21, v26  }
0x1e1: {  	v23 =	vld [tilespmem:s0+$0xA0];
	[tilespmem:s16+$0xFFFFFFDE] =	vst v16;
	v16 =	vadd.f32 v18, v19;
	v17 =	vadd.f32 v17, v22  }
0x1e2: {  	v18 =	vld [tilespmem:s0+$0xE0]  }
0x1e3: {  	v19 =	vld [tilespmem:s20+$0x80];
	[tilespmem:s16+$0xFFFFFFEF] =	vst v16;
	v16 =	vadd.f32 v17, v21  }
0x1e4: {  	v17 =	vld [tilespmem:s20+$0xC0]  }
0x1e5: {  	v21 =	vld [tilespmem:s0+$0x80];
	[tilespmem:s16+$0x0] =	vst v16  }
0x1e6: {  	v16 =	vld [tilespmem:s0+$0xC0]  }
0x1e7: {  	v22 =	vld [tilespmem:s20+$0x90]  }
0x1e8: {  	v26 =	vld [tilespmem:s20+$0xD0]  }
0x1e9: {  	v27 =	vld [tilespmem:s0+$0x90]  }
0x1ea: {  	v31 =	vmul.f32 v30, v34;
	v32 =	vmul.f32 v25, v29;
	v28 =	vld [tilespmem:s0+$0xD0]  }
0x1eb: {  	s19 =	sadd.s32 $0x4, s19;
	s15 =	sadd.s32 $0x200, s15;
	v25 =	vmul.f32 v25, v34;
	v29 =	vmul.f32 v30, v29;
	v33 =	vld [tilespmem:s20+$0xFFFFFF40]  }
0x1ec: {  	p0 =	slt.u32 s19, $0x7C;
	v34 =	vmul.f32 v23, v24;
	v35 =	vmul.f32 v18, v20;
	v30 =	vld [tilespmem:s15+$0x80]  }
0x1ed: {  	v37 =	vmul.f32 v21, v19;
	v38 =	vmul.f32 v16, v17;
	v36 =	vld [tilespmem:s15+$0xC0]  }
0x1ee: {  	v16 =	vmul.f32 v16, v19;
	v17 =	vmul.f32 v21, v17;
	v19 =	vld [tilespmem:s15+$0x90]  }
0x1ef: {  	v39 =	vmul.f32 v27, v22;
	v21 =	vld [tilespmem:s15+$0xD0];
	v40 =	vmul.f32 v28, v26  }
0x1f0: {  	v22 =	vmul.f32 v28, v22;
	v26 =	vmul.f32 v27, v26;
	v27 =	vld [tilespmem:s15+$0xA0]  }
0x1f1: {  	v18 =	vmul.f32 v18, v24;
	v16 =	vsub.f32 v16, v17;
	v28 =	vadd.f32 v38, v37;
	v17 =	vld [tilespmem:s15+$0xE0]  }
0x1f2: {  	v20 =	vmul.f32 v23, v20;
	v24 =	vadd.f32 v40, v39;
	v22 =	vsub.f32 v22, v26;
	v23 =	vld [tilespmem:s15+$0xB0]  }
0x1f3: {  	v26 =	vmul.f32 v28, v30;
	v28 =	vadd.f32 v35, v34;
	v16 =	vmul.f32 v16, v36;
	v30 =	vld [tilespmem:s15+$0xF0]  }
0x1f4: {  	v18 =	vsub.f32 v18, v20;
	v19 =	vmul.f32 v24, v19;
	v34 =	vld [tilespmem:s0+$0xFFFFFF00];
	v21 =	vmul.f32 v22, v21  }
0x1f5: {  	v25 =	vsub.f32 v25, v29;
	v24 =	vadd.f32 v32, v31;
	v20 =	vld [tilespmem:s0+$0xFFFFFF40];
	v22 =	vmul.f32 v28, v27  }
0x1f6: {  	v19 =	vadd.f32 v19, v26;
	v27 =	vld [tilespmem:s20+$0xFFFFFF10];
	v16 =	vadd.f32 v21, v16;
	v17 =	vmul.f32 v18, v17  }
0x1f7: {  	v18 =	vld [tilespmem:s20+$0xFFFFFF50];
	v21 =	vmul.f32 v24, v23  }
0x1f8: {  	v19 =	vadd.f32 v22, v19;
	v23 =	vld [tilespmem:s0+$0xFFFFFF10];
	v16 =	vadd.f32 v17, v16;
	v17 =	vmul.f32 v25, v30  }
0x1f9: {  	v22 =	vmul.f32 v34, v33;
	v24 =	vld [tilespmem:s0+$0xFFFFFF50]  }
0x1fa: {  	v19 =	vadd.f32 v21, v19;
	v25 =	vmul.f32 v20, v33;
	v26 =	vld [tilespmem:s20+$0xFFFFFF80];
	v16 =	vadd.f32 v17, v16  }
0x1fb: {  	v17 =	vld [tilespmem:s20+$0xFFFFFFC0]  }
0x1fc: {  	v21 =	vld [tilespmem:s0+$0xFFFFFF80];
	v16 =	vadd.f32 v16, v19  }
0x1fd: {  	s16 =	sadd.s32 $0x44, s16;
	v19 =	vmul.f32 v23, v27;
	v23 =	vmul.f32 v23, v18;
	v28 =	vld [tilespmem:s0+$0xFFFFFFC0]  }
0x1fe: {  	s21 =	simm.s32 $0x10;
	v18 =	vmul.f32 v24, v18;
	v24 =	vmul.f32 v24, v27;
	v27 =	vld [tilespmem:s20+$0xFFFFFF90];
	[tilespmem:s16+$0x11] =	vst v16  }
0x1ff: {  	v16 =	vld [tilespmem:s20+$0xFFFFFFD0]  }
0x200: {  	v18 =	vadd.f32 v18, v19;
	v19 =	vsub.f32 v24, v23;
	v23 =	vld [tilespmem:s0+$0xFFFFFF90]  }
0x201: {  	v24 =	vmul.f32 v21, v26;
	v21 =	vmul.f32 v21, v17;
	v29 =	vld [tilespmem:s0+$0xFFFFFFD0]  }
0x202: {  	v17 =	vmul.f32 v28, v17;
	v26 =	vmul.f32 v28, v26;
	v28 =	vld [tilespmem:s20+$0x0]  }
0x203: {  	v30 =	vld [tilespmem:s20+$0x40]  }
0x204: {  	v17 =	vadd.f32 v17, v24;
	v21 =	vsub.f32 v26, v21;
	v24 =	vld [tilespmem:s0+$0x0]  }
0x205: {  	v26 =	vmul.f32 v23, v27;
	v23 =	vmul.f32 v23, v16;
	v31 =	vld [tilespmem:s0+$0x40]  }
0x206: {  	v16 =	vmul.f32 v29, v16;
	v27 =	vmul.f32 v29, v27;
	v29 =	vld [tilespmem:s20+$0x10]  }
0x207: {  	v32 =	vld [tilespmem:s20+$0x50]  }
0x208: {  	v26 =	vadd.f32 v16, v26;
	v23 =	vsub.f32 v27, v23;
	v16 =	vld [tilespmem:s0+$0x10]  }
0x209: {  	v27 =	vmul.f32 v24, v28;
	v24 =	vmul.f32 v24, v30;
	v33 =	vld [tilespmem:s0+$0x50]  }
0x20a: {  	v35 =	vld [tilespmem:s20+$0xFFFFFF00];
	v30 =	vmul.f32 v31, v30;
	v28 =	vmul.f32 v31, v28  }
0x20b: {  	v31 =	vld [tilespmem:s20+$0xFFFFFF20]  }
0x20c: {  	v36 =	vld [tilespmem:s20+$0xFFFFFF60];
	v27 =	vadd.f32 v30, v27;
	v24 =	vsub.f32 v28, v24  }
0x20d: {  	v28 =	vld [tilespmem:s0+$0xFFFFFF20];
	v30 =	vmul.f32 v16, v29;
	v16 =	vmul.f32 v16, v32  }
0x20e: {  	v37 =	vld [tilespmem:s0+$0xFFFFFF60];
	v32 =	vmul.f32 v33, v32;
	v29 =	vmul.f32 v33, v29  }
0x20f: {  	v33 =	vmul.f32 v34, v35;
	v20 =	vmul.f32 v20, v35;
	v34 =	vld [tilespmem:s20+$0xFFFFFFA0]  }
0x210: {  	v35 =	vld [tilespmem:s20+$0xFFFFFFE0];
	v30 =	vadd.f32 v32, v30;
	v29 =	vsub.f32 v29, v16  }
0x211: {  	v16 =	vadd.f32 v25, v33;
	v20 =	vsub.f32 v20, v22;
	v22 =	vld [tilespmem:s0+$0xFFFFFFA0]  }
0x212: {  	v25 =	vmul.f32 v28, v31;
	v28 =	vmul.f32 v28, v36;
	v32 =	vld [tilespmem:s0+$0xFFFFFFE0]  }
0x213: {  	v33 =	vmul.f32 v37, v36;
	v31 =	vmul.f32 v37, v31;
	v36 =	vld [tilespmem:s20+$0x20]  }
0x214: {  	v37 =	vld [tilespmem:s20+$0x60]  }
0x215: {  	v25 =	vadd.f32 v33, v25;
	v28 =	vsub.f32 v31, v28;
	v31 =	vld [tilespmem:s0+$0x20]  }
0x216: {  	v33 =	vmul.f32 v22, v34;
	v22 =	vmul.f32 v22, v35;
	v38 =	vld [tilespmem:s0+$0x60]  }
0x217: {  	v39 =	vld [tilespmem:s15+$0xFFFFFF00];
	v35 =	vmul.f32 v32, v35;
	v32 =	vmul.f32 v32, v34  }
0x218: {  	v34 =	vld [tilespmem:s15+$0xFFFFFF40]  }
0x219: {  	v40 =	vld [tilespmem:s15+$0xFFFFFF10];
	v33 =	vadd.f32 v35, v33;
	v32 =	vsub.f32 v32, v22  }
0x21a: {  	v22 =	vld [tilespmem:s15+$0xFFFFFF50];
	v35 =	vmul.f32 v31, v36;
	v31 =	vmul.f32 v31, v37  }
0x21b: {  	v41 =	vld [tilespmem:s20+$0xFFFFFF30];
	v37 =	vmul.f32 v38, v37;
	v36 =	vmul.f32 v38, v36  }
0x21c: {  	v16 =	vmul.f32 v16, v39;
	v38 =	vld [tilespmem:s20+$0xFFFFFF70]  }
0x21d: {  	v20 =	vmul.f32 v20, v34;
	v34 =	vld [tilespmem:s0+$0xFFFFFF30];
	v35 =	vadd.f32 v37, v35;
	v31 =	vsub.f32 v36, v31  }
0x21e: {  	v18 =	vmul.f32 v18, v40;
	v36 =	vld [tilespmem:s0+$0xFFFFFF70]  }
0x21f: {  	v19 =	vmul.f32 v19, v22;
	v22 =	vld [tilespmem:s15+$0xFFFFFF80]  }
0x220: {  	v37 =	vadd.f32 v18, v16;
	v18 =	vld [tilespmem:s15+$0xFFFFFFC0]  }
0x221: {  	v39 =	vadd.f32 v19, v20;
	v19 =	vld [tilespmem:s15+$0xFFFFFF90]  }
0x222: {  	v16 =	vmul.f32 v34, v41;
	v20 =	vmul.f32 v34, v38;
	v34 =	vld [tilespmem:s15+$0xFFFFFFD0]  }
0x223: {  	v38 =	vmul.f32 v36, v38;
	v36 =	vmul.f32 v36, v41;
	v40 =	vld [tilespmem:s20+$0xFFFFFFB0]  }
0x224: {  	v17 =	vmul.f32 v17, v22;
	v22 =	vld [tilespmem:s20+$0xFFFFFFF0]  }
0x225: {  	v38 =	vadd.f32 v38, v16;
	v16 =	vsub.f32 v36, v20;
	v18 =	vmul.f32 v21, v18;
	v20 =	vld [tilespmem:s0+$0xFFFFFFB0]  }
0x226: {  	v19 =	vmul.f32 v26, v19;
	v21 =	vld [tilespmem:s0+$0xFFFFFFF0]  }
0x227: {  	v23 =	vmul.f32 v23, v34;
	v26 =	vld [tilespmem:s15+$0x0]  }
0x228: {  	v17 =	vadd.f32 v19, v17;
	v34 =	vld [tilespmem:s15+$0x40]  }
0x229: {  	v23 =	vadd.f32 v23, v18;
	v36 =	vld [tilespmem:s15+$0x10]  }
0x22a: {  	v18 =	vmul.f32 v20, v40;
	v20 =	vmul.f32 v20, v22;
	v41 =	vld [tilespmem:s15+$0x50]  }
0x22b: {  	v19 =	vmul.f32 v21, v22;
	v21 =	vmul.f32 v21, v40;
	v40 =	vld [tilespmem:s20+$0x30]  }
0x22c: {  	v22 =	vmul.f32 v27, v26;
	v26 =	vld [tilespmem:s20+$0x70]  }
0x22d: {  	v19 =	vadd.f32 v19, v18;
	v18 =	vsub.f32 v21, v20;
	v20 =	vmul.f32 v24, v34;
	v21 =	vld [tilespmem:s0+$0x30]  }
0x22e: {  	v24 =	vmul.f32 v30, v36;
	v27 =	vld [tilespmem:s0+$0x70]  }
0x22f: {  	v30 =	vld [tilespmem:s15+$0xFFFFFF20];
	v29 =	vmul.f32 v29, v41  }
0x230: {  	v34 =	vld [tilespmem:s15+$0xFFFFFF60];
	v36 =	vadd.f32 v24, v22  }
0x231: {  	v24 =	vld [tilespmem:s15+$0xFFFFFFA0];
	v22 =	vadd.f32 v29, v20  }
0x232: {  	v41 =	vld [tilespmem:s15+$0xFFFFFFE0];
	v20 =	vmul.f32 v21, v40;
	v29 =	vmul.f32 v21, v26  }
0x233: {  	v42 =	vld [tilespmem:s15+$0x20];
	v21 =	vmul.f32 v27, v26;
	v26 =	vmul.f32 v27, v40  }
0x234: {  	v25 =	vmul.f32 v25, v30;
	v40 =	vld [tilespmem:s15+$0x60]  }
0x235: {  	v27 =	vmul.f32 v28, v34;
	v34 =	vld [tilespmem:s15+$0xFFFFFF30];
	v21 =	vadd.f32 v21, v20;
	v20 =	vsub.f32 v26, v29  }
.Ltmp2:
0x236: {  	v28 =	vadd.f32 v25, v37;
	v29 =	vld [tilespmem:s15+$0xFFFFFF70];
	v24 =	vmul.f32 v33, v24;
	(pc) =	sbr.rel @p0 .LBB2_6-.Ltmp2, $4  }
0x237: {  	v25 =	vadd.f32 v27, v39;
	v26 =	vmul.f32 v32, v41;
	v30 =	vld [tilespmem:s15+$0xFFFFFFB0]  }
0x238: {  	v24 =	vadd.f32 v24, v17;
	v27 =	vld [tilespmem:s15+$0xFFFFFFF0];
	v17 =	vmul.f32 v35, v42  }
0x239: {  	v23 =	vadd.f32 v26, v23;
	v32 =	vmul.f32 v31, v40;
	v31 =	vld [tilespmem:s15+$0x30]  }
0x23a: {  	s20 =	sadd.s32 $0x200, s20;
	v33 =	vmul.f32 v38, v34;
	v26 =	vadd.f32 v17, v36;
	v17 =	vld [tilespmem:s15+$0x70]  }
0x23b: {  	v16 =	vmul.f32 v16, v29;
	v22 =	vadd.f32 v32, v22  }
0x23c: {  	s0 =	simm.s32 $0x0;
	v29 =	vmov s21;
	v28 =	vadd.f32 v33, v28;
	v19 =	vmul.f32 v19, v30  }
0x23d: {  	v29 =	vmul.u32 $0x11, v29;
	v16 =	vadd.f32 v16, v25;
	v25 =	vmov s0  }
0x23e: {  	v18 =	vmul.f32 v18, v27;
	v21 =	vmul.f32 v21, v31;
	v25 =	vmul.u32 $0x11, v25  }
0x23f: {  	v19 =	vadd.f32 v19, v24;
	v20 =	vmul.f32 v20, v17;
	v17 =	vbroadcast v29, $0x0  }
0x240: {  	v16 =	vadd.f32 v16, v28;
	v18 =	vadd.f32 v18, v23;
	v24 =	vbroadcast v25, $0x0  }
0x241: {  	v21 =	vadd.f32 v21, v26;
	v20 =	vadd.f32 v20, v22;
	v22 =	vadd.s32 v2, v17  }
0x242: {  	v18 =	vadd.f32 v18, v19;
	v27 =	vadd.s32 v5, v17  }
0x243: {  	[tilespmem:s16+$0xFFFFFFDE] =	vst v16;
	v19 =	vadd.s32 v8, v24;
	v16 =	vadd.f32 v20, v21  }
0x244: {  	v26 =	vadd.s32 v15, v24;
	[tilespmem:s16+$0xFFFFFFEF] =	vst v18  }
0x245: {  	v31 =	vadd.s32 v12, v24;
	[tilespmem:s16+$0x0] =	vst v16  }
0x246: {  	v21 =	vadd.s32 v15, v17;
	v16 =	vld.idx.msk [tilespmem:v22+s26+$0x0], $0xffff  }
0x247: {  	v23 =	vadd.s32 v5, v24;
	v27 =	vld.idx.msk [tilespmem:v27+s26+$0x0], $0xffff  }
0x248: {  	v25 =	vadd.s32 v2, v24;
	v20 =	vld.idx.msk [tilespmem:v19+s26+$0x0], $0xffff  }
0x249: {  	v61 =	vadd.s32 v6, v24;
	v22 =	vld.idx.msk [tilespmem:v26+s26+$0x0], $0xffff  }
0x24a: {  	v19 =	vadd.s32 v13, v24;
	v36 =	vld.idx.msk [tilespmem:v31+s26+$0x0], $0xffff  }
0x24b: {  	v28 =	vadd.s32 v7, v17;
	v18 =	vld.idx.msk [tilespmem:v21+s26+$0x0], $0xffff  }
0x24c: {  	v29 =	vadd.s32 v0, v24;
	v21 =	vld.idx.msk [tilespmem:v23+s26+$0x0], $0xffff  }
0x24d: {  	v23 =	vld.idx.msk [tilespmem:v25+s26+$0x0], $0xffff;
	v25 =	vadd.s32 v4, v17  }
0x24e: {  	v62 =	vadd.s32 v7, v24;
	v32 =	vld.idx.msk [tilespmem:v61+s26+$0x0], $0xffff  }
0x24f: {  	v26 =	vadd.s32 v11, v24;
	v30 =	vld.idx.msk [tilespmem:v19+s26+$0x0], $0xffff  }
0x250: {  	v34 =	vadd.s32 v10, v24;
	v19 =	vld.idx.msk [tilespmem:v28+s26+$0x0], $0xffff  }
0x251: {  	v35 =	vadd.s32 v4, v24;
	v28 =	vld.idx.msk [tilespmem:v29+s26+$0x0], $0xffff  }
0x252: {  	v29 =	vld.idx.msk [tilespmem:v25+s26+$0x0], $0xffff;
	v25 =	vadd.s32 v1, v24  }
0x253: {  	v38 =	vadd.s32 v3, v24;
	v33 =	vld.idx.msk [tilespmem:v62+s26+$0x0], $0xffff  }
0x254: {  	v41 =	vld.idx.msk [tilespmem:v26+s26+$0x0], $0xffff;
	v26 =	vadd.s32 v9, v24  }
0x255: {  	v63 =	vadd.s32 v14, v24;
	v43 =	vld.idx.msk [tilespmem:v34+s26+$0x0], $0xffff  }
0x256: {  	v44 =	vadd.s32 v3, v17;
	v35 =	vld.idx.msk [tilespmem:v35+s26+$0x0], $0xffff  }
0x257: {  	v31 =	vld.idx.msk [tilespmem:v25+s26+$0x0], $0xffff;
	v25 =	vadd.s32 v1, v17  }
0x258: {  	v42 =	vadd.s32 v0, v17;
	v38 =	vld.idx.msk [tilespmem:v38+s26+$0x0], $0xffff  }
0x259: {  	v39 =	vadd.s32 v8, v17;
	v40 =	vadd.s32 v11, v17;
	v37 =	vld.idx.msk [tilespmem:v26+s26+$0x0], $0xffff  }
0x25a: {  	v34 =	vadd.f32 v32, v33;
	v33 =	vadd.s32 v14, v17;
	v24 =	vadd.f32 v30, v36;
	v36 =	vld.idx.msk [tilespmem:v63+s26+$0x0], $0xffff  }
0x25b: {  	s15 =	simm.s32 $0x0;
	s0 =	simm.s32 $0x290;
	s16 =	simm.s32 $0x30;
	v26 =	vadd.s32 v9, v17;
	v32 =	vadd.f32 v41, v43;
	v30 =	vld.idx.msk [tilespmem:v44+s26+$0x0], $0xffff;
	v41 =	vadd.s32 v10, v17  }
.LBB2_8:
0x25c: {  	s19 =	sadd.s32 $0xFFFFFFF0, s16;
	v43 =	vmov s16;
	s15 =	sadd.s32 $0x2, s15;
	v44 =	vld.idx.msk [tilespmem:v25+s26+$0x0], $0xffff;
	v45 =	vadd.s32 v6, v17;
	v46 =	vadd.s32 v13, v17;
	s1 =	sadd.s32 $0x20, s1  }
0x25d: {  	v47 =	vadd.s32 v12, v17;
	v25 =	vmov s19;
	v43 =	vmul.u32 $0x11, v43;
	p0 =	slt.u32 s15, $0x6;
	v42 =	vld.idx.msk [tilespmem:v42+s26+$0x0], $0xffff  }
0x25e: {  	v20 =	vadd.f32 v37, v20;
	v29 =	vadd.f32 v27, v29;
	v25 =	vmul.u32 $0x11, v25;
	v37 =	vld.idx.msk [tilespmem:v39+s26+$0x0], $0xffff  }
0x25f: {  	v21 =	vadd.f32 v21, v35;
	v23 =	vadd.f32 v38, v23;
	v17 =	vbroadcast v43, $0x0;
	v27 =	vld.idx.msk [tilespmem:v40+s26+$0x0], $0xffff  }
0x260: {  	v28 =	vadd.f32 v31, v28;
	v31 =	vadd.f32 v22, v36;
	v35 =	vbroadcast v25, $0x0;
	v22 =	vld.idx.msk [tilespmem:v41+s26+$0x0], $0xffff  }
0x261: {  	v34 =	vadd.f32 v34, v21;
	v25 =	vadd.s32 v1, v17;
	v36 =	vadd.s32 v2, v17;
	v38 =	vld.idx.msk [tilespmem:v26+s26+$0x0], $0xffff  }
0x262: {  	v26 =	vadd.s32 v15, v17;
	v39 =	vadd.s32 v0, v35;
	v21 =	vadd.s32 v8, v35;
	v40 =	vld.idx.msk [tilespmem:v47+s26+$0x0], $0xffff  }
0x263: {  	v32 =	vadd.f32 v32, v20;
	v41 =	vadd.s32 v1, v35;
	v43 =	vadd.s32 v4, v35;
	v46 =	vld.idx.msk [tilespmem:v46+s26+$0x0], $0xffff  }
0x264: {  	v28 =	vadd.f32 v23, v28;
	v47 =	vadd.s32 v2, v35;
	v48 =	vadd.s32 v5, v35;
	v45 =	vld.idx.msk [tilespmem:v45+s26+$0x0], $0xffff  }
0x265: {  	v30 =	vadd.f32 v30, v16;
	v49 =	vadd.s32 v3, v35;
	v50 =	vadd.s32 v10, v35;
	v33 =	vld.idx.msk [tilespmem:v33+s26+$0x0], $0xffff  }
0x266: {  	v51 =	vadd.s32 v7, v35;
	v52 =	vadd.s32 v9, v35;
	v53 =	vadd.s32 v15, v35;
	v16 =	vld.idx.msk [tilespmem:v36+s26+$0x0], $0xffff  }
0x267: {  	v54 =	vadd.s32 v11, v35;
	v55 =	vadd.s32 v13, v35;
	v36 =	vadd.s32 v6, v35;
	v20 =	vld.idx.msk [tilespmem:v21+s26+$0x0], $0xffff  }
0x268: {  	v56 =	vadd.s32 v4, v17;
	v57 =	vadd.s32 v5, v17;
	v42 =	vadd.f32 v44, v42;
	v58 =	vld.idx.msk [tilespmem:v26+s26+$0x0], $0xffff  }
0x269: {  	v44 =	vadd.s32 v12, v35;
	v59 =	vadd.f32 v27, v22;
	v21 =	vld.idx.msk [tilespmem:v48+s26+$0x0], $0xffff;
	v48 =	vadd.s32 v7, v17  }
0x26a: {  	v30 =	vadd.f32 v30, v42;
	v26 =	vadd.s32 v9, v17;
	v45 =	vadd.f32 v45, v19;
	v23 =	vld.idx.msk [tilespmem:v47+s26+$0x0], $0xffff  }
0x26b: {  	v19 =	vadd.f32 v31, v24;
	v42 =	vadd.f32 v18, v33;
	v22 =	vld.idx.msk [tilespmem:v53+s26+$0x0], $0xffff  }
0x26c: {  	v31 =	vadd.f32 v34, v28;
	v28 =	vadd.f32 v46, v40;
	v24 =	vld.idx.msk [tilespmem:v55+s26+$0x0], $0xffff  }
0x26d: {  	v33 =	vadd.f32 v38, v37;
	v32 =	vadd.f32 v19, v32;
	v27 =	vld.idx.msk [tilespmem:v57+s26+$0x0], $0xffff  }
0x26e: {  	v34 =	vadd.f32 v45, v29;
	v37 =	vadd.f32 v42, v28;
	v18 =	vmov v58;
	v19 =	vld.idx.msk [tilespmem:v48+s26+$0x0], $0xffff  }
0x26f: {  	v31 =	vadd.f32 v32, v31;
	v32 =	vadd.f32 v59, v33;
	v28 =	vld.idx.msk [tilespmem:v39+s26+$0x0], $0xffff  }
0x270: {  	v30 =	vadd.f32 v34, v30;
	v29 =	vld.idx.msk [tilespmem:v56+s26+$0x0], $0xffff  }
0x271: {  	v33 =	vld.idx.msk [tilespmem:v54+s26+$0x0], $0xffff;
	[tilespmem:s0+$0xFFFFFFF0] =	vst v31;
	v31 =	vadd.f32 v37, v32  }
0x272: {  	v32 =	vld.idx.msk [tilespmem:v44+s26+$0x0], $0xffff  }
0x273: {  	v34 =	vld.idx.msk [tilespmem:v36+s26+$0x0], $0xffff;
	v30 =	vadd.f32 v31, v30  }
0x274: {  	v40 =	vld.idx.msk [tilespmem:v51+s26+$0x0], $0xffff  }
0x275: {  	v36 =	vadd.s32 v14, v35;
	v44 =	vld.idx.msk [tilespmem:v50+s26+$0x0], $0xffff;
	[tilespmem:s0+$0x0] =	vst v30;
	s0 =	smov.u32 s1  }
0x276: {  	v30 =	vadd.s32 v3, v17;
	v31 =	vld.idx.msk [tilespmem:v41+s26+$0x0], $0xffff  }
.Ltmp3:
0x277: {  	v37 =	vld.idx.msk [tilespmem:v52+s26+$0x0], $0xffff;
	(pc) =	sbr.rel @p0 .LBB2_8-.Ltmp3, $4  }
0x278: {  	v42 =	vadd.s32 v0, v17;
	v24 =	vadd.f32 v24, v32;
	v35 =	vld.idx.msk [tilespmem:v43+s26+$0x0], $0xffff  }
0x279: {  	v39 =	vadd.s32 v8, v17;
	v38 =	vld.idx.msk [tilespmem:v49+s26+$0x0], $0xffff  }
0x27a: {  	v34 =	vadd.f32 v34, v40;
	v40 =	vadd.s32 v11, v17;
	v36 =	vld.idx.msk [tilespmem:v36+s26+$0x0], $0xffff  }
0x27b: {  	s16 =	sadd.s32 $0x20, s16;
	v41 =	vadd.s32 v10, v17;
	v32 =	vadd.f32 v33, v44;
	v33 =	vadd.s32 v14, v17;
	v30 =	vld.idx.msk [tilespmem:v30+s26+$0x0], $0xffff  }
0x27c: {  	_ =	sdelay $0x3  }
0x27d: {  	v25 =	vld.idx.msk [tilespmem:v25+s26+$0x0], $0xffff  }
0x27e: {  	v42 =	vld.idx.msk [tilespmem:v42+s26+$0x0], $0xffff  }
0x27f: {  	v43 =	vadd.s32 v12, v17;
	v39 =	vld.idx.msk [tilespmem:v39+s26+$0x0], $0xffff  }
0x280: {  	v44 =	vadd.s32 v6, v17;
	v40 =	vld.idx.msk [tilespmem:v40+s26+$0x0], $0xffff  }
0x281: {  	v17 =	vadd.s32 v13, v17;
	v41 =	vld.idx.msk [tilespmem:v41+s26+$0x0], $0xffff  }
0x282: {  	v26 =	vld.idx.msk [tilespmem:v26+s26+$0x0], $0xffff  }
0x283: {  	v28 =	vadd.f32 v31, v28;
	v31 =	vld.idx.msk [tilespmem:v33+s26+$0x0], $0xffff  }
0x284: {  	v20 =	vadd.f32 v37, v20;
	v27 =	vadd.f32 v27, v29;
	v43 =	vld.idx.msk [tilespmem:v43+s26+$0x0], $0xffff  }
0x285: {  	v21 =	vadd.f32 v21, v35;
	v23 =	vadd.f32 v38, v23;
	v29 =	vld.idx.msk [tilespmem:v44+s26+$0x0], $0xffff  }
0x286: {  	v20 =	vadd.f32 v32, v20;
	v22 =	vadd.f32 v22, v36;
	v17 =	vld.idx.msk [tilespmem:v17+s26+$0x0], $0xffff  }
0x287: {  	v21 =	vadd.f32 v34, v21;
	v23 =	vadd.f32 v23, v28  }
0x288: {  	v16 =	vadd.f32 v30, v16;
	v25 =	vadd.f32 v25, v42  }
0x289: {  	v28 =	vadd.f32 v40, v41;
	v18 =	vadd.f32 v18, v31  }
0x28a: {  	v16 =	vadd.f32 v16, v25;
	v19 =	vadd.f32 v29, v19  }
0x28b: {  	v25 =	vadd.f32 v26, v39;
	v17 =	vadd.f32 v17, v43  }
0x28c: {  	v22 =	vadd.f32 v22, v24;
	v19 =	vadd.f32 v19, v27  }
0x28d: {  	v17 =	vadd.f32 v18, v17;
	v18 =	vadd.f32 v28, v25  }
0x28e: {  	v21 =	vadd.f32 v21, v23;
	v20 =	vadd.f32 v22, v20  }
0x28f: {  	v16 =	vadd.f32 v19, v16;
	v17 =	vadd.f32 v17, v18  }
0x290: {  	v18 =	vadd.f32 v20, v21  }
0x291: {  	v16 =	vadd.f32 v17, v16  }
0x292: {  	[tilespmem:s0+$0xFFFFFFF0] =	vst v18  }
0x293: {  	s19 =	simm.s32 $0xCC80;
	[tilespmem:s0+$0x0] =	vst v16  }
0x294: {  	[tilespmem:s19], [sflag:$0x4] =	stream.linear.gather [hbm4b:s11+s3], $0x4000, $0x38;
	[tilespmem:$0x18C80] =	vst v63  }
0x295: {  	s20 =	simm.s32 $0x10C80  }
0x296: {  	[tilespmem:s20], [sflag:$0x5] =	stream.linear.gather [hbm4b:s12+s3], $0x4000, $0x38;
	[tilespmem:$0x18C80] =	vst v63  }
0x297: {  	s21 =	simm.s32 $0x180  }
0x298: {  	[tilespmem:s22], [sflag:$0x6] =	stream.indirect.gather [hbm4b:s2+s18], $0x80, s21, s18, $0xb8;
	[tilespmem:$0x18C80] =	vst v63  }
0x299: {  	_ =	swait.ge [sflag:s23], $0x4000  }
0x29a: {  	[sflag:s23] =	ssyncset.done $0x0  }
0x29b: {  	[sflag:s23] =	ssyncadd.s32 $0xFFFFC000  }
0x29c: {  	_ =	swait.ge [sflag:s24], $0x4000  }
0x29d: {  	[sflag:s24] =	ssyncset.done $0x0  }
0x29e: {  	[sflag:s24] =	ssyncadd.s32 $0xFFFFC000  }
0x29f: {  	_ =	swait.ge [sflag:s25], $0x4000  }
0x2a0: {  	[sflag:s25] =	ssyncset.done $0x0  }
0x2a1: {  	s1 =	simm.s32 $0xD80;
	[sflag:s25] =	ssyncadd.s32 $0xFFFFC000  }
0x2a2: {  	v16 =	vld [tilespmem:s1+$0xB0]  }
0x2a3: {  	s0 =	simm.s32 $0x4D80;
	v17 =	vld [tilespmem:s1+$0xF0]  }
0x2a4: {  	v18 =	vld [tilespmem:s0+$0xB0]  }
0x2a5: {  	v19 =	vld [tilespmem:s0+$0xF0]  }
0x2a6: {  	v20 =	vld [tilespmem:s1+$0xA0]  }
0x2a7: {  	v32 =	vld [tilespmem:s1+$0xE0]  }
0x2a8: {  	v22 =	vld [tilespmem:s0+$0xA0]  }
0x2a9: {  	v23 =	vld [tilespmem:s0+$0xE0]  }
0x2aa: {  	v24 =	vld [tilespmem:s1+$0x80]  }
0x2ab: {  	v25 =	vld [tilespmem:s1+$0xC0]  }
0x2ac: {  	v26 =	vld [tilespmem:s0+$0x80]  }
0x2ad: {  	v27 =	vld [tilespmem:s0+$0xC0]  }
0x2ae: {  	v28 =	vld [tilespmem:s1+$0x90]  }
0x2af: {  	v29 =	vld [tilespmem:s1+$0xD0]  }
0x2b0: {  	v30 =	vld [tilespmem:s0+$0x90]  }
0x2b1: {  	v31 =	vld [tilespmem:s0+$0xD0]  }
0x2b2: {  	s15 =	simm.s32 $0x8D80;
	v33 =	vld [tilespmem:s1+$0xFFFFFF40]  }
0x2b3: {  	v37 =	vld [tilespmem:s15+$0x80]  }
0x2b4: {  	v21 =	vld [tilespmem:s15+$0xB0]  }
0x2b5: {  	v38 =	vld [tilespmem:s15+$0xC0]  }
0x2b6: {  	v39 =	vld [tilespmem:s15+$0x90]  }
0x2b7: {  	v40 =	vld [tilespmem:s15+$0xD0]  }
0x2b8: {  	v41 =	vld [tilespmem:s15+$0xA0]  }
0x2b9: {  	v42 =	vld [tilespmem:s15+$0xE0];
	[tilespmem:$0x1FF80] =	vst v21  }
0x2ba: {  	v21 =	vld [tilespmem:s15+$0xF0];
	_ =	sdelay $0x4  }
0x2bb: {  	[tilespmem:$0x1FF90] =	vst v21  }
0x2bc: {  	v21 =	vld [tilespmem:s0+$0xFFFFFF00];
	_ =	sdelay $0x4  }
0x2bd: {  	[tilespmem:$0x1FFA0] =	vst v21  }
0x2be: {  	v21 =	vld [tilespmem:s0+$0xFFFFFF40];
	_ =	sdelay $0x4  }
0x2bf: {  	[tilespmem:$0x1FFB0] =	vst v21  }
0x2c0: {  	v43 =	vld [tilespmem:s1+$0xFFFFFF10]  }
0x2c1: {  	v44 =	vld [tilespmem:s1+$0xFFFFFF50]  }
0x2c2: {  	v45 =	vld [tilespmem:s0+$0xFFFFFF10]  }
0x2c3: {  	v46 =	vld [tilespmem:s0+$0xFFFFFF50]  }
0x2c4: {  	v47 =	vld [tilespmem:s1+$0xFFFFFF80]  }
0x2c5: {  	v48 =	vld [tilespmem:s1+$0xFFFFFFC0]  }
0x2c6: {  	v49 =	vld [tilespmem:s0+$0xFFFFFF80]  }
0x2c7: {  	v50 =	vld [tilespmem:s0+$0xFFFFFFC0]  }
0x2c8: {  	v51 =	vld [tilespmem:s1+$0xFFFFFF90]  }
0x2c9: {  	v52 =	vld [tilespmem:s1+$0xFFFFFFD0]  }
0x2ca: {  	v53 =	vld [tilespmem:s0+$0xFFFFFF90]  }
0x2cb: {  	v54 =	vld [tilespmem:s0+$0xFFFFFFD0]  }
0x2cc: {  	v55 =	vld [tilespmem:s1+$0x0]  }
0x2cd: {  	v56 =	vld [tilespmem:s1+$0x40]  }
0x2ce: {  	v57 =	vld [tilespmem:s0+$0x0]  }
0x2cf: {  	v58 =	vld [tilespmem:s0+$0x40]  }
0x2d0: {  	v59 =	vld [tilespmem:s1+$0x10]  }
0x2d1: {  	v60 =	vld [tilespmem:s1+$0x50]  }
0x2d2: {  	v61 =	vmul.f32 v18, v16;
	v62 =	vld [tilespmem:s0+$0x10]  }
0x2d3: {  	v63 =	vmul.f32 v19, v17;
	v21 =	vmul.f32 v19, v16;
	v34 =	vld [tilespmem:s0+$0x50]  }
0x2d4: {  	v19 =	vmul.f32 v18, v17;
	v18 =	vmul.f32 v26, v24;
	v35 =	vld [tilespmem:s1+$0xFFFFFF00]  }
0x2d5: {  	v16 =	vmul.f32 v27, v25;
	v24 =	vmul.f32 v27, v24;
	v36 =	vld [tilespmem:s1+$0xFFFFFF20]  }
0x2d6: {  	v25 =	vmul.f32 v26, v25;
	v26 =	vmul.f32 v30, v28;
	v27 =	vld [tilespmem:s1+$0xFFFFFF60]  }
0x2d7: {  	v17 =	vmul.f32 v31, v29;
	v28 =	vmul.f32 v31, v28;
	v31 =	vld [tilespmem:s0+$0xFFFFFF20]  }
0x2d8: {  	v29 =	vmul.f32 v30, v29;
	v30 =	vmul.f32 v22, v20;
	v16 =	vadd.f32 v16, v18;
	v18 =	vld [tilespmem:s0+$0xFFFFFF60]  }
0x2d9: {  	v20 =	vmul.f32 v23, v20;
	v24 =	vsub.f32 v24, v25;
	v25 =	vmul.f32 v23, v32;
	v23 =	vld [tilespmem:s1+$0xFFFFFFA0]  }
0x2da: {  	v22 =	vmul.f32 v22, v32;
	v17 =	vadd.f32 v17, v26;
	v26 =	vsub.f32 v28, v29;
	v28 =	vld [tilespmem:s1+$0xFFFFFFE0]  }
0x2db: {  	v29 =	vld [tilespmem:s0+$0xFFFFFFA0]  }
0x2dc: {  	v20 =	vsub.f32 v20, v22;
	v22 =	vld [tilespmem:s0+$0xFFFFFFE0];
	v16 =	vmul.f32 v16, v37;
	v24 =	vmul.f32 v24, v38  }
0x2dd: {  	v19 =	vsub.f32 v21, v19;
	v21 =	vld [tilespmem:s1+$0x20];
	v17 =	vmul.f32 v17, v39;
	v26 =	vmul.f32 v26, v40  }
0x2de: {  	v25 =	vadd.f32 v25, v30;
	v30 =	vadd.f32 v63, v61;
	v63 =	vld [tilespmem:$0x1FFA0]  }
0x2df: {  	v20 =	vmul.f32 v20, v42;
	v61 =	vld [tilespmem:$0x1FFB0];
	v16 =	vadd.f32 v17, v16;
	v17 =	vadd.f32 v26, v24  }
0x2e0: {  	v39 =	vld [tilespmem:s15+$0xFFFFFF10]  }
0x2e1: {  	v17 =	vadd.f32 v20, v17;
	v20 =	vld [tilespmem:$0x1FF90]  }
0x2e2: {  	v25 =	vmul.f32 v25, v41;
	v26 =	vld [tilespmem:$0x1FF80];
	v37 =	vmul.f32 v45, v44  }
0x2e3: {  	v24 =	vld [tilespmem:s1+$0x60];
	v40 =	vmul.f32 v49, v47;
	v38 =	vmul.f32 v49, v48  }
0x2e4: {  	v41 =	vld [tilespmem:s15+$0xFFFFFF50];
	v49 =	vmul.f32 v50, v48;
	v50 =	vmul.f32 v50, v47  }
0x2e5: {  	v42 =	vmul.f32 v53, v52;
	v47 =	vld [tilespmem:s0+$0xFFFFFF30];
	v48 =	vmul.f32 v57, v55;
	v16 =	vadd.f32 v25, v16  }
0x2e6: {  	v40 =	vadd.f32 v49, v40;
	v49 =	vld [tilespmem:s0+$0xFFFFFF70];
	v25 =	vmul.f32 v63, v33;
	v19 =	vmul.f32 v19, v20  }
0x2e7: {  	v32 =	vmul.f32 v61, v33;
	v33 =	vld [tilespmem:s15+$0xFFFFFF00];
	v26 =	vmul.f32 v30, v26  }
0x2e8: {  	v30 =	vld [tilespmem:s0+$0x20];
	v17 =	vadd.f32 v19, v17;
	v19 =	vmul.f32 v45, v43;
	v45 =	vmul.f32 v46, v44  }
0x2e9: {  	v20 =	vld [tilespmem:s0+$0x60];
	v16 =	vadd.f32 v26, v16;
	v44 =	vmul.f32 v53, v51;
	v53 =	vmul.f32 v54, v52  }
0x2ea: {  	v26 =	vld [tilespmem:s15+$0xFFFFFF40];
	v54 =	vmul.f32 v54, v51;
	v52 =	vmul.f32 v62, v59  }
0x2eb: {  	v51 =	vld [tilespmem:s15+$0xFFFFFF80];
	v17 =	vadd.f32 v17, v16;
	v16 =	vmul.f32 v46, v43;
	v46 =	vmul.f32 v57, v56  }
0x2ec: {  	v19 =	vadd.f32 v45, v19;
	v43 =	vld [tilespmem:s1+$0xFFFFFF30];
	v57 =	vmul.f32 v58, v56;
	v58 =	vmul.f32 v58, v55  }
0x2ed: {  	v45 =	vld [tilespmem:s1+$0xFFFFFF70];
	v16 =	vsub.f32 v16, v37;
	v37 =	vsub.f32 v50, v38;
	v50 =	vmul.f32 v62, v60  }
0x2ee: {  	v44 =	vadd.f32 v53, v44;
	v53 =	vld [tilespmem:s15+$0xFFFFFFC0];
	v62 =	vmul.f32 v34, v60;
	v34 =	vmul.f32 v34, v59  }
0x2ef: {  	v55 =	vld [tilespmem:s15+$0xFFFFFF90];
	v38 =	vsub.f32 v54, v42;
	v60 =	vmul.f32 v63, v35;
	v35 =	vmul.f32 v61, v35  }
0x2f0: {  	v56 =	vld [tilespmem:s15+$0xFFFFFFD0];
	v48 =	vadd.f32 v57, v48;
	v63 =	vmul.f32 v29, v23;
	v29 =	vmul.f32 v29, v28  }
0x2f1: {  	v42 =	vsub.f32 v58, v46;
	v57 =	vld [tilespmem:s1+$0xFFFFFFB0];
	v28 =	vmul.f32 v22, v28;
	v22 =	vmul.f32 v22, v23  }
0x2f2: {  	v46 =	vld [tilespmem:s0+$0xFFFFFFB0];
	v23 =	vmul.f32 v30, v21;
	v19 =	vmul.f32 v19, v39;
	v52 =	vadd.f32 v62, v52  }
0x2f3: {  	v58 =	vld [tilespmem:s0+$0xFFFFFFF0];
	v62 =	vmul.f32 v31, v36;
	v34 =	vsub.f32 v34, v50;
	v31 =	vmul.f32 v31, v27  }
0x2f4: {  	v59 =	vld [tilespmem:s15+$0x0];
	v27 =	vmul.f32 v18, v27;
	v32 =	vadd.f32 v32, v60;
	v18 =	vmul.f32 v18, v36  }
0x2f5: {  	v61 =	vmul.f32 v40, v51;
	v51 =	vld [tilespmem:s15+$0xFFFFFF60];
	v25 =	vsub.f32 v35, v25;
	v28 =	vadd.f32 v28, v63  }
0x2f6: {  	v50 =	vld [tilespmem:s1+$0xFFFFFFF0];
	v16 =	vmul.f32 v16, v41;
	v31 =	vsub.f32 v18, v31;
	v18 =	vmul.f32 v30, v24  }
0x2f7: {  	v60 =	vld [tilespmem:s15+$0x10];
	v27 =	vadd.f32 v27, v62;
	v24 =	vmul.f32 v20, v24;
	v20 =	vmul.f32 v20, v21  }
0x2f8: {  	v63 =	vld [tilespmem:s15+$0xFFFFFF20];
	v21 =	vmul.f32 v32, v33;
	v33 =	vsub.f32 v22, v29;
	v22 =	vmul.f32 v25, v26  }
0x2f9: {  	v30 =	vld [tilespmem:s15+$0x40];
	v35 =	vmul.f32 v58, v57;
	v23 =	vadd.f32 v24, v23;
	v26 =	vsub.f32 v20, v18  }
0x2fa: {  	v25 =	vld [tilespmem:s15+$0x50];
	v24 =	vadd.f32 v19, v21;
	v18 =	vmul.f32 v47, v43;
	v19 =	vmul.f32 v49, v45  }
0x2fb: {  	v62 =	vld [tilespmem:s0+$0x70];
	v36 =	vadd.f32 v16, v22;
	v16 =	vmul.f32 v47, v45;
	v22 =	vmul.f32 v49, v43  }
0x2fc: {  	v21 =	vld [tilespmem:s1+$0x70];
	v31 =	vmul.f32 v31, v51;
	v49 =	vmul.f32 v58, v50  }
0x2fd: {  	v29 =	vld [tilespmem:s0+$0x30];
	v32 =	vmul.f32 v52, v60;
	v40 =	vadd.f32 v19, v18;
	v18 =	vmul.f32 v44, v55  }
0x2fe: {  	v20 =	vld [tilespmem:s1+$0x30];
	v16 =	vsub.f32 v22, v16;
	v19 =	vmul.f32 v37, v53;
	v22 =	vmul.f32 v38, v56  }
0x2ff: {  	v27 =	vmul.f32 v27, v63;
	v55 =	vld [tilespmem:s15+$0xFFFFFFA0];
	v56 =	vmul.f32 v48, v59;
	v38 =	vadd.f32 v18, v61  }
0x300: {  	v58 =	vld [tilespmem:s15+$0x20];
	v18 =	vmul.f32 v46, v57;
	v53 =	vadd.f32 v22, v19;
	v22 =	vmul.f32 v46, v50  }
0x301: {  	v25 =	vmul.f32 v34, v25;
	v57 =	vld [tilespmem:s15+$0xFFFFFFE0];
	v60 =	vmul.f32 v62, v21  }
0x302: {  	v61 =	vld [tilespmem:s15+$0x60];
	v19 =	vadd.f32 v49, v18;
	v18 =	vsub.f32 v35, v22;
	v22 =	vmul.f32 v42, v30  }
0x303: {  	v30 =	vmul.f32 v29, v20;
	v20 =	vmul.f32 v62, v20;
	v62 =	vld [tilespmem:s15+$0xFFFFFF30]  }
0x304: {  	v63 =	vmul.f32 v28, v55;
	v22 =	vadd.f32 v25, v22;
	v25 =	vmul.f32 v29, v21;
	v29 =	vld [tilespmem:s15+$0xFFFFFF70]  }
0x305: {  	v59 =	vadd.f32 v32, v56;
	v34 =	vmul.f32 v23, v58;
	v21 =	vadd.f32 v60, v30;
	v30 =	vld [tilespmem:s15+$0xFFFFFFB0]  }
0x306: {  	v28 =	vadd.f32 v27, v24;
	v27 =	vld [tilespmem:s15+$0xFFFFFFF0];
	v33 =	vmul.f32 v33, v57;
	v24 =	vadd.f32 v63, v38  }
0x307: {  	s16 =	simm.s32 $0x422;
	v32 =	vmul.f32 v26, v61;
	v20 =	vsub.f32 v20, v25;
	v25 =	vadd.f32 v31, v36;
	v31 =	vld [tilespmem:s15+$0x30]  }
0x308: {  	s19 =	simm.s32 $0x0;
	s20 =	simm.s32 $0xF80;
	[tilespmem:s16+$0x11] =	vst v17;
	v17 =	vld [tilespmem:s15+$0x70];
	s1 =	simm.s32 $0x310;
	v26 =	vadd.f32 v34, v59;
	v23 =	vadd.f32 v33, v53;
	v33 =	vmul.f32 v40, v62  }
.LBB2_10:
0x309: {  	v34 =	vld [tilespmem:s20+$0xB0];
	v16 =	vmul.f32 v16, v29;
	v22 =	vadd.f32 v32, v22  }
0x30a: {  	s0 =	sadd.s32 $0x200, s0;
	v29 =	vld [tilespmem:s20+$0xF0];
	v28 =	vadd.f32 v33, v28;
	v19 =	vmul.f32 v19, v30  }
0x30b: {  	v30 =	vld [tilespmem:s0+$0xB0];
	v16 =	vadd.f32 v16, v25;
	v18 =	vmul.f32 v18, v27  }
0x30c: {  	v25 =	vld [tilespmem:s0+$0xF0];
	v19 =	vadd.f32 v19, v24;
	v21 =	vmul.f32 v21, v31  }
0x30d: {  	v24 =	vld [tilespmem:s20+$0xA0];
	v16 =	vadd.f32 v16, v28;
	v18 =	vadd.f32 v18, v23;
	v17 =	vmul.f32 v20, v17  }
0x30e: {  	v20 =	vld [tilespmem:s20+$0xE0];
	v21 =	vadd.f32 v21, v26  }
0x30f: {  	v23 =	vld [tilespmem:s0+$0xA0];
	[tilespmem:s16+$0xFFFFFFDE] =	vst v16;
	v16 =	vadd.f32 v18, v19;
	v17 =	vadd.f32 v17, v22  }
0x310: {  	v18 =	vld [tilespmem:s0+$0xE0]  }
0x311: {  	v19 =	vld [tilespmem:s20+$0x80];
	[tilespmem:s16+$0xFFFFFFEF] =	vst v16;
	v16 =	vadd.f32 v17, v21  }
0x312: {  	v17 =	vld [tilespmem:s20+$0xC0]  }
0x313: {  	v21 =	vld [tilespmem:s0+$0x80];
	[tilespmem:s16+$0x0] =	vst v16  }
0x314: {  	v16 =	vld [tilespmem:s0+$0xC0]  }
0x315: {  	v22 =	vld [tilespmem:s20+$0x90]  }
0x316: {  	v26 =	vld [tilespmem:s20+$0xD0]  }
0x317: {  	v27 =	vld [tilespmem:s0+$0x90]  }
0x318: {  	v31 =	vmul.f32 v30, v34;
	v32 =	vmul.f32 v25, v29;
	v28 =	vld [tilespmem:s0+$0xD0]  }
0x319: {  	s19 =	sadd.s32 $0x4, s19;
	s15 =	sadd.s32 $0x200, s15;
	v25 =	vmul.f32 v25, v34;
	v29 =	vmul.f32 v30, v29;
	v33 =	vld [tilespmem:s20+$0xFFFFFF40]  }
0x31a: {  	p0 =	slt.u32 s19, $0x7C;
	v34 =	vmul.f32 v23, v24;
	v35 =	vmul.f32 v18, v20;
	v30 =	vld [tilespmem:s15+$0x80]  }
0x31b: {  	v37 =	vmul.f32 v21, v19;
	v38 =	vmul.f32 v16, v17;
	v36 =	vld [tilespmem:s15+$0xC0]  }
0x31c: {  	v16 =	vmul.f32 v16, v19;
	v17 =	vmul.f32 v21, v17;
	v19 =	vld [tilespmem:s15+$0x90]  }
0x31d: {  	v39 =	vmul.f32 v27, v22;
	v21 =	vld [tilespmem:s15+$0xD0];
	v40 =	vmul.f32 v28, v26  }
0x31e: {  	v22 =	vmul.f32 v28, v22;
	v26 =	vmul.f32 v27, v26;
	v27 =	vld [tilespmem:s15+$0xA0]  }
0x31f: {  	v18 =	vmul.f32 v18, v24;
	v16 =	vsub.f32 v16, v17;
	v28 =	vadd.f32 v38, v37;
	v17 =	vld [tilespmem:s15+$0xE0]  }
0x320: {  	v20 =	vmul.f32 v23, v20;
	v24 =	vadd.f32 v40, v39;
	v22 =	vsub.f32 v22, v26;
	v23 =	vld [tilespmem:s15+$0xB0]  }
0x321: {  	v26 =	vmul.f32 v28, v30;
	v28 =	vadd.f32 v35, v34;
	v16 =	vmul.f32 v16, v36;
	v30 =	vld [tilespmem:s15+$0xF0]  }
0x322: {  	v18 =	vsub.f32 v18, v20;
	v19 =	vmul.f32 v24, v19;
	v34 =	vld [tilespmem:s0+$0xFFFFFF00];
	v21 =	vmul.f32 v22, v21  }
0x323: {  	v25 =	vsub.f32 v25, v29;
	v24 =	vadd.f32 v32, v31;
	v20 =	vld [tilespmem:s0+$0xFFFFFF40];
	v22 =	vmul.f32 v28, v27  }
0x324: {  	v19 =	vadd.f32 v19, v26;
	v27 =	vld [tilespmem:s20+$0xFFFFFF10];
	v16 =	vadd.f32 v21, v16;
	v17 =	vmul.f32 v18, v17  }
0x325: {  	v18 =	vld [tilespmem:s20+$0xFFFFFF50];
	v21 =	vmul.f32 v24, v23  }
0x326: {  	v19 =	vadd.f32 v22, v19;
	v23 =	vld [tilespmem:s0+$0xFFFFFF10];
	v16 =	vadd.f32 v17, v16;
	v17 =	vmul.f32 v25, v30  }
0x327: {  	v22 =	vmul.f32 v34, v33;
	v24 =	vld [tilespmem:s0+$0xFFFFFF50]  }
0x328: {  	v19 =	vadd.f32 v21, v19;
	v25 =	vmul.f32 v20, v33;
	v26 =	vld [tilespmem:s20+$0xFFFFFF80];
	v16 =	vadd.f32 v17, v16  }
0x329: {  	v17 =	vld [tilespmem:s20+$0xFFFFFFC0]  }
0x32a: {  	v21 =	vld [tilespmem:s0+$0xFFFFFF80];
	v16 =	vadd.f32 v16, v19  }
0x32b: {  	s16 =	sadd.s32 $0x44, s16;
	v19 =	vmul.f32 v23, v27;
	v23 =	vmul.f32 v23, v18;
	v28 =	vld [tilespmem:s0+$0xFFFFFFC0]  }
0x32c: {  	s21 =	simm.s32 $0x10;
	v18 =	vmul.f32 v24, v18;
	v24 =	vmul.f32 v24, v27;
	v27 =	vld [tilespmem:s20+$0xFFFFFF90];
	[tilespmem:s16+$0x11] =	vst v16  }
0x32d: {  	v16 =	vld [tilespmem:s20+$0xFFFFFFD0]  }
0x32e: {  	v18 =	vadd.f32 v18, v19;
	v19 =	vsub.f32 v24, v23;
	v23 =	vld [tilespmem:s0+$0xFFFFFF90]  }
0x32f: {  	v24 =	vmul.f32 v21, v26;
	v21 =	vmul.f32 v21, v17;
	v29 =	vld [tilespmem:s0+$0xFFFFFFD0]  }
0x330: {  	v17 =	vmul.f32 v28, v17;
	v26 =	vmul.f32 v28, v26;
	v28 =	vld [tilespmem:s20+$0x0]  }
0x331: {  	v30 =	vld [tilespmem:s20+$0x40]  }
0x332: {  	v17 =	vadd.f32 v17, v24;
	v21 =	vsub.f32 v26, v21;
	v24 =	vld [tilespmem:s0+$0x0]  }
0x333: {  	v26 =	vmul.f32 v23, v27;
	v23 =	vmul.f32 v23, v16;
	v31 =	vld [tilespmem:s0+$0x40]  }
0x334: {  	v16 =	vmul.f32 v29, v16;
	v27 =	vmul.f32 v29, v27;
	v29 =	vld [tilespmem:s20+$0x10]  }
0x335: {  	v32 =	vld [tilespmem:s20+$0x50]  }
0x336: {  	v26 =	vadd.f32 v16, v26;
	v23 =	vsub.f32 v27, v23;
	v16 =	vld [tilespmem:s0+$0x10]  }
0x337: {  	v27 =	vmul.f32 v24, v28;
	v24 =	vmul.f32 v24, v30;
	v33 =	vld [tilespmem:s0+$0x50]  }
0x338: {  	v35 =	vld [tilespmem:s20+$0xFFFFFF00];
	v30 =	vmul.f32 v31, v30;
	v28 =	vmul.f32 v31, v28  }
0x339: {  	v31 =	vld [tilespmem:s20+$0xFFFFFF20]  }
0x33a: {  	v36 =	vld [tilespmem:s20+$0xFFFFFF60];
	v27 =	vadd.f32 v30, v27;
	v24 =	vsub.f32 v28, v24  }
0x33b: {  	v28 =	vld [tilespmem:s0+$0xFFFFFF20];
	v30 =	vmul.f32 v16, v29;
	v16 =	vmul.f32 v16, v32  }
0x33c: {  	v37 =	vld [tilespmem:s0+$0xFFFFFF60];
	v32 =	vmul.f32 v33, v32;
	v29 =	vmul.f32 v33, v29  }
0x33d: {  	v33 =	vmul.f32 v34, v35;
	v20 =	vmul.f32 v20, v35;
	v34 =	vld [tilespmem:s20+$0xFFFFFFA0]  }
0x33e: {  	v35 =	vld [tilespmem:s20+$0xFFFFFFE0];
	v30 =	vadd.f32 v32, v30;
	v29 =	vsub.f32 v29, v16  }
0x33f: {  	v16 =	vadd.f32 v25, v33;
	v20 =	vsub.f32 v20, v22;
	v22 =	vld [tilespmem:s0+$0xFFFFFFA0]  }
0x340: {  	v25 =	vmul.f32 v28, v31;
	v28 =	vmul.f32 v28, v36;
	v32 =	vld [tilespmem:s0+$0xFFFFFFE0]  }
0x341: {  	v33 =	vmul.f32 v37, v36;
	v31 =	vmul.f32 v37, v31;
	v36 =	vld [tilespmem:s20+$0x20]  }
0x342: {  	v37 =	vld [tilespmem:s20+$0x60]  }
0x343: {  	v25 =	vadd.f32 v33, v25;
	v28 =	vsub.f32 v31, v28;
	v31 =	vld [tilespmem:s0+$0x20]  }
0x344: {  	v33 =	vmul.f32 v22, v34;
	v22 =	vmul.f32 v22, v35;
	v38 =	vld [tilespmem:s0+$0x60]  }
0x345: {  	v39 =	vld [tilespmem:s15+$0xFFFFFF00];
	v35 =	vmul.f32 v32, v35;
	v32 =	vmul.f32 v32, v34  }
0x346: {  	v34 =	vld [tilespmem:s15+$0xFFFFFF40]  }
0x347: {  	v40 =	vld [tilespmem:s15+$0xFFFFFF10];
	v33 =	vadd.f32 v35, v33;
	v32 =	vsub.f32 v32, v22  }
0x348: {  	v22 =	vld [tilespmem:s15+$0xFFFFFF50];
	v35 =	vmul.f32 v31, v36;
	v31 =	vmul.f32 v31, v37  }
0x349: {  	v41 =	vld [tilespmem:s20+$0xFFFFFF30];
	v37 =	vmul.f32 v38, v37;
	v36 =	vmul.f32 v38, v36  }
0x34a: {  	v16 =	vmul.f32 v16, v39;
	v38 =	vld [tilespmem:s20+$0xFFFFFF70]  }
0x34b: {  	v20 =	vmul.f32 v20, v34;
	v34 =	vld [tilespmem:s0+$0xFFFFFF30];
	v35 =	vadd.f32 v37, v35;
	v31 =	vsub.f32 v36, v31  }
0x34c: {  	v18 =	vmul.f32 v18, v40;
	v36 =	vld [tilespmem:s0+$0xFFFFFF70]  }
0x34d: {  	v19 =	vmul.f32 v19, v22;
	v22 =	vld [tilespmem:s15+$0xFFFFFF80]  }
0x34e: {  	v37 =	vadd.f32 v18, v16;
	v18 =	vld [tilespmem:s15+$0xFFFFFFC0]  }
0x34f: {  	v39 =	vadd.f32 v19, v20;
	v19 =	vld [tilespmem:s15+$0xFFFFFF90]  }
0x350: {  	v16 =	vmul.f32 v34, v41;
	v20 =	vmul.f32 v34, v38;
	v34 =	vld [tilespmem:s15+$0xFFFFFFD0]  }
0x351: {  	v38 =	vmul.f32 v36, v38;
	v36 =	vmul.f32 v36, v41;
	v40 =	vld [tilespmem:s20+$0xFFFFFFB0]  }
0x352: {  	v17 =	vmul.f32 v17, v22;
	v22 =	vld [tilespmem:s20+$0xFFFFFFF0]  }
0x353: {  	v38 =	vadd.f32 v38, v16;
	v16 =	vsub.f32 v36, v20;
	v18 =	vmul.f32 v21, v18;
	v20 =	vld [tilespmem:s0+$0xFFFFFFB0]  }
0x354: {  	v19 =	vmul.f32 v26, v19;
	v21 =	vld [tilespmem:s0+$0xFFFFFFF0]  }
0x355: {  	v23 =	vmul.f32 v23, v34;
	v26 =	vld [tilespmem:s15+$0x0]  }
0x356: {  	v17 =	vadd.f32 v19, v17;
	v34 =	vld [tilespmem:s15+$0x40]  }
0x357: {  	v23 =	vadd.f32 v23, v18;
	v36 =	vld [tilespmem:s15+$0x10]  }
0x358: {  	v18 =	vmul.f32 v20, v40;
	v20 =	vmul.f32 v20, v22;
	v41 =	vld [tilespmem:s15+$0x50]  }
0x359: {  	v19 =	vmul.f32 v21, v22;
	v21 =	vmul.f32 v21, v40;
	v40 =	vld [tilespmem:s20+$0x30]  }
0x35a: {  	v22 =	vmul.f32 v27, v26;
	v26 =	vld [tilespmem:s20+$0x70]  }
0x35b: {  	v19 =	vadd.f32 v19, v18;
	v18 =	vsub.f32 v21, v20;
	v20 =	vmul.f32 v24, v34;
	v21 =	vld [tilespmem:s0+$0x30]  }
0x35c: {  	v24 =	vmul.f32 v30, v36;
	v27 =	vld [tilespmem:s0+$0x70]  }
0x35d: {  	v30 =	vld [tilespmem:s15+$0xFFFFFF20];
	v29 =	vmul.f32 v29, v41  }
0x35e: {  	v34 =	vld [tilespmem:s15+$0xFFFFFF60];
	v36 =	vadd.f32 v24, v22  }
0x35f: {  	v24 =	vld [tilespmem:s15+$0xFFFFFFA0];
	v22 =	vadd.f32 v29, v20  }
0x360: {  	v41 =	vld [tilespmem:s15+$0xFFFFFFE0];
	v20 =	vmul.f32 v21, v40;
	v29 =	vmul.f32 v21, v26  }
0x361: {  	v42 =	vld [tilespmem:s15+$0x20];
	v21 =	vmul.f32 v27, v26;
	v26 =	vmul.f32 v27, v40  }
0x362: {  	v25 =	vmul.f32 v25, v30;
	v40 =	vld [tilespmem:s15+$0x60]  }
0x363: {  	v27 =	vmul.f32 v28, v34;
	v34 =	vld [tilespmem:s15+$0xFFFFFF30];
	v21 =	vadd.f32 v21, v20;
	v20 =	vsub.f32 v26, v29  }
.Ltmp4:
0x364: {  	v28 =	vadd.f32 v25, v37;
	v29 =	vld [tilespmem:s15+$0xFFFFFF70];
	v24 =	vmul.f32 v33, v24;
	(pc) =	sbr.rel @p0 .LBB2_10-.Ltmp4, $4  }
0x365: {  	v25 =	vadd.f32 v27, v39;
	v26 =	vmul.f32 v32, v41;
	v30 =	vld [tilespmem:s15+$0xFFFFFFB0]  }
0x366: {  	v24 =	vadd.f32 v24, v17;
	v27 =	vld [tilespmem:s15+$0xFFFFFFF0];
	v17 =	vmul.f32 v35, v42  }
0x367: {  	v23 =	vadd.f32 v26, v23;
	v32 =	vmul.f32 v31, v40;
	v31 =	vld [tilespmem:s15+$0x30]  }
0x368: {  	s20 =	sadd.s32 $0x200, s20;
	v33 =	vmul.f32 v38, v34;
	v26 =	vadd.f32 v17, v36;
	v17 =	vld [tilespmem:s15+$0x70]  }
0x369: {  	v16 =	vmul.f32 v16, v29;
	v22 =	vadd.f32 v32, v22  }
0x36a: {  	s0 =	simm.s32 $0x0;
	v29 =	vmov s21;
	v28 =	vadd.f32 v33, v28;
	v19 =	vmul.f32 v19, v30  }
0x36b: {  	v29 =	vmul.u32 $0x11, v29;
	v16 =	vadd.f32 v16, v25;
	v25 =	vmov s0  }
0x36c: {  	v18 =	vmul.f32 v18, v27;
	v21 =	vmul.f32 v21, v31;
	v25 =	vmul.u32 $0x11, v25  }
0x36d: {  	v19 =	vadd.f32 v19, v24;
	v20 =	vmul.f32 v20, v17;
	v17 =	vbroadcast v29, $0x0  }
0x36e: {  	v16 =	vadd.f32 v16, v28;
	v18 =	vadd.f32 v18, v23;
	v24 =	vbroadcast v25, $0x0  }
0x36f: {  	v21 =	vadd.f32 v21, v26;
	v20 =	vadd.f32 v20, v22;
	v22 =	vadd.s32 v2, v17  }
0x370: {  	v18 =	vadd.f32 v18, v19;
	v27 =	vadd.s32 v5, v17  }
0x371: {  	[tilespmem:s16+$0xFFFFFFDE] =	vst v16;
	v19 =	vadd.s32 v8, v24;
	v16 =	vadd.f32 v20, v21  }
0x372: {  	v26 =	vadd.s32 v15, v24;
	[tilespmem:s16+$0xFFFFFFEF] =	vst v18  }
0x373: {  	v31 =	vadd.s32 v12, v24;
	[tilespmem:s16+$0x0] =	vst v16  }
0x374: {  	v21 =	vadd.s32 v15, v17;
	v16 =	vld.idx.msk [tilespmem:v22+s26+$0x0], $0xffff  }
0x375: {  	v23 =	vadd.s32 v5, v24;
	v27 =	vld.idx.msk [tilespmem:v27+s26+$0x0], $0xffff  }
0x376: {  	v25 =	vadd.s32 v2, v24;
	v20 =	vld.idx.msk [tilespmem:v19+s26+$0x0], $0xffff  }
0x377: {  	v61 =	vadd.s32 v6, v24;
	v22 =	vld.idx.msk [tilespmem:v26+s26+$0x0], $0xffff  }
0x378: {  	v19 =	vadd.s32 v13, v24;
	v36 =	vld.idx.msk [tilespmem:v31+s26+$0x0], $0xffff  }
0x379: {  	v28 =	vadd.s32 v7, v17;
	v18 =	vld.idx.msk [tilespmem:v21+s26+$0x0], $0xffff  }
0x37a: {  	v29 =	vadd.s32 v0, v24;
	v21 =	vld.idx.msk [tilespmem:v23+s26+$0x0], $0xffff  }
0x37b: {  	v23 =	vld.idx.msk [tilespmem:v25+s26+$0x0], $0xffff;
	v25 =	vadd.s32 v4, v17  }
0x37c: {  	v62 =	vadd.s32 v7, v24;
	v32 =	vld.idx.msk [tilespmem:v61+s26+$0x0], $0xffff  }
0x37d: {  	v26 =	vadd.s32 v11, v24;
	v30 =	vld.idx.msk [tilespmem:v19+s26+$0x0], $0xffff  }
0x37e: {  	v34 =	vadd.s32 v10, v24;
	v19 =	vld.idx.msk [tilespmem:v28+s26+$0x0], $0xffff  }
0x37f: {  	v35 =	vadd.s32 v4, v24;
	v28 =	vld.idx.msk [tilespmem:v29+s26+$0x0], $0xffff  }
0x380: {  	v29 =	vld.idx.msk [tilespmem:v25+s26+$0x0], $0xffff;
	v25 =	vadd.s32 v1, v24  }
0x381: {  	v38 =	vadd.s32 v3, v24;
	v33 =	vld.idx.msk [tilespmem:v62+s26+$0x0], $0xffff  }
0x382: {  	v41 =	vld.idx.msk [tilespmem:v26+s26+$0x0], $0xffff;
	v26 =	vadd.s32 v9, v24  }
0x383: {  	v63 =	vadd.s32 v14, v24;
	v43 =	vld.idx.msk [tilespmem:v34+s26+$0x0], $0xffff  }
0x384: {  	v44 =	vadd.s32 v3, v17;
	v35 =	vld.idx.msk [tilespmem:v35+s26+$0x0], $0xffff  }
0x385: {  	v31 =	vld.idx.msk [tilespmem:v25+s26+$0x0], $0xffff;
	v25 =	vadd.s32 v1, v17  }
0x386: {  	v42 =	vadd.s32 v0, v17;
	v38 =	vld.idx.msk [tilespmem:v38+s26+$0x0], $0xffff  }
0x387: {  	v39 =	vadd.s32 v8, v17;
	v40 =	vadd.s32 v11, v17;
	v37 =	vld.idx.msk [tilespmem:v26+s26+$0x0], $0xffff  }
0x388: {  	v34 =	vadd.f32 v32, v33;
	v33 =	vadd.s32 v14, v17;
	v24 =	vadd.f32 v30, v36;
	v36 =	vld.idx.msk [tilespmem:v63+s26+$0x0], $0xffff  }
0x389: {  	s15 =	simm.s32 $0x0;
	s0 =	simm.s32 $0x310;
	s16 =	simm.s32 $0x30;
	v26 =	vadd.s32 v9, v17;
	v32 =	vadd.f32 v41, v43;
	v30 =	vld.idx.msk [tilespmem:v44+s26+$0x0], $0xffff;
	v41 =	vadd.s32 v10, v17  }
.LBB2_12:
0x38a: {  	s19 =	sadd.s32 $0xFFFFFFF0, s16;
	v43 =	vmov s16;
	s15 =	sadd.s32 $0x2, s15;
	v44 =	vld.idx.msk [tilespmem:v25+s26+$0x0], $0xffff;
	v45 =	vadd.s32 v6, v17;
	v46 =	vadd.s32 v13, v17;
	s1 =	sadd.s32 $0x20, s1  }
0x38b: {  	v47 =	vadd.s32 v12, v17;
	v25 =	vmov s19;
	v43 =	vmul.u32 $0x11, v43;
	p0 =	slt.u32 s15, $0x6;
	v42 =	vld.idx.msk [tilespmem:v42+s26+$0x0], $0xffff  }
0x38c: {  	v20 =	vadd.f32 v37, v20;
	v29 =	vadd.f32 v27, v29;
	v25 =	vmul.u32 $0x11, v25;
	v37 =	vld.idx.msk [tilespmem:v39+s26+$0x0], $0xffff  }
0x38d: {  	v21 =	vadd.f32 v21, v35;
	v23 =	vadd.f32 v38, v23;
	v17 =	vbroadcast v43, $0x0;
	v27 =	vld.idx.msk [tilespmem:v40+s26+$0x0], $0xffff  }
0x38e: {  	v28 =	vadd.f32 v31, v28;
	v31 =	vadd.f32 v22, v36;
	v35 =	vbroadcast v25, $0x0;
	v22 =	vld.idx.msk [tilespmem:v41+s26+$0x0], $0xffff  }
0x38f: {  	v34 =	vadd.f32 v34, v21;
	v25 =	vadd.s32 v1, v17;
	v36 =	vadd.s32 v2, v17;
	v38 =	vld.idx.msk [tilespmem:v26+s26+$0x0], $0xffff  }
0x390: {  	v26 =	vadd.s32 v15, v17;
	v39 =	vadd.s32 v0, v35;
	v21 =	vadd.s32 v8, v35;
	v40 =	vld.idx.msk [tilespmem:v47+s26+$0x0], $0xffff  }
0x391: {  	v32 =	vadd.f32 v32, v20;
	v41 =	vadd.s32 v1, v35;
	v43 =	vadd.s32 v4, v35;
	v46 =	vld.idx.msk [tilespmem:v46+s26+$0x0], $0xffff  }
0x392: {  	v28 =	vadd.f32 v23, v28;
	v47 =	vadd.s32 v2, v35;
	v48 =	vadd.s32 v5, v35;
	v45 =	vld.idx.msk [tilespmem:v45+s26+$0x0], $0xffff  }
0x393: {  	v30 =	vadd.f32 v30, v16;
	v49 =	vadd.s32 v3, v35;
	v50 =	vadd.s32 v10, v35;
	v33 =	vld.idx.msk [tilespmem:v33+s26+$0x0], $0xffff  }
0x394: {  	v51 =	vadd.s32 v7, v35;
	v52 =	vadd.s32 v9, v35;
	v53 =	vadd.s32 v15, v35;
	v16 =	vld.idx.msk [tilespmem:v36+s26+$0x0], $0xffff  }
0x395: {  	v54 =	vadd.s32 v11, v35;
	v55 =	vadd.s32 v13, v35;
	v36 =	vadd.s32 v6, v35;
	v20 =	vld.idx.msk [tilespmem:v21+s26+$0x0], $0xffff  }
0x396: {  	v56 =	vadd.s32 v4, v17;
	v57 =	vadd.s32 v5, v17;
	v42 =	vadd.f32 v44, v42;
	v58 =	vld.idx.msk [tilespmem:v26+s26+$0x0], $0xffff  }
0x397: {  	v44 =	vadd.s32 v12, v35;
	v59 =	vadd.f32 v27, v22;
	v21 =	vld.idx.msk [tilespmem:v48+s26+$0x0], $0xffff;
	v48 =	vadd.s32 v7, v17  }
0x398: {  	v30 =	vadd.f32 v30, v42;
	v26 =	vadd.s32 v9, v17;
	v45 =	vadd.f32 v45, v19;
	v23 =	vld.idx.msk [tilespmem:v47+s26+$0x0], $0xffff  }
0x399: {  	v19 =	vadd.f32 v31, v24;
	v42 =	vadd.f32 v18, v33;
	v22 =	vld.idx.msk [tilespmem:v53+s26+$0x0], $0xffff  }
0x39a: {  	v31 =	vadd.f32 v34, v28;
	v28 =	vadd.f32 v46, v40;
	v24 =	vld.idx.msk [tilespmem:v55+s26+$0x0], $0xffff  }
0x39b: {  	v33 =	vadd.f32 v38, v37;
	v32 =	vadd.f32 v19, v32;
	v27 =	vld.idx.msk [tilespmem:v57+s26+$0x0], $0xffff  }
0x39c: {  	v34 =	vadd.f32 v45, v29;
	v37 =	vadd.f32 v42, v28;
	v18 =	vmov v58;
	v19 =	vld.idx.msk [tilespmem:v48+s26+$0x0], $0xffff  }
0x39d: {  	v31 =	vadd.f32 v32, v31;
	v32 =	vadd.f32 v59, v33;
	v28 =	vld.idx.msk [tilespmem:v39+s26+$0x0], $0xffff  }
0x39e: {  	v30 =	vadd.f32 v34, v30;
	v29 =	vld.idx.msk [tilespmem:v56+s26+$0x0], $0xffff  }
0x39f: {  	v33 =	vld.idx.msk [tilespmem:v54+s26+$0x0], $0xffff;
	[tilespmem:s0+$0xFFFFFFF0] =	vst v31;
	v31 =	vadd.f32 v37, v32  }
0x3a0: {  	v32 =	vld.idx.msk [tilespmem:v44+s26+$0x0], $0xffff  }
0x3a1: {  	v34 =	vld.idx.msk [tilespmem:v36+s26+$0x0], $0xffff;
	v30 =	vadd.f32 v31, v30  }
0x3a2: {  	v40 =	vld.idx.msk [tilespmem:v51+s26+$0x0], $0xffff  }
0x3a3: {  	v36 =	vadd.s32 v14, v35;
	v44 =	vld.idx.msk [tilespmem:v50+s26+$0x0], $0xffff;
	[tilespmem:s0+$0x0] =	vst v30;
	s0 =	smov.u32 s1  }
0x3a4: {  	v30 =	vadd.s32 v3, v17;
	v31 =	vld.idx.msk [tilespmem:v41+s26+$0x0], $0xffff  }
.Ltmp5:
0x3a5: {  	v37 =	vld.idx.msk [tilespmem:v52+s26+$0x0], $0xffff;
	(pc) =	sbr.rel @p0 .LBB2_12-.Ltmp5, $4  }
0x3a6: {  	v42 =	vadd.s32 v0, v17;
	v24 =	vadd.f32 v24, v32;
	v35 =	vld.idx.msk [tilespmem:v43+s26+$0x0], $0xffff  }
0x3a7: {  	v39 =	vadd.s32 v8, v17;
	v38 =	vld.idx.msk [tilespmem:v49+s26+$0x0], $0xffff  }
0x3a8: {  	v34 =	vadd.f32 v34, v40;
	v40 =	vadd.s32 v11, v17;
	v36 =	vld.idx.msk [tilespmem:v36+s26+$0x0], $0xffff  }
0x3a9: {  	s16 =	sadd.s32 $0x20, s16;
	v41 =	vadd.s32 v10, v17;
	v32 =	vadd.f32 v33, v44;
	v33 =	vadd.s32 v14, v17;
	v30 =	vld.idx.msk [tilespmem:v30+s26+$0x0], $0xffff  }
0x3aa: {  	_ =	sdelay $0x3  }
0x3ab: {  	v25 =	vld.idx.msk [tilespmem:v25+s26+$0x0], $0xffff  }
0x3ac: {  	v42 =	vld.idx.msk [tilespmem:v42+s26+$0x0], $0xffff  }
0x3ad: {  	v43 =	vadd.s32 v12, v17;
	v39 =	vld.idx.msk [tilespmem:v39+s26+$0x0], $0xffff  }
0x3ae: {  	v44 =	vadd.s32 v6, v17;
	v40 =	vld.idx.msk [tilespmem:v40+s26+$0x0], $0xffff  }
0x3af: {  	v17 =	vadd.s32 v13, v17;
	v41 =	vld.idx.msk [tilespmem:v41+s26+$0x0], $0xffff  }
0x3b0: {  	v26 =	vld.idx.msk [tilespmem:v26+s26+$0x0], $0xffff  }
0x3b1: {  	v28 =	vadd.f32 v31, v28;
	v31 =	vld.idx.msk [tilespmem:v33+s26+$0x0], $0xffff  }
0x3b2: {  	v20 =	vadd.f32 v37, v20;
	v27 =	vadd.f32 v27, v29;
	v43 =	vld.idx.msk [tilespmem:v43+s26+$0x0], $0xffff  }
0x3b3: {  	v21 =	vadd.f32 v21, v35;
	v23 =	vadd.f32 v38, v23;
	v29 =	vld.idx.msk [tilespmem:v44+s26+$0x0], $0xffff  }
0x3b4: {  	v20 =	vadd.f32 v32, v20;
	v22 =	vadd.f32 v22, v36;
	v17 =	vld.idx.msk [tilespmem:v17+s26+$0x0], $0xffff  }
0x3b5: {  	v21 =	vadd.f32 v34, v21;
	v23 =	vadd.f32 v23, v28  }
0x3b6: {  	v16 =	vadd.f32 v30, v16;
	v25 =	vadd.f32 v25, v42  }
0x3b7: {  	v28 =	vadd.f32 v40, v41;
	v18 =	vadd.f32 v18, v31  }
0x3b8: {  	v16 =	vadd.f32 v16, v25;
	v19 =	vadd.f32 v29, v19  }
0x3b9: {  	v25 =	vadd.f32 v26, v39;
	v17 =	vadd.f32 v17, v43  }
0x3ba: {  	v22 =	vadd.f32 v22, v24;
	v19 =	vadd.f32 v19, v27  }
0x3bb: {  	v17 =	vadd.f32 v18, v17;
	v18 =	vadd.f32 v28, v25  }
0x3bc: {  	v21 =	vadd.f32 v21, v23;
	v20 =	vadd.f32 v22, v20  }
0x3bd: {  	v16 =	vadd.f32 v19, v16;
	v17 =	vadd.f32 v17, v18  }
0x3be: {  	v18 =	vadd.f32 v20, v21  }
0x3bf: {  	v16 =	vadd.f32 v17, v16  }
0x3c0: {  	[tilespmem:s0+$0xFFFFFFF0] =	vst v18  }
0x3c1: {  	[tilespmem:s0+$0x0] =	vst v16  }
0x3c2: {  	_ =	swait.ge [sflag:s29], $0x4000  }
0x3c3: {  	[sflag:s29] =	ssyncset.done $0x0  }
0x3c4: {  	[sflag:s29] =	ssyncadd.s32 $0xFFFFC000  }
0x3c5: {  	_ =	swait.ge [sflag:s30], $0x4000  }
0x3c6: {  	[sflag:s30] =	ssyncset.done $0x0  }
0x3c7: {  	[sflag:s30] =	ssyncadd.s32 $0xFFFFC000  }
0x3c8: {  	_ =	swait.ge [sflag:s31], $0x4000  }
0x3c9: {  	[sflag:s31] =	ssyncset.done $0x0  }
0x3ca: {  	s1 =	simm.s32 $0xCD80;
	[sflag:s31] =	ssyncadd.s32 $0xFFFFC000  }
0x3cb: {  	v16 =	vld [tilespmem:s1+$0xB0]  }
0x3cc: {  	s0 =	simm.s32 $0x10D80;
	v17 =	vld [tilespmem:s1+$0xF0]  }
0x3cd: {  	v18 =	vld [tilespmem:s0+$0xB0]  }
0x3ce: {  	v19 =	vld [tilespmem:s0+$0xF0]  }
0x3cf: {  	v20 =	vld [tilespmem:s1+$0xA0]  }
0x3d0: {  	v32 =	vld [tilespmem:s1+$0xE0]  }
0x3d1: {  	v22 =	vld [tilespmem:s0+$0xA0]  }
0x3d2: {  	v23 =	vld [tilespmem:s0+$0xE0]  }
0x3d3: {  	v24 =	vld [tilespmem:s1+$0x80]  }
0x3d4: {  	v25 =	vld [tilespmem:s1+$0xC0]  }
0x3d5: {  	v26 =	vld [tilespmem:s0+$0x80]  }
0x3d6: {  	v27 =	vld [tilespmem:s0+$0xC0]  }
0x3d7: {  	v28 =	vld [tilespmem:s1+$0x90]  }
0x3d8: {  	v29 =	vld [tilespmem:s1+$0xD0]  }
0x3d9: {  	v30 =	vld [tilespmem:s0+$0x90]  }
0x3da: {  	v31 =	vld [tilespmem:s0+$0xD0]  }
0x3db: {  	s15 =	simm.s32 $0x14D80;
	v33 =	vld [tilespmem:s1+$0xFFFFFF40]  }
0x3dc: {  	v37 =	vld [tilespmem:s15+$0x80]  }
0x3dd: {  	v21 =	vld [tilespmem:s15+$0xB0]  }
0x3de: {  	v38 =	vld [tilespmem:s15+$0xC0]  }
0x3df: {  	v39 =	vld [tilespmem:s15+$0x90]  }
0x3e0: {  	v40 =	vld [tilespmem:s15+$0xD0]  }
0x3e1: {  	v41 =	vld [tilespmem:s15+$0xA0]  }
0x3e2: {  	v42 =	vld [tilespmem:s15+$0xE0];
	[tilespmem:$0x1FF40] =	vst v21  }
0x3e3: {  	v21 =	vld [tilespmem:s15+$0xF0];
	_ =	sdelay $0x4  }
0x3e4: {  	[tilespmem:$0x1FF50] =	vst v21  }
0x3e5: {  	v21 =	vld [tilespmem:s0+$0xFFFFFF00];
	_ =	sdelay $0x4  }
0x3e6: {  	[tilespmem:$0x1FF60] =	vst v21  }
0x3e7: {  	v21 =	vld [tilespmem:s0+$0xFFFFFF40];
	_ =	sdelay $0x4  }
0x3e8: {  	[tilespmem:$0x1FF70] =	vst v21  }
0x3e9: {  	v43 =	vld [tilespmem:s1+$0xFFFFFF10]  }
0x3ea: {  	v44 =	vld [tilespmem:s1+$0xFFFFFF50]  }
0x3eb: {  	v45 =	vld [tilespmem:s0+$0xFFFFFF10]  }
0x3ec: {  	v46 =	vld [tilespmem:s0+$0xFFFFFF50]  }
0x3ed: {  	v47 =	vld [tilespmem:s1+$0xFFFFFF80]  }
0x3ee: {  	v48 =	vld [tilespmem:s1+$0xFFFFFFC0]  }
0x3ef: {  	v49 =	vld [tilespmem:s0+$0xFFFFFF80]  }
0x3f0: {  	v50 =	vld [tilespmem:s0+$0xFFFFFFC0]  }
0x3f1: {  	v51 =	vld [tilespmem:s1+$0xFFFFFF90]  }
0x3f2: {  	v52 =	vld [tilespmem:s1+$0xFFFFFFD0]  }
0x3f3: {  	v53 =	vld [tilespmem:s0+$0xFFFFFF90]  }
0x3f4: {  	v54 =	vld [tilespmem:s0+$0xFFFFFFD0]  }
0x3f5: {  	v55 =	vld [tilespmem:s1+$0x0]  }
0x3f6: {  	v56 =	vld [tilespmem:s1+$0x40]  }
0x3f7: {  	v57 =	vld [tilespmem:s0+$0x0]  }
0x3f8: {  	v58 =	vld [tilespmem:s0+$0x40]  }
0x3f9: {  	v59 =	vld [tilespmem:s1+$0x10]  }
0x3fa: {  	v60 =	vld [tilespmem:s1+$0x50]  }
0x3fb: {  	v61 =	vmul.f32 v18, v16;
	v62 =	vld [tilespmem:s0+$0x10]  }
0x3fc: {  	v63 =	vmul.f32 v19, v17;
	v21 =	vmul.f32 v19, v16;
	v34 =	vld [tilespmem:s0+$0x50]  }
0x3fd: {  	v19 =	vmul.f32 v18, v17;
	v18 =	vmul.f32 v26, v24;
	v35 =	vld [tilespmem:s1+$0xFFFFFF00]  }
0x3fe: {  	v16 =	vmul.f32 v27, v25;
	v24 =	vmul.f32 v27, v24;
	v36 =	vld [tilespmem:s1+$0xFFFFFF20]  }
0x3ff: {  	v25 =	vmul.f32 v26, v25;
	v26 =	vmul.f32 v30, v28;
	v27 =	vld [tilespmem:s1+$0xFFFFFF60]  }
0x400: {  	v17 =	vmul.f32 v31, v29;
	v28 =	vmul.f32 v31, v28;
	v31 =	vld [tilespmem:s0+$0xFFFFFF20]  }
0x401: {  	v29 =	vmul.f32 v30, v29;
	v30 =	vmul.f32 v22, v20;
	v16 =	vadd.f32 v16, v18;
	v18 =	vld [tilespmem:s0+$0xFFFFFF60]  }
0x402: {  	v20 =	vmul.f32 v23, v20;
	v24 =	vsub.f32 v24, v25;
	v25 =	vmul.f32 v23, v32;
	v23 =	vld [tilespmem:s1+$0xFFFFFFA0]  }
0x403: {  	v22 =	vmul.f32 v22, v32;
	v17 =	vadd.f32 v17, v26;
	v26 =	vsub.f32 v28, v29;
	v28 =	vld [tilespmem:s1+$0xFFFFFFE0]  }
0x404: {  	v29 =	vld [tilespmem:s0+$0xFFFFFFA0]  }
0x405: {  	v20 =	vsub.f32 v20, v22;
	v22 =	vld [tilespmem:s0+$0xFFFFFFE0];
	v16 =	vmul.f32 v16, v37;
	v24 =	vmul.f32 v24, v38  }
0x406: {  	v19 =	vsub.f32 v21, v19;
	v21 =	vld [tilespmem:s1+$0x20];
	v17 =	vmul.f32 v17, v39;
	v26 =	vmul.f32 v26, v40  }
0x407: {  	v25 =	vadd.f32 v25, v30;
	v30 =	vadd.f32 v63, v61;
	v63 =	vld [tilespmem:$0x1FF60]  }
0x408: {  	v20 =	vmul.f32 v20, v42;
	v61 =	vld [tilespmem:$0x1FF70];
	v16 =	vadd.f32 v17, v16;
	v17 =	vadd.f32 v26, v24  }
0x409: {  	v39 =	vld [tilespmem:s15+$0xFFFFFF10]  }
0x40a: {  	v17 =	vadd.f32 v20, v17;
	v20 =	vld [tilespmem:$0x1FF50]  }
0x40b: {  	v25 =	vmul.f32 v25, v41;
	v26 =	vld [tilespmem:$0x1FF40];
	v37 =	vmul.f32 v45, v44  }
0x40c: {  	v24 =	vld [tilespmem:s1+$0x60];
	v40 =	vmul.f32 v49, v47;
	v38 =	vmul.f32 v49, v48  }
0x40d: {  	v41 =	vld [tilespmem:s15+$0xFFFFFF50];
	v49 =	vmul.f32 v50, v48;
	v50 =	vmul.f32 v50, v47  }
0x40e: {  	v42 =	vmul.f32 v53, v52;
	v47 =	vld [tilespmem:s0+$0xFFFFFF30];
	v48 =	vmul.f32 v57, v55;
	v16 =	vadd.f32 v25, v16  }
0x40f: {  	v40 =	vadd.f32 v49, v40;
	v49 =	vld [tilespmem:s0+$0xFFFFFF70];
	v25 =	vmul.f32 v63, v33;
	v19 =	vmul.f32 v19, v20  }
0x410: {  	v32 =	vmul.f32 v61, v33;
	v33 =	vld [tilespmem:s15+$0xFFFFFF00];
	v26 =	vmul.f32 v30, v26  }
0x411: {  	v30 =	vld [tilespmem:s0+$0x20];
	v17 =	vadd.f32 v19, v17;
	v19 =	vmul.f32 v45, v43;
	v45 =	vmul.f32 v46, v44  }
0x412: {  	v20 =	vld [tilespmem:s0+$0x60];
	v16 =	vadd.f32 v26, v16;
	v44 =	vmul.f32 v53, v51;
	v53 =	vmul.f32 v54, v52  }
0x413: {  	v26 =	vld [tilespmem:s15+$0xFFFFFF40];
	v54 =	vmul.f32 v54, v51;
	v52 =	vmul.f32 v62, v59  }
0x414: {  	v51 =	vld [tilespmem:s15+$0xFFFFFF80];
	v17 =	vadd.f32 v17, v16;
	v16 =	vmul.f32 v46, v43;
	v46 =	vmul.f32 v57, v56  }
0x415: {  	v19 =	vadd.f32 v45, v19;
	v43 =	vld [tilespmem:s1+$0xFFFFFF30];
	v57 =	vmul.f32 v58, v56;
	v58 =	vmul.f32 v58, v55  }
0x416: {  	v45 =	vld [tilespmem:s1+$0xFFFFFF70];
	v16 =	vsub.f32 v16, v37;
	v37 =	vsub.f32 v50, v38;
	v50 =	vmul.f32 v62, v60  }
0x417: {  	v44 =	vadd.f32 v53, v44;
	v53 =	vld [tilespmem:s15+$0xFFFFFFC0];
	v62 =	vmul.f32 v34, v60;
	v34 =	vmul.f32 v34, v59  }
0x418: {  	v55 =	vld [tilespmem:s15+$0xFFFFFF90];
	v38 =	vsub.f32 v54, v42;
	v60 =	vmul.f32 v63, v35;
	v35 =	vmul.f32 v61, v35  }
0x419: {  	v56 =	vld [tilespmem:s15+$0xFFFFFFD0];
	v48 =	vadd.f32 v57, v48;
	v63 =	vmul.f32 v29, v23;
	v29 =	vmul.f32 v29, v28  }
0x41a: {  	v42 =	vsub.f32 v58, v46;
	v57 =	vld [tilespmem:s1+$0xFFFFFFB0];
	v28 =	vmul.f32 v22, v28;
	v22 =	vmul.f32 v22, v23  }
0x41b: {  	v46 =	vld [tilespmem:s0+$0xFFFFFFB0];
	v23 =	vmul.f32 v30, v21;
	v19 =	vmul.f32 v19, v39;
	v52 =	vadd.f32 v62, v52  }
0x41c: {  	v58 =	vld [tilespmem:s0+$0xFFFFFFF0];
	v62 =	vmul.f32 v31, v36;
	v34 =	vsub.f32 v34, v50;
	v31 =	vmul.f32 v31, v27  }
0x41d: {  	v59 =	vld [tilespmem:s15+$0x0];
	v27 =	vmul.f32 v18, v27;
	v32 =	vadd.f32 v32, v60;
	v18 =	vmul.f32 v18, v36  }
0x41e: {  	v61 =	vmul.f32 v40, v51;
	v51 =	vld [tilespmem:s15+$0xFFFFFF60];
	v25 =	vsub.f32 v35, v25;
	v28 =	vadd.f32 v28, v63  }
0x41f: {  	v50 =	vld [tilespmem:s1+$0xFFFFFFF0];
	v16 =	vmul.f32 v16, v41;
	v31 =	vsub.f32 v18, v31;
	v18 =	vmul.f32 v30, v24  }
0x420: {  	v60 =	vld [tilespmem:s15+$0x10];
	v27 =	vadd.f32 v27, v62;
	v24 =	vmul.f32 v20, v24;
	v20 =	vmul.f32 v20, v21  }
0x421: {  	v63 =	vld [tilespmem:s15+$0xFFFFFF20];
	v21 =	vmul.f32 v32, v33;
	v33 =	vsub.f32 v22, v29;
	v22 =	vmul.f32 v25, v26  }
0x422: {  	v30 =	vld [tilespmem:s15+$0x40];
	v35 =	vmul.f32 v58, v57;
	v23 =	vadd.f32 v24, v23;
	v26 =	vsub.f32 v20, v18  }
0x423: {  	v25 =	vld [tilespmem:s15+$0x50];
	v24 =	vadd.f32 v19, v21;
	v18 =	vmul.f32 v47, v43;
	v19 =	vmul.f32 v49, v45  }
0x424: {  	v62 =	vld [tilespmem:s0+$0x70];
	v36 =	vadd.f32 v16, v22;
	v16 =	vmul.f32 v47, v45;
	v22 =	vmul.f32 v49, v43  }
0x425: {  	v21 =	vld [tilespmem:s1+$0x70];
	v31 =	vmul.f32 v31, v51;
	v49 =	vmul.f32 v58, v50  }
0x426: {  	v29 =	vld [tilespmem:s0+$0x30];
	v32 =	vmul.f32 v52, v60;
	v40 =	vadd.f32 v19, v18;
	v18 =	vmul.f32 v44, v55  }
0x427: {  	v20 =	vld [tilespmem:s1+$0x30];
	v16 =	vsub.f32 v22, v16;
	v19 =	vmul.f32 v37, v53;
	v22 =	vmul.f32 v38, v56  }
0x428: {  	v27 =	vmul.f32 v27, v63;
	v55 =	vld [tilespmem:s15+$0xFFFFFFA0];
	v56 =	vmul.f32 v48, v59;
	v38 =	vadd.f32 v18, v61  }
0x429: {  	v58 =	vld [tilespmem:s15+$0x20];
	v18 =	vmul.f32 v46, v57;
	v53 =	vadd.f32 v22, v19;
	v22 =	vmul.f32 v46, v50  }
0x42a: {  	v25 =	vmul.f32 v34, v25;
	v57 =	vld [tilespmem:s15+$0xFFFFFFE0];
	v60 =	vmul.f32 v62, v21  }
0x42b: {  	v61 =	vld [tilespmem:s15+$0x60];
	v19 =	vadd.f32 v49, v18;
	v18 =	vsub.f32 v35, v22;
	v22 =	vmul.f32 v42, v30  }
0x42c: {  	v30 =	vmul.f32 v29, v20;
	v20 =	vmul.f32 v62, v20;
	v62 =	vld [tilespmem:s15+$0xFFFFFF30]  }
0x42d: {  	v63 =	vmul.f32 v28, v55;
	v22 =	vadd.f32 v25, v22;
	v25 =	vmul.f32 v29, v21;
	v29 =	vld [tilespmem:s15+$0xFFFFFF70]  }
0x42e: {  	v59 =	vadd.f32 v32, v56;
	v34 =	vmul.f32 v23, v58;
	v21 =	vadd.f32 v60, v30;
	v30 =	vld [tilespmem:s15+$0xFFFFFFB0]  }
0x42f: {  	v28 =	vadd.f32 v27, v24;
	v27 =	vld [tilespmem:s15+$0xFFFFFFF0];
	v33 =	vmul.f32 v33, v57;
	v24 =	vadd.f32 v63, v38  }
0x430: {  	s16 =	simm.s32 $0x422;
	v32 =	vmul.f32 v26, v61;
	v20 =	vsub.f32 v20, v25;
	v25 =	vadd.f32 v31, v36;
	v31 =	vld [tilespmem:s15+$0x30]  }
0x431: {  	s19 =	simm.s32 $0x0;
	s20 =	simm.s32 $0xCF80;
	[tilespmem:s16+$0x11] =	vst v17;
	v17 =	vld [tilespmem:s15+$0x70];
	s1 =	simm.s32 $0x390;
	v26 =	vadd.f32 v34, v59;
	v23 =	vadd.f32 v33, v53;
	v33 =	vmul.f32 v40, v62  }
.LBB2_14:
0x432: {  	v34 =	vld [tilespmem:s20+$0xB0];
	v16 =	vmul.f32 v16, v29;
	v22 =	vadd.f32 v32, v22  }
0x433: {  	s0 =	sadd.s32 $0x200, s0;
	v29 =	vld [tilespmem:s20+$0xF0];
	v28 =	vadd.f32 v33, v28;
	v19 =	vmul.f32 v19, v30  }
0x434: {  	v30 =	vld [tilespmem:s0+$0xB0];
	v16 =	vadd.f32 v16, v25;
	v18 =	vmul.f32 v18, v27  }
0x435: {  	v25 =	vld [tilespmem:s0+$0xF0];
	v19 =	vadd.f32 v19, v24;
	v21 =	vmul.f32 v21, v31  }
0x436: {  	v24 =	vld [tilespmem:s20+$0xA0];
	v16 =	vadd.f32 v16, v28;
	v18 =	vadd.f32 v18, v23;
	v17 =	vmul.f32 v20, v17  }
0x437: {  	v20 =	vld [tilespmem:s20+$0xE0];
	v21 =	vadd.f32 v21, v26  }
0x438: {  	v23 =	vld [tilespmem:s0+$0xA0];
	[tilespmem:s16+$0xFFFFFFDE] =	vst v16;
	v16 =	vadd.f32 v18, v19;
	v17 =	vadd.f32 v17, v22  }
0x439: {  	v18 =	vld [tilespmem:s0+$0xE0]  }
0x43a: {  	v19 =	vld [tilespmem:s20+$0x80];
	[tilespmem:s16+$0xFFFFFFEF] =	vst v16;
	v16 =	vadd.f32 v17, v21  }
0x43b: {  	v17 =	vld [tilespmem:s20+$0xC0]  }
0x43c: {  	v21 =	vld [tilespmem:s0+$0x80];
	[tilespmem:s16+$0x0] =	vst v16  }
0x43d: {  	v16 =	vld [tilespmem:s0+$0xC0]  }
0x43e: {  	v22 =	vld [tilespmem:s20+$0x90]  }
0x43f: {  	v26 =	vld [tilespmem:s20+$0xD0]  }
0x440: {  	v27 =	vld [tilespmem:s0+$0x90]  }
0x441: {  	v31 =	vmul.f32 v30, v34;
	v32 =	vmul.f32 v25, v29;
	v28 =	vld [tilespmem:s0+$0xD0]  }
0x442: {  	s19 =	sadd.s32 $0x4, s19;
	s15 =	sadd.s32 $0x200, s15;
	v25 =	vmul.f32 v25, v34;
	v29 =	vmul.f32 v30, v29;
	v33 =	vld [tilespmem:s20+$0xFFFFFF40]  }
0x443: {  	p0 =	slt.u32 s19, $0x7C;
	v34 =	vmul.f32 v23, v24;
	v35 =	vmul.f32 v18, v20;
	v30 =	vld [tilespmem:s15+$0x80]  }
0x444: {  	v37 =	vmul.f32 v21, v19;
	v38 =	vmul.f32 v16, v17;
	v36 =	vld [tilespmem:s15+$0xC0]  }
0x445: {  	v16 =	vmul.f32 v16, v19;
	v17 =	vmul.f32 v21, v17;
	v19 =	vld [tilespmem:s15+$0x90]  }
0x446: {  	v39 =	vmul.f32 v27, v22;
	v21 =	vld [tilespmem:s15+$0xD0];
	v40 =	vmul.f32 v28, v26  }
0x447: {  	v22 =	vmul.f32 v28, v22;
	v26 =	vmul.f32 v27, v26;
	v27 =	vld [tilespmem:s15+$0xA0]  }
0x448: {  	v18 =	vmul.f32 v18, v24;
	v16 =	vsub.f32 v16, v17;
	v28 =	vadd.f32 v38, v37;
	v17 =	vld [tilespmem:s15+$0xE0]  }
0x449: {  	v20 =	vmul.f32 v23, v20;
	v24 =	vadd.f32 v40, v39;
	v22 =	vsub.f32 v22, v26;
	v23 =	vld [tilespmem:s15+$0xB0]  }
0x44a: {  	v26 =	vmul.f32 v28, v30;
	v28 =	vadd.f32 v35, v34;
	v16 =	vmul.f32 v16, v36;
	v30 =	vld [tilespmem:s15+$0xF0]  }
0x44b: {  	v18 =	vsub.f32 v18, v20;
	v19 =	vmul.f32 v24, v19;
	v34 =	vld [tilespmem:s0+$0xFFFFFF00];
	v21 =	vmul.f32 v22, v21  }
0x44c: {  	v25 =	vsub.f32 v25, v29;
	v24 =	vadd.f32 v32, v31;
	v20 =	vld [tilespmem:s0+$0xFFFFFF40];
	v22 =	vmul.f32 v28, v27  }
0x44d: {  	v19 =	vadd.f32 v19, v26;
	v27 =	vld [tilespmem:s20+$0xFFFFFF10];
	v16 =	vadd.f32 v21, v16;
	v17 =	vmul.f32 v18, v17  }
0x44e: {  	v18 =	vld [tilespmem:s20+$0xFFFFFF50];
	v21 =	vmul.f32 v24, v23  }
0x44f: {  	v19 =	vadd.f32 v22, v19;
	v23 =	vld [tilespmem:s0+$0xFFFFFF10];
	v16 =	vadd.f32 v17, v16;
	v17 =	vmul.f32 v25, v30  }
0x450: {  	v22 =	vmul.f32 v34, v33;
	v24 =	vld [tilespmem:s0+$0xFFFFFF50]  }
0x451: {  	v19 =	vadd.f32 v21, v19;
	v25 =	vmul.f32 v20, v33;
	v26 =	vld [tilespmem:s20+$0xFFFFFF80];
	v16 =	vadd.f32 v17, v16  }
0x452: {  	v17 =	vld [tilespmem:s20+$0xFFFFFFC0]  }
0x453: {  	v21 =	vld [tilespmem:s0+$0xFFFFFF80];
	v16 =	vadd.f32 v16, v19  }
0x454: {  	s16 =	sadd.s32 $0x44, s16;
	v19 =	vmul.f32 v23, v27;
	v23 =	vmul.f32 v23, v18;
	v28 =	vld [tilespmem:s0+$0xFFFFFFC0]  }
0x455: {  	s21 =	simm.s32 $0x10;
	v18 =	vmul.f32 v24, v18;
	v24 =	vmul.f32 v24, v27;
	v27 =	vld [tilespmem:s20+$0xFFFFFF90];
	[tilespmem:s16+$0x11] =	vst v16  }
0x456: {  	v16 =	vld [tilespmem:s20+$0xFFFFFFD0]  }
0x457: {  	v18 =	vadd.f32 v18, v19;
	v19 =	vsub.f32 v24, v23;
	v23 =	vld [tilespmem:s0+$0xFFFFFF90]  }
0x458: {  	v24 =	vmul.f32 v21, v26;
	v21 =	vmul.f32 v21, v17;
	v29 =	vld [tilespmem:s0+$0xFFFFFFD0]  }
0x459: {  	v17 =	vmul.f32 v28, v17;
	v26 =	vmul.f32 v28, v26;
	v28 =	vld [tilespmem:s20+$0x0]  }
0x45a: {  	v30 =	vld [tilespmem:s20+$0x40]  }
0x45b: {  	v17 =	vadd.f32 v17, v24;
	v21 =	vsub.f32 v26, v21;
	v24 =	vld [tilespmem:s0+$0x0]  }
0x45c: {  	v26 =	vmul.f32 v23, v27;
	v23 =	vmul.f32 v23, v16;
	v31 =	vld [tilespmem:s0+$0x40]  }
0x45d: {  	v16 =	vmul.f32 v29, v16;
	v27 =	vmul.f32 v29, v27;
	v29 =	vld [tilespmem:s20+$0x10]  }
0x45e: {  	v32 =	vld [tilespmem:s20+$0x50]  }
0x45f: {  	v26 =	vadd.f32 v16, v26;
	v23 =	vsub.f32 v27, v23;
	v16 =	vld [tilespmem:s0+$0x10]  }
0x460: {  	v27 =	vmul.f32 v24, v28;
	v24 =	vmul.f32 v24, v30;
	v33 =	vld [tilespmem:s0+$0x50]  }
0x461: {  	v35 =	vld [tilespmem:s20+$0xFFFFFF00];
	v30 =	vmul.f32 v31, v30;
	v28 =	vmul.f32 v31, v28  }
0x462: {  	v31 =	vld [tilespmem:s20+$0xFFFFFF20]  }
0x463: {  	v36 =	vld [tilespmem:s20+$0xFFFFFF60];
	v27 =	vadd.f32 v30, v27;
	v24 =	vsub.f32 v28, v24  }
0x464: {  	v28 =	vld [tilespmem:s0+$0xFFFFFF20];
	v30 =	vmul.f32 v16, v29;
	v16 =	vmul.f32 v16, v32  }
0x465: {  	v37 =	vld [tilespmem:s0+$0xFFFFFF60];
	v32 =	vmul.f32 v33, v32;
	v29 =	vmul.f32 v33, v29  }
0x466: {  	v33 =	vmul.f32 v34, v35;
	v20 =	vmul.f32 v20, v35;
	v34 =	vld [tilespmem:s20+$0xFFFFFFA0]  }
0x467: {  	v35 =	vld [tilespmem:s20+$0xFFFFFFE0];
	v30 =	vadd.f32 v32, v30;
	v29 =	vsub.f32 v29, v16  }
0x468: {  	v16 =	vadd.f32 v25, v33;
	v20 =	vsub.f32 v20, v22;
	v22 =	vld [tilespmem:s0+$0xFFFFFFA0]  }
0x469: {  	v25 =	vmul.f32 v28, v31;
	v28 =	vmul.f32 v28, v36;
	v32 =	vld [tilespmem:s0+$0xFFFFFFE0]  }
0x46a: {  	v33 =	vmul.f32 v37, v36;
	v31 =	vmul.f32 v37, v31;
	v36 =	vld [tilespmem:s20+$0x20]  }
0x46b: {  	v37 =	vld [tilespmem:s20+$0x60]  }
0x46c: {  	v25 =	vadd.f32 v33, v25;
	v28 =	vsub.f32 v31, v28;
	v31 =	vld [tilespmem:s0+$0x20]  }
0x46d: {  	v33 =	vmul.f32 v22, v34;
	v22 =	vmul.f32 v22, v35;
	v38 =	vld [tilespmem:s0+$0x60]  }
0x46e: {  	v39 =	vld [tilespmem:s15+$0xFFFFFF00];
	v35 =	vmul.f32 v32, v35;
	v32 =	vmul.f32 v32, v34  }
0x46f: {  	v34 =	vld [tilespmem:s15+$0xFFFFFF40]  }
0x470: {  	v40 =	vld [tilespmem:s15+$0xFFFFFF10];
	v33 =	vadd.f32 v35, v33;
	v32 =	vsub.f32 v32, v22  }
0x471: {  	v22 =	vld [tilespmem:s15+$0xFFFFFF50];
	v35 =	vmul.f32 v31, v36;
	v31 =	vmul.f32 v31, v37  }
0x472: {  	v41 =	vld [tilespmem:s20+$0xFFFFFF30];
	v37 =	vmul.f32 v38, v37;
	v36 =	vmul.f32 v38, v36  }
0x473: {  	v16 =	vmul.f32 v16, v39;
	v38 =	vld [tilespmem:s20+$0xFFFFFF70]  }
0x474: {  	v20 =	vmul.f32 v20, v34;
	v34 =	vld [tilespmem:s0+$0xFFFFFF30];
	v35 =	vadd.f32 v37, v35;
	v31 =	vsub.f32 v36, v31  }
0x475: {  	v18 =	vmul.f32 v18, v40;
	v36 =	vld [tilespmem:s0+$0xFFFFFF70]  }
0x476: {  	v19 =	vmul.f32 v19, v22;
	v22 =	vld [tilespmem:s15+$0xFFFFFF80]  }
0x477: {  	v37 =	vadd.f32 v18, v16;
	v18 =	vld [tilespmem:s15+$0xFFFFFFC0]  }
0x478: {  	v39 =	vadd.f32 v19, v20;
	v19 =	vld [tilespmem:s15+$0xFFFFFF90]  }
0x479: {  	v16 =	vmul.f32 v34, v41;
	v20 =	vmul.f32 v34, v38;
	v34 =	vld [tilespmem:s15+$0xFFFFFFD0]  }
0x47a: {  	v38 =	vmul.f32 v36, v38;
	v36 =	vmul.f32 v36, v41;
	v40 =	vld [tilespmem:s20+$0xFFFFFFB0]  }
0x47b: {  	v17 =	vmul.f32 v17, v22;
	v22 =	vld [tilespmem:s20+$0xFFFFFFF0]  }
0x47c: {  	v38 =	vadd.f32 v38, v16;
	v16 =	vsub.f32 v36, v20;
	v18 =	vmul.f32 v21, v18;
	v20 =	vld [tilespmem:s0+$0xFFFFFFB0]  }
0x47d: {  	v19 =	vmul.f32 v26, v19;
	v21 =	vld [tilespmem:s0+$0xFFFFFFF0]  }
0x47e: {  	v23 =	vmul.f32 v23, v34;
	v26 =	vld [tilespmem:s15+$0x0]  }
0x47f: {  	v17 =	vadd.f32 v19, v17;
	v34 =	vld [tilespmem:s15+$0x40]  }
0x480: {  	v23 =	vadd.f32 v23, v18;
	v36 =	vld [tilespmem:s15+$0x10]  }
0x481: {  	v18 =	vmul.f32 v20, v40;
	v20 =	vmul.f32 v20, v22;
	v41 =	vld [tilespmem:s15+$0x50]  }
0x482: {  	v19 =	vmul.f32 v21, v22;
	v21 =	vmul.f32 v21, v40;
	v40 =	vld [tilespmem:s20+$0x30]  }
0x483: {  	v22 =	vmul.f32 v27, v26;
	v26 =	vld [tilespmem:s20+$0x70]  }
0x484: {  	v19 =	vadd.f32 v19, v18;
	v18 =	vsub.f32 v21, v20;
	v20 =	vmul.f32 v24, v34;
	v21 =	vld [tilespmem:s0+$0x30]  }
0x485: {  	v24 =	vmul.f32 v30, v36;
	v27 =	vld [tilespmem:s0+$0x70]  }
0x486: {  	v30 =	vld [tilespmem:s15+$0xFFFFFF20];
	v29 =	vmul.f32 v29, v41  }
0x487: {  	v34 =	vld [tilespmem:s15+$0xFFFFFF60];
	v36 =	vadd.f32 v24, v22  }
0x488: {  	v24 =	vld [tilespmem:s15+$0xFFFFFFA0];
	v22 =	vadd.f32 v29, v20  }
0x489: {  	v41 =	vld [tilespmem:s15+$0xFFFFFFE0];
	v20 =	vmul.f32 v21, v40;
	v29 =	vmul.f32 v21, v26  }
0x48a: {  	v42 =	vld [tilespmem:s15+$0x20];
	v21 =	vmul.f32 v27, v26;
	v26 =	vmul.f32 v27, v40  }
0x48b: {  	v25 =	vmul.f32 v25, v30;
	v40 =	vld [tilespmem:s15+$0x60]  }
0x48c: {  	v27 =	vmul.f32 v28, v34;
	v34 =	vld [tilespmem:s15+$0xFFFFFF30];
	v21 =	vadd.f32 v21, v20;
	v20 =	vsub.f32 v26, v29  }
.Ltmp6:
0x48d: {  	v28 =	vadd.f32 v25, v37;
	v29 =	vld [tilespmem:s15+$0xFFFFFF70];
	v24 =	vmul.f32 v33, v24;
	(pc) =	sbr.rel @p0 .LBB2_14-.Ltmp6, $4  }
0x48e: {  	v25 =	vadd.f32 v27, v39;
	v26 =	vmul.f32 v32, v41;
	v30 =	vld [tilespmem:s15+$0xFFFFFFB0]  }
0x48f: {  	v24 =	vadd.f32 v24, v17;
	v27 =	vld [tilespmem:s15+$0xFFFFFFF0];
	v17 =	vmul.f32 v35, v42  }
0x490: {  	v23 =	vadd.f32 v26, v23;
	v32 =	vmul.f32 v31, v40;
	v31 =	vld [tilespmem:s15+$0x30]  }
0x491: {  	s20 =	sadd.s32 $0x200, s20;
	v33 =	vmul.f32 v38, v34;
	v26 =	vadd.f32 v17, v36;
	v17 =	vld [tilespmem:s15+$0x70]  }
0x492: {  	v16 =	vmul.f32 v16, v29;
	v22 =	vadd.f32 v32, v22  }
0x493: {  	s0 =	simm.s32 $0x0;
	v29 =	vmov s21;
	v28 =	vadd.f32 v33, v28;
	v19 =	vmul.f32 v19, v30  }
0x494: {  	v29 =	vmul.u32 $0x11, v29;
	v16 =	vadd.f32 v16, v25;
	v25 =	vmov s0  }
0x495: {  	v18 =	vmul.f32 v18, v27;
	v21 =	vmul.f32 v21, v31;
	v25 =	vmul.u32 $0x11, v25  }
0x496: {  	v19 =	vadd.f32 v19, v24;
	v20 =	vmul.f32 v20, v17;
	v17 =	vbroadcast v29, $0x0  }
0x497: {  	v16 =	vadd.f32 v16, v28;
	v18 =	vadd.f32 v18, v23;
	v24 =	vbroadcast v25, $0x0  }
0x498: {  	v21 =	vadd.f32 v21, v26;
	v20 =	vadd.f32 v20, v22;
	v22 =	vadd.s32 v2, v17  }
0x499: {  	v18 =	vadd.f32 v18, v19;
	v27 =	vadd.s32 v5, v17  }
0x49a: {  	[tilespmem:s16+$0xFFFFFFDE] =	vst v16;
	v19 =	vadd.s32 v8, v24;
	v16 =	vadd.f32 v20, v21  }
0x49b: {  	v26 =	vadd.s32 v15, v24;
	[tilespmem:s16+$0xFFFFFFEF] =	vst v18  }
0x49c: {  	v31 =	vadd.s32 v12, v24;
	[tilespmem:s16+$0x0] =	vst v16  }
0x49d: {  	v21 =	vadd.s32 v15, v17;
	v16 =	vld.idx.msk [tilespmem:v22+s26+$0x0], $0xffff  }
0x49e: {  	v23 =	vadd.s32 v5, v24;
	v27 =	vld.idx.msk [tilespmem:v27+s26+$0x0], $0xffff  }
0x49f: {  	v25 =	vadd.s32 v2, v24;
	v20 =	vld.idx.msk [tilespmem:v19+s26+$0x0], $0xffff  }
0x4a0: {  	v61 =	vadd.s32 v6, v24;
	v22 =	vld.idx.msk [tilespmem:v26+s26+$0x0], $0xffff  }
0x4a1: {  	v19 =	vadd.s32 v13, v24;
	v36 =	vld.idx.msk [tilespmem:v31+s26+$0x0], $0xffff  }
0x4a2: {  	v28 =	vadd.s32 v7, v17;
	v18 =	vld.idx.msk [tilespmem:v21+s26+$0x0], $0xffff  }
0x4a3: {  	v29 =	vadd.s32 v0, v24;
	v21 =	vld.idx.msk [tilespmem:v23+s26+$0x0], $0xffff  }
0x4a4: {  	v23 =	vld.idx.msk [tilespmem:v25+s26+$0x0], $0xffff;
	v25 =	vadd.s32 v4, v17  }
0x4a5: {  	v62 =	vadd.s32 v7, v24;
	v32 =	vld.idx.msk [tilespmem:v61+s26+$0x0], $0xffff  }
0x4a6: {  	v26 =	vadd.s32 v11, v24;
	v30 =	vld.idx.msk [tilespmem:v19+s26+$0x0], $0xffff  }
0x4a7: {  	v34 =	vadd.s32 v10, v24;
	v19 =	vld.idx.msk [tilespmem:v28+s26+$0x0], $0xffff  }
0x4a8: {  	v35 =	vadd.s32 v4, v24;
	v28 =	vld.idx.msk [tilespmem:v29+s26+$0x0], $0xffff  }
0x4a9: {  	v29 =	vld.idx.msk [tilespmem:v25+s26+$0x0], $0xffff;
	v25 =	vadd.s32 v1, v24  }
0x4aa: {  	v38 =	vadd.s32 v3, v24;
	v33 =	vld.idx.msk [tilespmem:v62+s26+$0x0], $0xffff  }
0x4ab: {  	v41 =	vld.idx.msk [tilespmem:v26+s26+$0x0], $0xffff;
	v26 =	vadd.s32 v9, v24  }
0x4ac: {  	v63 =	vadd.s32 v14, v24;
	v43 =	vld.idx.msk [tilespmem:v34+s26+$0x0], $0xffff  }
0x4ad: {  	v44 =	vadd.s32 v3, v17;
	v35 =	vld.idx.msk [tilespmem:v35+s26+$0x0], $0xffff  }
0x4ae: {  	v31 =	vld.idx.msk [tilespmem:v25+s26+$0x0], $0xffff;
	v25 =	vadd.s32 v1, v17  }
0x4af: {  	v42 =	vadd.s32 v0, v17;
	v38 =	vld.idx.msk [tilespmem:v38+s26+$0x0], $0xffff  }
0x4b0: {  	v39 =	vadd.s32 v8, v17;
	v40 =	vadd.s32 v11, v17;
	v37 =	vld.idx.msk [tilespmem:v26+s26+$0x0], $0xffff  }
0x4b1: {  	v34 =	vadd.f32 v32, v33;
	v33 =	vadd.s32 v14, v17;
	v24 =	vadd.f32 v30, v36;
	v36 =	vld.idx.msk [tilespmem:v63+s26+$0x0], $0xffff  }
0x4b2: {  	s15 =	simm.s32 $0x0;
	s0 =	simm.s32 $0x390;
	s16 =	simm.s32 $0x30;
	v26 =	vadd.s32 v9, v17;
	v32 =	vadd.f32 v41, v43;
	v30 =	vld.idx.msk [tilespmem:v44+s26+$0x0], $0xffff;
	v41 =	vadd.s32 v10, v17  }
.LBB2_16:
0x4b3: {  	s19 =	sadd.s32 $0xFFFFFFF0, s16;
	v43 =	vmov s16;
	s15 =	sadd.s32 $0x2, s15;
	v44 =	vld.idx.msk [tilespmem:v25+s26+$0x0], $0xffff;
	v45 =	vadd.s32 v6, v17;
	v46 =	vadd.s32 v13, v17;
	s1 =	sadd.s32 $0x20, s1  }
0x4b4: {  	v47 =	vadd.s32 v12, v17;
	v25 =	vmov s19;
	v43 =	vmul.u32 $0x11, v43;
	p0 =	slt.u32 s15, $0x6;
	v42 =	vld.idx.msk [tilespmem:v42+s26+$0x0], $0xffff  }
0x4b5: {  	v20 =	vadd.f32 v37, v20;
	v29 =	vadd.f32 v27, v29;
	v25 =	vmul.u32 $0x11, v25;
	v37 =	vld.idx.msk [tilespmem:v39+s26+$0x0], $0xffff  }
0x4b6: {  	v21 =	vadd.f32 v21, v35;
	v23 =	vadd.f32 v38, v23;
	v17 =	vbroadcast v43, $0x0;
	v27 =	vld.idx.msk [tilespmem:v40+s26+$0x0], $0xffff  }
0x4b7: {  	v28 =	vadd.f32 v31, v28;
	v31 =	vadd.f32 v22, v36;
	v35 =	vbroadcast v25, $0x0;
	v22 =	vld.idx.msk [tilespmem:v41+s26+$0x0], $0xffff  }
0x4b8: {  	v34 =	vadd.f32 v34, v21;
	v25 =	vadd.s32 v1, v17;
	v36 =	vadd.s32 v2, v17;
	v38 =	vld.idx.msk [tilespmem:v26+s26+$0x0], $0xffff  }
0x4b9: {  	v26 =	vadd.s32 v15, v17;
	v39 =	vadd.s32 v0, v35;
	v21 =	vadd.s32 v8, v35;
	v40 =	vld.idx.msk [tilespmem:v47+s26+$0x0], $0xffff  }
0x4ba: {  	v32 =	vadd.f32 v32, v20;
	v41 =	vadd.s32 v1, v35;
	v43 =	vadd.s32 v4, v35;
	v46 =	vld.idx.msk [tilespmem:v46+s26+$0x0], $0xffff  }
0x4bb: {  	v28 =	vadd.f32 v23, v28;
	v47 =	vadd.s32 v2, v35;
	v48 =	vadd.s32 v5, v35;
	v45 =	vld.idx.msk [tilespmem:v45+s26+$0x0], $0xffff  }
0x4bc: {  	v30 =	vadd.f32 v30, v16;
	v49 =	vadd.s32 v3, v35;
	v50 =	vadd.s32 v10, v35;
	v33 =	vld.idx.msk [tilespmem:v33+s26+$0x0], $0xffff  }
0x4bd: {  	v51 =	vadd.s32 v7, v35;
	v52 =	vadd.s32 v9, v35;
	v53 =	vadd.s32 v15, v35;
	v16 =	vld.idx.msk [tilespmem:v36+s26+$0x0], $0xffff  }
0x4be: {  	v54 =	vadd.s32 v11, v35;
	v55 =	vadd.s32 v13, v35;
	v36 =	vadd.s32 v6, v35;
	v20 =	vld.idx.msk [tilespmem:v21+s26+$0x0], $0xffff  }
0x4bf: {  	v56 =	vadd.s32 v4, v17;
	v57 =	vadd.s32 v5, v17;
	v42 =	vadd.f32 v44, v42;
	v58 =	vld.idx.msk [tilespmem:v26+s26+$0x0], $0xffff  }
0x4c0: {  	v44 =	vadd.s32 v12, v35;
	v59 =	vadd.f32 v27, v22;
	v21 =	vld.idx.msk [tilespmem:v48+s26+$0x0], $0xffff;
	v48 =	vadd.s32 v7, v17  }
0x4c1: {  	v30 =	vadd.f32 v30, v42;
	v26 =	vadd.s32 v9, v17;
	v45 =	vadd.f32 v45, v19;
	v23 =	vld.idx.msk [tilespmem:v47+s26+$0x0], $0xffff  }
0x4c2: {  	v19 =	vadd.f32 v31, v24;
	v42 =	vadd.f32 v18, v33;
	v22 =	vld.idx.msk [tilespmem:v53+s26+$0x0], $0xffff  }
0x4c3: {  	v31 =	vadd.f32 v34, v28;
	v28 =	vadd.f32 v46, v40;
	v24 =	vld.idx.msk [tilespmem:v55+s26+$0x0], $0xffff  }
0x4c4: {  	v33 =	vadd.f32 v38, v37;
	v32 =	vadd.f32 v19, v32;
	v27 =	vld.idx.msk [tilespmem:v57+s26+$0x0], $0xffff  }
0x4c5: {  	v34 =	vadd.f32 v45, v29;
	v37 =	vadd.f32 v42, v28;
	v18 =	vmov v58;
	v19 =	vld.idx.msk [tilespmem:v48+s26+$0x0], $0xffff  }
0x4c6: {  	v31 =	vadd.f32 v32, v31;
	v32 =	vadd.f32 v59, v33;
	v28 =	vld.idx.msk [tilespmem:v39+s26+$0x0], $0xffff  }
0x4c7: {  	v30 =	vadd.f32 v34, v30;
	v29 =	vld.idx.msk [tilespmem:v56+s26+$0x0], $0xffff  }
0x4c8: {  	v33 =	vld.idx.msk [tilespmem:v54+s26+$0x0], $0xffff;
	[tilespmem:s0+$0xFFFFFFF0] =	vst v31;
	v31 =	vadd.f32 v37, v32  }
0x4c9: {  	v32 =	vld.idx.msk [tilespmem:v44+s26+$0x0], $0xffff  }
0x4ca: {  	v34 =	vld.idx.msk [tilespmem:v36+s26+$0x0], $0xffff;
	v30 =	vadd.f32 v31, v30  }
0x4cb: {  	v40 =	vld.idx.msk [tilespmem:v51+s26+$0x0], $0xffff  }
0x4cc: {  	v36 =	vadd.s32 v14, v35;
	v44 =	vld.idx.msk [tilespmem:v50+s26+$0x0], $0xffff;
	[tilespmem:s0+$0x0] =	vst v30;
	s0 =	smov.u32 s1  }
0x4cd: {  	v30 =	vadd.s32 v3, v17;
	v31 =	vld.idx.msk [tilespmem:v41+s26+$0x0], $0xffff  }
.Ltmp7:
0x4ce: {  	v37 =	vld.idx.msk [tilespmem:v52+s26+$0x0], $0xffff;
	(pc) =	sbr.rel @p0 .LBB2_16-.Ltmp7, $4  }
0x4cf: {  	v42 =	vadd.s32 v0, v17;
	v24 =	vadd.f32 v24, v32;
	v35 =	vld.idx.msk [tilespmem:v43+s26+$0x0], $0xffff  }
0x4d0: {  	v39 =	vadd.s32 v8, v17;
	v38 =	vld.idx.msk [tilespmem:v49+s26+$0x0], $0xffff  }
0x4d1: {  	v34 =	vadd.f32 v34, v40;
	v40 =	vadd.s32 v11, v17;
	v36 =	vld.idx.msk [tilespmem:v36+s26+$0x0], $0xffff  }
0x4d2: {  	s16 =	sadd.s32 $0x20, s16;
	v41 =	vadd.s32 v10, v17;
	v32 =	vadd.f32 v33, v44;
	v33 =	vadd.s32 v14, v17;
	v30 =	vld.idx.msk [tilespmem:v30+s26+$0x0], $0xffff  }
0x4d3: {  	_ =	sdelay $0x3  }
0x4d4: {  	v1 =	vld.idx.msk [tilespmem:v25+s26+$0x0], $0xffff  }
0x4d5: {  	v2 =	vld.idx.msk [tilespmem:v42+s26+$0x0], $0xffff  }
0x4d6: {  	v3 =	vadd.s32 v12, v17;
	v5 =	vld.idx.msk [tilespmem:v39+s26+$0x0], $0xffff  }
0x4d7: {  	v4 =	vadd.s32 v6, v17;
	v55 =	vld.idx.msk [tilespmem:v40+s26+$0x0], $0xffff  }
0x4d8: {  	v7 =	vadd.s32 v13, v17;
	v8 =	vld.idx.msk [tilespmem:v41+s26+$0x0], $0xffff  }
0x4d9: {  	v9 =	vld.idx.msk [tilespmem:v26+s26+$0x0], $0xffff  }
0x4da: {  	v10 =	vadd.f32 v37, v20;
	v15 =	vld.idx.msk [tilespmem:v33+s26+$0x0], $0xffff  }
0x4db: {  	v11 =	vadd.f32 v27, v29;
	v14 =	vadd.f32 v31, v28;
	v3 =	vld.idx.msk [tilespmem:v3+s26+$0x0], $0xffff  }
0x4dc: {  	v56 =	vadd.f32 v21, v35;
	v57 =	vadd.f32 v38, v23;
	v4 =	vld.idx.msk [tilespmem:v4+s26+$0x0], $0xffff  }
0x4dd: {  	v10 =	vadd.f32 v32, v10;
	v58 =	vadd.f32 v22, v36;
	v7 =	vld.idx.msk [tilespmem:v7+s26+$0x0], $0xffff  }
0x4de: {  	v12 =	vadd.f32 v34, v56;
	v13 =	vadd.f32 v57, v14  }
0x4df: {  	v59 =	vadd.f32 v30, v16;
	v1 =	vadd.f32 v1, v2  }
0x4e0: {  	v2 =	vadd.f32 v55, v8;
	v60 =	vadd.f32 v18, v15  }
0x4e1: {  	v5 =	vadd.f32 v9, v5;
	v61 =	vadd.f32 v58, v24  }
0x4e2: {  	v4 =	vadd.f32 v4, v19;
	v3 =	vadd.f32 v7, v3  }
0x4e3: {  	v1 =	vadd.f32 v59, v1;
	v2 =	vadd.f32 v2, v5  }
0x4e4: {  	v4 =	vadd.f32 v4, v11;
	v3 =	vadd.f32 v60, v3  }
0x4e5: {  	v62 =	vadd.f32 v12, v13;
	v63 =	vadd.f32 v61, v10  }
0x4e6: {  	v1 =	vadd.f32 v4, v1;
	v2 =	vadd.f32 v3, v2  }
0x4e7: {  	v3 =	vadd.f32 v63, v62  }
0x4e8: {  	s28 =	sadd.s32 $0x1, s28;
	v1 =	vadd.f32 v2, v1  }
0x4e9: {  	p0 =	sne.s32 s28, s14;
	[tilespmem:s0+$0xFFFFFFF0] =	vst v3  }
.Ltmp8:
0x4ea: {  	s21 =	simm.s32 $0x200;
	[tilespmem:s0+$0x0] =	vst v1;
	(pc) =	sbr.rel @p0 .LBB2_1-.Ltmp8, $4  }
0x4eb: {  	[hbm4b:s13+s3] =	stream.linear.scatter [tilespmem:s21], [sflag:$0x7], $0x200, $0x38;
	[tilespmem:$0x18C80] =	vst v63  }
0x4ec: {  	_ =	swait.ge [sflag:s17], $0x200  }
0x4ed: {  	[sflag:s17] =	ssyncset.done $0x0  }
0x4ee: {  	[sflag:s17] =	ssyncadd.s32 $0xFFFFFE00  }
0x4ef: {  	_ =	sfence.sel $0x180000  }
0x4f0: {  	[bflag:$0x0] =	sbarrier.arrive $0xFFFF  }
0x4f1: {  	_ =	strace $0x90000047  }
0x4f2: {  	s0 =	stileid.u32;
	[bflag:$0x2] =	sbarrier.arrive $0xFFFF  }
0x4f3: {  	p0 =	sne.s32 s0, $0x0;
	s0 =	rddreg [dreg:$0x5]  }
0x4f4: {  	s0 =	sadd.s32 @!p0 $0x100000, s0  }
0x4f5: {  	[sflag:s0] =	ssyncadd.tile.s32 @!p0 $0x1;
	_ =	shalt  }
.Lfunc_end2:
_tile_overlayer_lowered:
.L_overlay_start_2:
0x4f6: {  	(tag) =	ssettag $0x2  }
0x4f7: {  	s0 =	rddreg [dreg:$0x0];
	s2 =	stileid.u32  }
0x4f8: {  	s1 =	rddreg [dreg:$0x1];
	p0 =	sne.s32 s2, $0x0  }
0x4f9: {  	s3 =	rddreg [dreg:$0x2];
	[bflag:$0x3] =	sbarrier.arrive $0xFFFF;
	s2 =	simm.s32 @!p0 $0x1C07  }
0x4fa: {  	[timem:s3], [sflag:s2] =	dma.local @!p0 [hbm:s0], s1  }
0x4fb: {  	s0 =	simm.s32 @!p0 $0x7  }
0x4fc: {  	_ =	swait.ge @!p0 [sflag:s0], s1  }
0x4fd: {  	s1 =	ssub.s32 @!p0 $0x0, s1;
	[sflag:s0] =	ssyncset.done @!p0 $0x0  }
0x4fe: {  	[sflag:s0] =	ssyncadd.s32 @!p0 s1  }
0x4ff: {  	[bflag:$0x3] =	sbarrier.arrive $0xFFFF  }
0x500: {  	_ =	shalt  }

</sc_bundles>
